<compile_context>
chip_gen: v7x
topology: tpu7x:2x2x1
jax: 0.10.2.dev20260603
libtpu: 0.0.44.dev20260713+nightly
codegen_flags: <defaults>
</compile_context>

<pallas_src>
import functools

import jax
import jax.numpy as jnp
from jax import lax
from jax.experimental import pallas as pl
from jax.experimental.pallas import tpu as pltpu
from jax.experimental.pallas import tpu_sc as plsc

N = 10000
E = 160000
NT = 16
NC = 2
LN = 128
NP = 10240
NB = 5
RB = NP // NB


def _make_deg_kernel():
  mesh = plsc.VectorSubcoreMesh(core_axis_name="c", subcore_axis_name="s")
  stripe = NP // NT

  @functools.partial(
      pl.kernel,
      out_type=jax.ShapeDtypeStruct((NC, NP, LN), jnp.float32),
      mesh=mesh,
      scratch_types=[
          pltpu.VMEM_SHARED((NP, LN), jnp.float32),
          pltpu.VMEM((_DEG_CH, _DEG_K), jnp.int32),
          pltpu.VMEM((_DEG_K, LN), jnp.float32),
          pltpu.VMEM((40, LN), jnp.float32),
      ],
  )
  def deg_kernel(dst_hbm, ones_hbm, zeros_hbm, out_hbm, cnt, dst_v, ones_v,
                 zeros_v):
    c = lax.axis_index("c")
    s = lax.axis_index("s")
    pltpu.sync_copy(ones_hbm, ones_v)
    pltpu.sync_copy(zeros_hbm, zeros_v)
    for i in range(stripe // 40):
      pltpu.sync_copy(zeros_v, cnt.at[pl.ds(s * stripe + i * 40, 40)])
    pltpu.sync_copy(dst_hbm.at[s, c], dst_v)
    plsc.subcore_barrier()

    def body(j, carry):
      pltpu.sync_copy(ones_v, cnt.at[dst_v.at[j]], add=True)
      return carry

    lax.fori_loop(0, _DEG_CH, body, 0)
    plsc.subcore_barrier()
    pltpu.sync_copy(cnt.at[pl.ds(s * stripe, stripe)],
                    out_hbm.at[c, pl.ds(s * stripe, stripe)])

  return deg_kernel


EPT = E // NT
_AGG_K = 80
_AGG_CH = EPT // _AGG_K
_DEG_K = 100
_DEG_CH = EPT // NC // _DEG_K


def _make_agg_kernel(G):
  mesh = plsc.VectorSubcoreMesh(core_axis_name="c", subcore_axis_name="s")
  stripe = NP // NT
  rounds = G // NC

  @functools.partial(
      pl.kernel,
      out_type=jax.ShapeDtypeStruct((G * NP, LN), jnp.float32),
      mesh=mesh,
      scratch_types=[
          pltpu.VMEM_SHARED((NP, LN), jnp.float32),
          pltpu.VMEM((EPT,), jnp.int32),
          pltpu.VMEM((_AGG_CH, _AGG_K), jnp.int32),
          pltpu.VMEM((2, _AGG_K, LN), jnp.float32),
          pltpu.SemaphoreType.DMA,
          pltpu.SemaphoreType.DMA,
      ],
  )
  def agg_kernel(h2_hbm, src_hbm, dst_hbm, out_hbm, acc, src_v, dst_v, rows_v,
                 sem_a, sem_b):
    c = lax.axis_index("c")
    s = lax.axis_index("s")
    sems = (sem_a, sem_b)
    pltpu.sync_copy(dst_hbm.at[s], dst_v)

    def fire(slot, j):
      pltpu.async_copy(h2_hbm.at[src_v.at[pl.ds(j * _AGG_K, _AGG_K)]],
                       rows_v.at[slot], sems[slot])

    def drain(slot, j):
      pltpu.make_async_copy(h2_hbm.at[src_v.at[pl.ds(j * _AGG_K, _AGG_K)]],
                            rows_v.at[slot], sems[slot]).wait()
      pltpu.sync_copy(rows_v.at[slot], acc.at[dst_v.at[j]], add=True)

    for r in range(rounds):
      g = r * NC + c
      base = g * NP
      pltpu.sync_copy(h2_hbm.at[pl.ds(base + s * stripe, stripe)],
                      acc.at[pl.ds(s * stripe, stripe)])
      pltpu.sync_copy(src_hbm.at[g, s], src_v)
      plsc.subcore_barrier()

      fire(0, 0)
      fire(1, 1)

      def body(jj, carry):
        j = jj * 2
        drain(0, j)
        fire(0, j + 2)
        drain(1, j + 1)
        fire(1, j + 3)
        return carry

      lax.fori_loop(0, _AGG_CH // 2 - 1, body, 0)
      drain(0, _AGG_CH - 3)
      fire(0, _AGG_CH - 1)
      drain(1, _AGG_CH - 2)
      drain(0, _AGG_CH - 1)
      plsc.subcore_barrier()
      pltpu.sync_copy(acc.at[pl.ds(s * stripe, stripe)],
                      out_hbm.at[pl.ds(base + s * stripe, stripe)])

  return agg_kernel


def _h2_body(x_ref, w_ref, deg_ref, out_ref, dv_ref):
  p = deg_ref[...]
  d = p[0, :, 0:1] + p[1, :, 0:1] + 1.0
  dv = jnp.broadcast_to(lax.rsqrt(d), (RB, LN))
  out_ref[...] = jnp.dot(
      x_ref[...], w_ref[...], preferred_element_type=jnp.float32
  ) * dv
  dv_ref[...] = dv


def _h2(x, W, deg_parts, G):
  d_in = x.shape[1]
  return pl.pallas_call(
      _h2_body,
      grid=(NB, G),
      in_specs=[
          pl.BlockSpec((RB, d_in), lambda i, g: (i, 0)),
          pl.BlockSpec((d_in, LN), lambda i, g: (0, g)),
          pl.BlockSpec((2, RB, LN), lambda i, g: (0, i, 0)),
      ],
      out_specs=[
          pl.BlockSpec((RB, LN), lambda i, g: (g * NB + i, 0)),
          pl.BlockSpec((RB, LN), lambda i, g: (i, 0)),
      ],
      out_shape=[
          jax.ShapeDtypeStruct((G * NP, LN), jnp.float32),
          jax.ShapeDtypeStruct((NP, LN), jnp.float32),
      ],
  )(x, W, deg_parts)


def _stats_body(acc_ref, dv_ref, sum_ref, sq_ref):
  i = pl.program_id(1)
  z = acc_ref[...] * dv_ref[...]
  s = jnp.sum(z, axis=0, keepdims=True)[None]
  q = jnp.sum(z * z, axis=0, keepdims=True)[None]

  @pl.when(i == 0)
  def _():
    sum_ref[...] = jnp.zeros_like(sum_ref)
    sq_ref[...] = jnp.zeros_like(sq_ref)

  sum_ref[...] += s
  sq_ref[...] += q


def _stats(acc, dinv, G):
  return pl.pallas_call(
      _stats_body,
      grid=(G, NB),
      in_specs=[
          pl.BlockSpec((RB, LN), lambda g, i: (g * NB + i, 0)),
          pl.BlockSpec((RB, LN), lambda g, i: (i, 0)),
      ],
      out_specs=[
          pl.BlockSpec((1, 1, LN), lambda g, i: (g, 0, 0)),
          pl.BlockSpec((1, 1, LN), lambda g, i: (g, 0, 0)),
      ],
      out_shape=[
          jax.ShapeDtypeStruct((G, 1, LN), jnp.float32),
          jax.ShapeDtypeStruct((G, 1, LN), jnp.float32),
      ],
  )(acc, dinv)


_EPS = 1e-5


def _bn_relu(acc_ref, dv_ref, sum_ref, sq_ref, gam_ref, bet_ref, row_block):
  z = acc_ref[...] * dv_ref[...]
  mean = sum_ref[0, 0, :] * (1.0 / N)
  var = sq_ref[0, 0, :] * (1.0 / N) - mean * mean
  r = (z - mean) * (gam_ref[0, 0, :] * lax.rsqrt(var + _EPS)) + bet_ref[0, 0, :]
  r = jnp.maximum(r, 0.0)
  rows = lax.broadcasted_iota(jnp.int32, (RB, 1), 0) + row_block * RB
  return jnp.where(rows < N, r, 0.0)


def _layer2_body(acc_ref, dv_ref, sum_ref, sq_ref, gam_ref, bet_ref,
                 w_ref, out_ref, *, g_in):
  g1 = pl.program_id(2)
  r = _bn_relu(acc_ref, dv_ref, sum_ref, sq_ref, gam_ref, bet_ref,
               pl.program_id(1))
  contrib = jnp.dot(r, w_ref[...], preferred_element_type=jnp.float32)

  @pl.when(g1 == 0)
  def _():
    out_ref[...] = contrib

  @pl.when(jnp.logical_and(g1 > 0, g1 < g_in - 1))
  def _():
    out_ref[...] += contrib

  @pl.when(g1 == g_in - 1)
  def _():
    out_ref[...] = (out_ref[...] + contrib) * dv_ref[...]


def _layer2(acc, dinv, sums, sq, gamma, beta, W, g_in, g_out):
  return pl.pallas_call(
      functools.partial(_layer2_body, g_in=g_in),
      grid=(g_out, NB, g_in),
      in_specs=[
          pl.BlockSpec((RB, LN), lambda g2, i, g1: (g1 * NB + i, 0)),
          pl.BlockSpec((RB, LN), lambda g2, i, g1: (i, 0)),
          pl.BlockSpec((1, 1, LN), lambda g2, i, g1: (g1, 0, 0)),
          pl.BlockSpec((1, 1, LN), lambda g2, i, g1: (g1, 0, 0)),
          pl.BlockSpec((1, 1, LN), lambda g2, i, g1: (g1, 0, 0)),
          pl.BlockSpec((1, 1, LN), lambda g2, i, g1: (g1, 0, 0)),
          pl.BlockSpec((LN, LN), lambda g2, i, g1: (g1, g2)),
      ],
      out_specs=pl.BlockSpec((RB, LN), lambda g2, i, g1: (g2 * NB + i, 0)),
      out_shape=jax.ShapeDtypeStruct((g_out * NP, LN), jnp.float32),
  )(acc, dinv, sums, sq, gamma, beta, W)


def _head_body(acc_ref, dv_ref, sum_ref, sq_ref, gam_ref, bet_ref,
               w_ref, fcb_ref, out_ref, *, g_in):
  g2 = pl.program_id(1)
  r = _bn_relu(acc_ref, dv_ref, sum_ref, sq_ref, gam_ref, bet_ref,
               pl.program_id(0))
  w = w_ref[0, :, 0]
  contrib = jnp.sum(r * w[None, :], axis=1, keepdims=True)

  @pl.when(g2 == 0)
  def _():
    out_ref[...] = contrib

  @pl.when(jnp.logical_and(g2 > 0, g2 < g_in - 1))
  def _():
    out_ref[...] += contrib

  @pl.when(g2 == g_in - 1)
  def _():
    out_ref[...] = out_ref[...] + contrib + fcb_ref[0, 0]


def _head(acc, dinv, sums, sq, gamma, beta, fcW, fcb, g_in):
  return pl.pallas_call(
      functools.partial(_head_body, g_in=g_in),
      grid=(NB, g_in),
      in_specs=[
          pl.BlockSpec((RB, LN), lambda i, g2: (g2 * NB + i, 0)),
          pl.BlockSpec((RB, LN), lambda i, g2: (i, 0)),
          pl.BlockSpec((1, 1, LN), lambda i, g2: (g2, 0, 0)),
          pl.BlockSpec((1, 1, LN), lambda i, g2: (g2, 0, 0)),
          pl.BlockSpec((1, 1, LN), lambda i, g2: (g2, 0, 0)),
          pl.BlockSpec((1, 1, LN), lambda i, g2: (g2, 0, 0)),
          pl.BlockSpec((1, LN, 1), lambda i, g2: (g2, 0, 0)),
          pl.BlockSpec((1, 1), lambda i, g2: (0, 0)),
      ],
      out_specs=pl.BlockSpec((RB, 1), lambda i, g2: (i, 0)),
      out_shape=jax.ShapeDtypeStruct((NP, 1), jnp.float32),
  )(acc, dinv, sums, sq, gamma, beta, fcW, fcb)


_deg_call = _make_deg_kernel()
_agg4_call = _make_agg_kernel(4)
_agg2_call = _make_agg_kernel(2)


def kernel(x, edge_index, W1, b1, gamma1, beta1, W2, b2, gamma2, beta2, fcW,
           fcb):
  src = edge_index[0]
  dst = edge_index[1]

  dst_agg = dst.reshape(NT, _AGG_CH, _AGG_K)
  dst_deg = dst.reshape(NT, NC, _DEG_CH, _DEG_K)
  ones_rows = jnp.ones((_DEG_K, LN), jnp.float32)
  zeros_rows = jnp.zeros((40, LN), jnp.float32)
  deg_parts = _deg_call(dst_deg, ones_rows, zeros_rows)

  goff4 = (jnp.arange(4, dtype=jnp.int32) * NP)[:, None]
  src4 = (src[None, :] + goff4).reshape(4, NT, EPT)
  src2 = (src[None, :] + goff4[:2]).reshape(2, NT, EPT)

  x_pad = jnp.pad(x, ((0, NP - N), (0, 0)))
  h2, dinv = _h2(x_pad, W1, deg_parts, 4)
  agg1 = _agg4_call(h2, src4, dst_agg)

  s1, q1 = _stats(agg1, dinv, 4)
  h2b = _layer2(agg1, dinv, s1, q1, gamma1.reshape(4, 1, LN),
                beta1.reshape(4, 1, LN), W2, 4, 2)

  agg2 = _agg2_call(h2b, src2, dst_agg)

  s2, q2 = _stats(agg2, dinv, 2)
  out = _head(agg2, dinv, s2, q2, gamma2.reshape(2, 1, LN),
              beta2.reshape(2, 1, LN), fcW.reshape(2, LN, 1),
              fcb.reshape(1, 1), 2)
  return out[:N]

# --- scband reference (transcript-rebuilt; emitter-appended) ---
"""Pipeline reference for scband-vuln-prioritizer-69947837383118 (READ-ONLY COPY).

The authoritative reference and input builder live on the scoring server;
editing this copy changes nothing except your own understanding.
"""

import jax, jax.numpy as jnp
import numpy as np

N = 10000
E = 160000
D_IN = 256
H1 = 512
H2 = 256
D_OUT = 1


def setup_inputs(seed: int = 0) -> dict:
    key = jax.random.key(seed)
    ks = jax.random.split(key, 12)
    x = jax.random.normal(ks[0], (N, D_IN), dtype=jnp.float32)
    edge_index = jax.random.randint(ks[1], (2, E), 0, N, dtype=jnp.int32)
    W1 = jax.random.normal(ks[2], (D_IN, H1), dtype=jnp.float32) * 0.05
    b1 = jnp.zeros((H1,), dtype=jnp.float32)
    gamma1 = jnp.ones((H1,), dtype=jnp.float32)
    beta1 = jnp.zeros((H1,), dtype=jnp.float32)
    W2 = jax.random.normal(ks[3], (H1, H2), dtype=jnp.float32) * 0.05
    b2 = jnp.zeros((H2,), dtype=jnp.float32)
    gamma2 = jnp.ones((H2,), dtype=jnp.float32)
    beta2 = jnp.zeros((H2,), dtype=jnp.float32)
    fcW = jax.random.normal(ks[4], (H2, D_OUT), dtype=jnp.float32) * 0.05
    fcb = jnp.zeros((D_OUT,), dtype=jnp.float32)
    return {"x": x, "edge_index": edge_index, "W1": W1, "b1": b1, "gamma1": gamma1, "beta1": beta1, "W2": W2, "b2": b2, "gamma2": gamma2, "beta2": beta2, "fcW": fcW, "fcb": fcb}


def gcn_layer(x, edge_index, W, b):
    # GCNConv: add self-loops, symmetric normalization, aggregate at dst
    n = x.shape[0]
    loop = jnp.arange(n, dtype=edge_index.dtype)
    src = jnp.concatenate([edge_index[0], loop])
    dst = jnp.concatenate([edge_index[1], loop])
    deg = jnp.zeros((n,), dtype=jnp.float32).at[dst].add(1.0)
    deg_inv_sqrt = 1.0 / jnp.sqrt(deg)
    norm = deg_inv_sqrt[src] * deg_inv_sqrt[dst]
    h = x @ W
    msg = h[src] * norm[:, None]
    out = jnp.zeros((n, W.shape[1]), dtype=h.dtype).at[dst].add(msg)
    return out + b


def batch_norm(x, gamma, beta, eps=1e-5):
    mean = jnp.mean(x, axis=0)
    var = jnp.var(x, axis=0)
    return (x - mean) / jnp.sqrt(var + eps) * gamma + beta


def reference(x, edge_index, W1, b1, gamma1, beta1, W2, b2, gamma2, beta2, fcW, fcb):
    h = gcn_layer(x, edge_index, W1, b1)
    h = jax.nn.relu(batch_norm(h, gamma1, beta1))
    h = gcn_layer(h, edge_index, W2, b2)
    h = jax.nn.relu(batch_norm(h, gamma2, beta2))
    return h @ fcW + fcb

if __name__ == "__main__":
    import jax
    _d = setup_inputs()
    print(jax.jit(kernel)(*tuple(_d.values())))

</pallas_src>

<mosaic_0001>
#map = affine_map<(d0, d1) -> (0, 0)>
#map1 = affine_map<(d0, d1) -> (0, 0, 0)>
module attributes {stable_mosaic.version = 14 : i64} {
  func.func @agg_kernel(%arg0: i32, %arg1: i32, %arg2: memref<40960x128xf32, #tpu.memory_space<hbm>>, %arg3: memref<4x16x10000xi32, #tpu.memory_space<hbm>>, %arg4: memref<16x125x80xi32, #tpu.memory_space<hbm>>, %arg5: memref<40960x128xf32, #tpu.memory_space<hbm>>, %arg6: memref<10240x128xf32, #tpu.memory_space<vmem_shared>>, %arg7: memref<10000xi32, #tpu.memory_space<vmem>>, %arg8: memref<125x80xi32, #tpu.memory_space<vmem>>, %arg9: memref<2x80x128xf32, #tpu.memory_space<vmem>>, %arg10: memref<!tpu.dma_semaphore, #tpu.memory_space<semaphore_mem>>, %arg11: memref<!tpu.dma_semaphore, #tpu.memory_space<semaphore_mem>>) attributes {dimension_semantics = [#tpu.dimension_semantics<core_parallel>, #tpu.dimension_semantics<subcore_parallel>], iteration_bounds = array<i64: 2, 16>, scalar_prefetch = 0 : i64, scratch_operands = 6 : i64, tpu.core_type = #tpu.core_type<sc_vector_subcore>, window_params = [{transform_indices = #map}, {transform_indices = #map1}, {transform_indices = #map1}, {transform_indices = #map}]} {
    "tpu.region"() ({
      %run_scoped3A_169 = tpu.sem_alloc : memref<!tpu.dma_semaphore, #tpu.memory_space<semaphore_mem>>
      %dma_start3A_170 = arith.constant 0 : i32
      %dma_start3A_171 = arith.constant 0 : i32
      %dma_start3A_172 = tpu.memref_slice %arg4[%arg1, %dma_start3A_170, %dma_start3A_171] : memref<16x125x80xi32, #tpu.memory_space<hbm>> -> memref<1x125x80xi32, #tpu.memory_space<hbm>>
      %dma_start3A_173 = tpu.memref_squeeze %dma_start3A_172 : memref<1x125x80xi32, #tpu.memory_space<hbm>> -> memref<125x80xi32, #tpu.memory_space<hbm>>
      %dma_start3A_174 = arith.constant 0 : i32
      %dma_start3A_175 = arith.constant 0 : i32
      %dma_start3A_176 = tpu.memref_slice %arg4[%arg1, %dma_start3A_174, %dma_start3A_175] : memref<16x125x80xi32, #tpu.memory_space<hbm>> -> memref<1x125x80xi32, #tpu.memory_space<hbm>>
      %dma_start3A_177 = tpu.memref_squeeze %dma_start3A_176 : memref<1x125x80xi32, #tpu.memory_space<hbm>> -> memref<125x80xi32, #tpu.memory_space<hbm>>
      tpu.enqueue_dma source(%dma_start3A_177 : memref<125x80xi32, #tpu.memory_space<hbm>>) target(%arg8 : memref<125x80xi32, #tpu.memory_space<vmem>>) target_semaphore(%run_scoped3A_169 : memref<!tpu.dma_semaphore, #tpu.memory_space<semaphore_mem>>)
      %dma_wait3A_178 = arith.constant 0 : i32
      %dma_wait3A_179 = arith.constant 0 : i32
      %dma_wait3A_180 = tpu.memref_slice %arg4[%arg1, %dma_wait3A_178, %dma_wait3A_179] : memref<16x125x80xi32, #tpu.memory_space<hbm>> -> memref<1x125x80xi32, #tpu.memory_space<hbm>>
      %dma_wait3A_181 = tpu.memref_squeeze %dma_wait3A_180 : memref<1x125x80xi32, #tpu.memory_space<hbm>> -> memref<125x80xi32, #tpu.memory_space<hbm>>
      %dma_wait3A_182 = arith.constant 0 : i32
      %dma_wait3A_183 = arith.constant 0 : i32
      %dma_wait3A_184 = tpu.memref_slice %arg4[%arg1, %dma_wait3A_182, %dma_wait3A_183] : memref<16x125x80xi32, #tpu.memory_space<hbm>> -> memref<1x125x80xi32, #tpu.memory_space<hbm>>
      %dma_wait3A_185 = tpu.memref_squeeze %dma_wait3A_184 : memref<1x125x80xi32, #tpu.memory_space<hbm>> -> memref<125x80xi32, #tpu.memory_space<hbm>>
      tpu.wait_dma2 semaphore(%run_scoped3A_169 : memref<!tpu.dma_semaphore, #tpu.memory_space<semaphore_mem>>) src(%dma_wait3A_185 : memref<125x80xi32, #tpu.memory_space<hbm>>) dst(%arg8 : memref<125x80xi32, #tpu.memory_space<vmem>>)
      tpu.yield
    }) : () -> ()
    %add3A = arith.constant 0 : i32
    %add3A_0 = arith.addi %add3A, %arg0 : i32
    %mul3A = arith.constant 10240 : i32
    %mul3A_1 = arith.muli %add3A_0, %mul3A : i32
    %mul3A_2 = arith.constant 640 : i32
    %mul3A_3 = arith.muli %arg1, %mul3A_2 : i32
    %add3A_4 = arith.addi %mul3A_1, %mul3A_3 : i32
    %mul3A_5 = arith.constant 640 : i32
    %mul3A_6 = arith.muli %arg1, %mul3A_5 : i32
    "tpu.region"() ({
      %run_scoped3A_169 = tpu.sem_alloc : memref<!tpu.dma_semaphore, #tpu.memory_space<semaphore_mem>>
      %dma_start3A_170 = arith.constant 0 : i32
      %dma_start3A_171 = tpu.memref_slice %arg6[%mul3A_6, %dma_start3A_170] : memref<10240x128xf32, #tpu.memory_space<vmem_shared>> -> memref<640x128xf32, #tpu.memory_space<vmem_shared>>
      %dma_start3A_172 = arith.constant 0 : i32
      %dma_start3A_173 = tpu.memref_slice %arg2[%add3A_4, %dma_start3A_172] : memref<40960x128xf32, #tpu.memory_space<hbm>> -> memref<640x128xf32, #tpu.memory_space<hbm>>
      tpu.enqueue_dma source(%dma_start3A_173 : memref<640x128xf32, #tpu.memory_space<hbm>>) target(%dma_start3A_171 : memref<640x128xf32, #tpu.memory_space<vmem_shared>>) target_semaphore(%run_scoped3A_169 : memref<!tpu.dma_semaphore, #tpu.memory_space<semaphore_mem>>)
      %dma_wait3A_174 = arith.constant 0 : i32
      %dma_wait3A_175 = tpu.memref_slice %arg6[%mul3A_6, %dma_wait3A_174] : memref<10240x128xf32, #tpu.memory_space<vmem_shared>> -> memref<640x128xf32, #tpu.memory_space<vmem_shared>>
      %dma_wait3A_176 = arith.constant 0 : i32
      %dma_wait3A_177 = tpu.memref_slice %arg2[%add3A_4, %dma_wait3A_176] : memref<40960x128xf32, #tpu.memory_space<hbm>> -> memref<640x128xf32, #tpu.memory_space<hbm>>
      tpu.wait_dma2 semaphore(%run_scoped3A_169 : memref<!tpu.dma_semaphore, #tpu.memory_space<semaphore_mem>>) src(%dma_wait3A_177 : memref<640x128xf32, #tpu.memory_space<hbm>>) dst(%dma_wait3A_175 : memref<640x128xf32, #tpu.memory_space<vmem_shared>>)
      tpu.yield
    }) : () -> ()
    "tpu.region"() ({
      %run_scoped3A_169 = tpu.sem_alloc : memref<!tpu.dma_semaphore, #tpu.memory_space<semaphore_mem>>
      %dma_start3A_170 = arith.constant 0 : i32
      %dma_start3A_171 = tpu.memref_slice %arg3[%add3A_0, %arg1, %dma_start3A_170] : memref<4x16x10000xi32, #tpu.memory_space<hbm>> -> memref<1x1x10000xi32, #tpu.memory_space<hbm>>
      %dma_start3A_172 = tpu.memref_squeeze %dma_start3A_171 : memref<1x1x10000xi32, #tpu.memory_space<hbm>> -> memref<10000xi32, #tpu.memory_space<hbm>>
      %dma_start3A_173 = arith.constant 0 : i32
      %dma_start3A_174 = tpu.memref_slice %arg3[%add3A_0, %arg1, %dma_start3A_173] : memref<4x16x10000xi32, #tpu.memory_space<hbm>> -> memref<1x1x10000xi32, #tpu.memory_space<hbm>>
      %dma_start3A_175 = tpu.memref_squeeze %dma_start3A_174 : memref<1x1x10000xi32, #tpu.memory_space<hbm>> -> memref<10000xi32, #tpu.memory_space<hbm>>
      tpu.enqueue_dma source(%dma_start3A_175 : memref<10000xi32, #tpu.memory_space<hbm>>) target(%arg7 : memref<10000xi32, #tpu.memory_space<vmem>>) target_semaphore(%run_scoped3A_169 : memref<!tpu.dma_semaphore, #tpu.memory_space<semaphore_mem>>)
      %dma_wait3A_176 = arith.constant 0 : i32
      %dma_wait3A_177 = tpu.memref_slice %arg3[%add3A_0, %arg1, %dma_wait3A_176] : memref<4x16x10000xi32, #tpu.memory_space<hbm>> -> memref<1x1x10000xi32, #tpu.memory_space<hbm>>
      %dma_wait3A_178 = tpu.memref_squeeze %dma_wait3A_177 : memref<1x1x10000xi32, #tpu.memory_space<hbm>> -> memref<10000xi32, #tpu.memory_space<hbm>>
      %dma_wait3A_179 = arith.constant 0 : i32
      %dma_wait3A_180 = tpu.memref_slice %arg3[%add3A_0, %arg1, %dma_wait3A_179] : memref<4x16x10000xi32, #tpu.memory_space<hbm>> -> memref<1x1x10000xi32, #tpu.memory_space<hbm>>
      %dma_wait3A_181 = tpu.memref_squeeze %dma_wait3A_180 : memref<1x1x10000xi32, #tpu.memory_space<hbm>> -> memref<10000xi32, #tpu.memory_space<hbm>>
      tpu.wait_dma2 semaphore(%run_scoped3A_169 : memref<!tpu.dma_semaphore, #tpu.memory_space<semaphore_mem>>) src(%dma_wait3A_181 : memref<10000xi32, #tpu.memory_space<hbm>>) dst(%arg7 : memref<10000xi32, #tpu.memory_space<vmem>>)
      tpu.yield
    }) : () -> ()
    %barrier3A = arith.constant 0 : index
    tpu.barrier barrier_id(%barrier3A)
    %dma_start3A = arith.constant 0 : i32
    %dma_start3A_7 = arith.constant 0 : i32
    %dma_start3A_8 = arith.constant 0 : i32
    %dma_start3A_9 = tpu.memref_slice %arg9[%dma_start3A, %dma_start3A_7, %dma_start3A_8] : memref<2x80x128xf32, #tpu.memory_space<vmem>> -> memref<1x80x128xf32, #tpu.memory_space<vmem>>
    %dma_start3A_10 = tpu.memref_squeeze %dma_start3A_9 : memref<1x80x128xf32, #tpu.memory_space<vmem>> -> memref<80x128xf32, #tpu.memory_space<vmem>>
    %dma_start3A_11 = arith.constant 0 : i32
    %dma_start3A_12 = tpu.memref_slice %arg7[%dma_start3A_11] : memref<10000xi32, #tpu.memory_space<vmem>> -> memref<80xi32, #tpu.memory_space<vmem>>
    %dma_start3A_13 = arith.constant 0 : i32
    %dma_start3A_14 = arith.constant 0 : i32
    %dma_start3A_15 = tpu.memref_slice %arg2[%dma_start3A_13, %dma_start3A_14] : memref<40960x128xf32, #tpu.memory_space<hbm>> -> memref<40960x128xf32, #tpu.memory_space<hbm>>
    tpu.enqueue_indirect_dma source(%dma_start3A_15 : memref<40960x128xf32, #tpu.memory_space<hbm>>) target(%dma_start3A_10 : memref<80x128xf32, #tpu.memory_space<vmem>>) offsets(%dma_start3A_12 : memref<80xi32, #tpu.memory_space<vmem>>) semaphore(%arg10 : memref<!tpu.dma_semaphore, #tpu.memory_space<semaphore_mem>>)
    %dma_start3A_16 = arith.constant 1 : i32
    %dma_start3A_17 = arith.constant 0 : i32
    %dma_start3A_18 = arith.constant 0 : i32
    %dma_start3A_19 = tpu.memref_slice %arg9[%dma_start3A_16, %dma_start3A_17, %dma_start3A_18] : memref<2x80x128xf32, #tpu.memory_space<vmem>> -> memref<1x80x128xf32, #tpu.memory_space<vmem>>
    %dma_start3A_20 = tpu.memref_squeeze %dma_start3A_19 : memref<1x80x128xf32, #tpu.memory_space<vmem>> -> memref<80x128xf32, #tpu.memory_space<vmem>>
    %dma_start3A_21 = arith.constant 80 : i32
    %dma_start3A_22 = tpu.memref_slice %arg7[%dma_start3A_21] : memref<10000xi32, #tpu.memory_space<vmem>> -> memref<80xi32, #tpu.memory_space<vmem>>
    %dma_start3A_23 = arith.constant 0 : i32
    %dma_start3A_24 = arith.constant 0 : i32
    %dma_start3A_25 = tpu.memref_slice %arg2[%dma_start3A_23, %dma_start3A_24] : memref<40960x128xf32, #tpu.memory_space<hbm>> -> memref<40960x128xf32, #tpu.memory_space<hbm>>
    tpu.enqueue_indirect_dma source(%dma_start3A_25 : memref<40960x128xf32, #tpu.memory_space<hbm>>) target(%dma_start3A_20 : memref<80x128xf32, #tpu.memory_space<vmem>>) offsets(%dma_start3A_22 : memref<80xi32, #tpu.memory_space<vmem>>) semaphore(%arg11 : memref<!tpu.dma_semaphore, #tpu.memory_space<semaphore_mem>>)
    %scan3A = arith.constant 0 : i32
    %scan3A_26 = arith.constant 0 : i32
    %scan3A_27 = arith.constant 61 : i32
    %scan3A_28 = arith.addi %scan3A_26, %scan3A_27 : i32
    %scan3A_29 = arith.constant 1 : i32
    scf.for %scan3A_169 = %scan3A_26 to %scan3A_28 step %scan3A_29  : i32 {
      %mul3A_170 = arith.constant 2 : i32
      %mul3A_171 = arith.muli %scan3A_169, %mul3A_170 : i32
      %mul3A_172 = arith.constant 80 : i32
      %mul3A_173 = arith.muli %mul3A_171, %mul3A_172 : i32
      %dma_wait3A_174 = arith.constant 0 : i32
      %dma_wait3A_175 = arith.constant 0 : i32
      %dma_wait3A_176 = arith.constant 0 : i32
      %dma_wait3A_177 = tpu.memref_slice %arg9[%dma_wait3A_174, %dma_wait3A_175, %dma_wait3A_176] : memref<2x80x128xf32, #tpu.memory_space<vmem>> -> memref<1x80x128xf32, #tpu.memory_space<vmem>>
      %dma_wait3A_178 = tpu.memref_squeeze %dma_wait3A_177 : memref<1x80x128xf32, #tpu.memory_space<vmem>> -> memref<80x128xf32, #tpu.memory_space<vmem>>
      %dma_wait3A_179 = tpu.memref_slice %arg7[%mul3A_173] : memref<10000xi32, #tpu.memory_space<vmem>> -> memref<80xi32, #tpu.memory_space<vmem>>
      %dma_wait3A_180 = arith.constant 0 : i32
      %dma_wait3A_181 = arith.constant 0 : i32
      %dma_wait3A_182 = tpu.memref_slice %arg2[%dma_wait3A_180, %dma_wait3A_181] : memref<40960x128xf32, #tpu.memory_space<hbm>> -> memref<40960x128xf32, #tpu.memory_space<hbm>>
      tpu.wait_indirect_dma semaphore(%arg10 : memref<!tpu.dma_semaphore, #tpu.memory_space<semaphore_mem>>) src(%dma_wait3A_182 : memref<40960x128xf32, #tpu.memory_space<hbm>>) dst(%dma_wait3A_178 : memref<80x128xf32, #tpu.memory_space<vmem>>)
      %run_scoped3A_183 = arith.constant 0 : i32
      "tpu.region"() ({
        %run_scoped3A_224 = tpu.sem_alloc : memref<!tpu.dma_semaphore, #tpu.memory_space<semaphore_mem>>
        %dma_start3A_225 = arith.constant 0 : i32
        %dma_start3A_226 = arith.constant 0 : i32
        %dma_start3A_227 = tpu.memref_slice %arg9[%run_scoped3A_183, %dma_start3A_225, %dma_start3A_226] : memref<2x80x128xf32, #tpu.memory_space<vmem>> -> memref<1x80x128xf32, #tpu.memory_space<vmem>>
        %dma_start3A_228 = tpu.memref_squeeze %dma_start3A_227 : memref<1x80x128xf32, #tpu.memory_space<vmem>> -> memref<80x128xf32, #tpu.memory_space<vmem>>
        %dma_start3A_229 = arith.constant 0 : i32
        %dma_start3A_230 = tpu.memref_slice %arg8[%mul3A_171, %dma_start3A_229] : memref<125x80xi32, #tpu.memory_space<vmem>> -> memref<1x80xi32, #tpu.memory_space<vmem>>
        %dma_start3A_231 = tpu.memref_squeeze %dma_start3A_230 : memref<1x80xi32, #tpu.memory_space<vmem>> -> memref<80xi32, #tpu.memory_space<vmem>>
        %dma_start3A_232 = arith.constant 0 : i32
        %dma_start3A_233 = arith.constant 0 : i32
        %dma_start3A_234 = tpu.memref_slice %arg6[%dma_start3A_232, %dma_start3A_233] : memref<10240x128xf32, #tpu.memory_space<vmem_shared>> -> memref<10240x128xf32, #tpu.memory_space<vmem_shared>>
        tpu.enqueue_indirect_dma source(%dma_start3A_228 : memref<80x128xf32, #tpu.memory_space<vmem>>) target(%dma_start3A_234 : memref<10240x128xf32, #tpu.memory_space<vmem_shared>>) offsets(%dma_start3A_231 : memref<80xi32, #tpu.memory_space<vmem>>) semaphore(%run_scoped3A_224 : memref<!tpu.dma_semaphore, #tpu.memory_space<semaphore_mem>>) {add = true}
        %dma_wait3A_235 = arith.constant 0 : i32
        %dma_wait3A_236 = arith.constant 0 : i32
        %dma_wait3A_237 = tpu.memref_slice %arg9[%run_scoped3A_183, %dma_wait3A_235, %dma_wait3A_236] : memref<2x80x128xf32, #tpu.memory_space<vmem>> -> memref<1x80x128xf32, #tpu.memory_space<vmem>>
        %dma_wait3A_238 = tpu.memref_squeeze %dma_wait3A_237 : memref<1x80x128xf32, #tpu.memory_space<vmem>> -> memref<80x128xf32, #tpu.memory_space<vmem>>
        %dma_wait3A_239 = arith.constant 0 : i32
        %dma_wait3A_240 = tpu.memref_slice %arg8[%mul3A_171, %dma_wait3A_239] : memref<125x80xi32, #tpu.memory_space<vmem>> -> memref<1x80xi32, #tpu.memory_space<vmem>>
        %dma_wait3A_241 = tpu.memref_squeeze %dma_wait3A_240 : memref<1x80xi32, #tpu.memory_space<vmem>> -> memref<80xi32, #tpu.memory_space<vmem>>
        %dma_wait3A_242 = arith.constant 0 : i32
        %dma_wait3A_243 = arith.constant 0 : i32
        %dma_wait3A_244 = tpu.memref_slice %arg6[%dma_wait3A_242, %dma_wait3A_243] : memref<10240x128xf32, #tpu.memory_space<vmem_shared>> -> memref<10240x128xf32, #tpu.memory_space<vmem_shared>>
        tpu.wait_indirect_dma semaphore(%run_scoped3A_224 : memref<!tpu.dma_semaphore, #tpu.memory_space<semaphore_mem>>) src(%dma_wait3A_238 : memref<80x128xf32, #tpu.memory_space<vmem>>) dst(%dma_wait3A_244 : memref<10240x128xf32, #tpu.memory_space<vmem_shared>>)
        tpu.yield
      }) : () -> ()
      %add3A_184 = arith.constant 2 : i32
      %add3A_185 = arith.addi %mul3A_171, %add3A_184 : i32
      %mul3A_186 = arith.constant 80 : i32
      %mul3A_187 = arith.muli %add3A_185, %mul3A_186 : i32
      %dma_start3A_188 = arith.constant 0 : i32
      %dma_start3A_189 = arith.constant 0 : i32
      %dma_start3A_190 = arith.constant 0 : i32
      %dma_start3A_191 = tpu.memref_slice %arg9[%dma_start3A_188, %dma_start3A_189, %dma_start3A_190] : memref<2x80x128xf32, #tpu.memory_space<vmem>> -> memref<1x80x128xf32, #tpu.memory_space<vmem>>
      %dma_start3A_192 = tpu.memref_squeeze %dma_start3A_191 : memref<1x80x128xf32, #tpu.memory_space<vmem>> -> memref<80x128xf32, #tpu.memory_space<vmem>>
      %dma_start3A_193 = tpu.memref_slice %arg7[%mul3A_187] : memref<10000xi32, #tpu.memory_space<vmem>> -> memref<80xi32, #tpu.memory_space<vmem>>
      %dma_start3A_194 = arith.constant 0 : i32
      %dma_start3A_195 = arith.constant 0 : i32
      %dma_start3A_196 = tpu.memref_slice %arg2[%dma_start3A_194, %dma_start3A_195] : memref<40960x128xf32, #tpu.memory_space<hbm>> -> memref<40960x128xf32, #tpu.memory_space<hbm>>
      tpu.enqueue_indirect_dma source(%dma_start3A_196 : memref<40960x128xf32, #tpu.memory_space<hbm>>) target(%dma_start3A_192 : memref<80x128xf32, #tpu.memory_space<vmem>>) offsets(%dma_start3A_193 : memref<80xi32, #tpu.memory_space<vmem>>) semaphore(%arg10 : memref<!tpu.dma_semaphore, #tpu.memory_space<semaphore_mem>>)
      %add3A_197 = arith.constant 1 : i32
      %add3A_198 = arith.addi %mul3A_171, %add3A_197 : i32
      %mul3A_199 = arith.constant 80 : i32
      %mul3A_200 = arith.muli %add3A_198, %mul3A_199 : i32
      %dma_wait3A_201 = arith.constant 1 : i32
      %dma_wait3A_202 = arith.constant 0 : i32
      %dma_wait3A_203 = arith.constant 0 : i32
      %dma_wait3A_204 = tpu.memref_slice %arg9[%dma_wait3A_201, %dma_wait3A_202, %dma_wait3A_203] : memref<2x80x128xf32, #tpu.memory_space<vmem>> -> memref<1x80x128xf32, #tpu.memory_space<vmem>>
      %dma_wait3A_205 = tpu.memref_squeeze %dma_wait3A_204 : memref<1x80x128xf32, #tpu.memory_space<vmem>> -> memref<80x128xf32, #tpu.memory_space<vmem>>
      %dma_wait3A_206 = tpu.memref_slice %arg7[%mul3A_200] : memref<10000xi32, #tpu.memory_space<vmem>> -> memref<80xi32, #tpu.memory_space<vmem>>
      %dma_wait3A_207 = arith.constant 0 : i32
      %dma_wait3A_208 = arith.constant 0 : i32
      %dma_wait3A_209 = tpu.memref_slice %arg2[%dma_wait3A_207, %dma_wait3A_208] : memref<40960x128xf32, #tpu.memory_space<hbm>> -> memref<40960x128xf32, #tpu.memory_space<hbm>>
      tpu.wait_indirect_dma semaphore(%arg11 : memref<!tpu.dma_semaphore, #tpu.memory_space<semaphore_mem>>) src(%dma_wait3A_209 : memref<40960x128xf32, #tpu.memory_space<hbm>>) dst(%dma_wait3A_205 : memref<80x128xf32, #tpu.memory_space<vmem>>)
      %run_scoped3A_210 = arith.constant 1 : i32
      "tpu.region"() ({
        %run_scoped3A_224 = tpu.sem_alloc : memref<!tpu.dma_semaphore, #tpu.memory_space<semaphore_mem>>
        %dma_start3A_225 = arith.constant 0 : i32
        %dma_start3A_226 = arith.constant 0 : i32
        %dma_start3A_227 = tpu.memref_slice %arg9[%run_scoped3A_210, %dma_start3A_225, %dma_start3A_226] : memref<2x80x128xf32, #tpu.memory_space<vmem>> -> memref<1x80x128xf32, #tpu.memory_space<vmem>>
        %dma_start3A_228 = tpu.memref_squeeze %dma_start3A_227 : memref<1x80x128xf32, #tpu.memory_space<vmem>> -> memref<80x128xf32, #tpu.memory_space<vmem>>
        %dma_start3A_229 = arith.constant 0 : i32
        %dma_start3A_230 = tpu.memref_slice %arg8[%add3A_198, %dma_start3A_229] : memref<125x80xi32, #tpu.memory_space<vmem>> -> memref<1x80xi32, #tpu.memory_space<vmem>>
        %dma_start3A_231 = tpu.memref_squeeze %dma_start3A_230 : memref<1x80xi32, #tpu.memory_space<vmem>> -> memref<80xi32, #tpu.memory_space<vmem>>
        %dma_start3A_232 = arith.constant 0 : i32
        %dma_start3A_233 = arith.constant 0 : i32
        %dma_start3A_234 = tpu.memref_slice %arg6[%dma_start3A_232, %dma_start3A_233] : memref<10240x128xf32, #tpu.memory_space<vmem_shared>> -> memref<10240x128xf32, #tpu.memory_space<vmem_shared>>
        tpu.enqueue_indirect_dma source(%dma_start3A_228 : memref<80x128xf32, #tpu.memory_space<vmem>>) target(%dma_start3A_234 : memref<10240x128xf32, #tpu.memory_space<vmem_shared>>) offsets(%dma_start3A_231 : memref<80xi32, #tpu.memory_space<vmem>>) semaphore(%run_scoped3A_224 : memref<!tpu.dma_semaphore, #tpu.memory_space<semaphore_mem>>) {add = true}
        %dma_wait3A_235 = arith.constant 0 : i32
        %dma_wait3A_236 = arith.constant 0 : i32
        %dma_wait3A_237 = tpu.memref_slice %arg9[%run_scoped3A_210, %dma_wait3A_235, %dma_wait3A_236] : memref<2x80x128xf32, #tpu.memory_space<vmem>> -> memref<1x80x128xf32, #tpu.memory_space<vmem>>
        %dma_wait3A_238 = tpu.memref_squeeze %dma_wait3A_237 : memref<1x80x128xf32, #tpu.memory_space<vmem>> -> memref<80x128xf32, #tpu.memory_space<vmem>>
        %dma_wait3A_239 = arith.constant 0 : i32
        %dma_wait3A_240 = tpu.memref_slice %arg8[%add3A_198, %dma_wait3A_239] : memref<125x80xi32, #tpu.memory_space<vmem>> -> memref<1x80xi32, #tpu.memory_space<vmem>>
        %dma_wait3A_241 = tpu.memref_squeeze %dma_wait3A_240 : memref<1x80xi32, #tpu.memory_space<vmem>> -> memref<80xi32, #tpu.memory_space<vmem>>
        %dma_wait3A_242 = arith.constant 0 : i32
        %dma_wait3A_243 = arith.constant 0 : i32
        %dma_wait3A_244 = tpu.memref_slice %arg6[%dma_wait3A_242, %dma_wait3A_243] : memref<10240x128xf32, #tpu.memory_space<vmem_shared>> -> memref<10240x128xf32, #tpu.memory_space<vmem_shared>>
        tpu.wait_indirect_dma semaphore(%run_scoped3A_224 : memref<!tpu.dma_semaphore, #tpu.memory_space<semaphore_mem>>) src(%dma_wait3A_238 : memref<80x128xf32, #tpu.memory_space<vmem>>) dst(%dma_wait3A_244 : memref<10240x128xf32, #tpu.memory_space<vmem_shared>>)
        tpu.yield
      }) : () -> ()
      %add3A_211 = arith.constant 3 : i32
      %add3A_212 = arith.addi %mul3A_171, %add3A_211 : i32
      %mul3A_213 = arith.constant 80 : i32
      %mul3A_214 = arith.muli %add3A_212, %mul3A_213 : i32
      %dma_start3A_215 = arith.constant 1 : i32
      %dma_start3A_216 = arith.constant 0 : i32
      %dma_start3A_217 = arith.constant 0 : i32
      %dma_start3A_218 = tpu.memref_slice %arg9[%dma_start3A_215, %dma_start3A_216, %dma_start3A_217] : memref<2x80x128xf32, #tpu.memory_space<vmem>> -> memref<1x80x128xf32, #tpu.memory_space<vmem>>
      %dma_start3A_219 = tpu.memref_squeeze %dma_start3A_218 : memref<1x80x128xf32, #tpu.memory_space<vmem>> -> memref<80x128xf32, #tpu.memory_space<vmem>>
      %dma_start3A_220 = tpu.memref_slice %arg7[%mul3A_214] : memref<10000xi32, #tpu.memory_space<vmem>> -> memref<80xi32, #tpu.memory_space<vmem>>
      %dma_start3A_221 = arith.constant 0 : i32
      %dma_start3A_222 = arith.constant 0 : i32
      %dma_start3A_223 = tpu.memref_slice %arg2[%dma_start3A_221, %dma_start3A_222] : memref<40960x128xf32, #tpu.memory_space<hbm>> -> memref<40960x128xf32, #tpu.memory_space<hbm>>
      tpu.enqueue_indirect_dma source(%dma_start3A_223 : memref<40960x128xf32, #tpu.memory_space<hbm>>) target(%dma_start3A_219 : memref<80x128xf32, #tpu.memory_space<vmem>>) offsets(%dma_start3A_220 : memref<80xi32, #tpu.memory_space<vmem>>) semaphore(%arg11 : memref<!tpu.dma_semaphore, #tpu.memory_space<semaphore_mem>>)
    }
    %scan3A_30 = arith.constant 61 : i32
    %dma_wait3A = arith.constant 0 : i32
    %dma_wait3A_31 = arith.constant 0 : i32
    %dma_wait3A_32 = arith.constant 0 : i32
    %dma_wait3A_33 = tpu.memref_slice %arg9[%dma_wait3A, %dma_wait3A_31, %dma_wait3A_32] : memref<2x80x128xf32, #tpu.memory_space<vmem>> -> memref<1x80x128xf32, #tpu.memory_space<vmem>>
    %dma_wait3A_34 = tpu.memref_squeeze %dma_wait3A_33 : memref<1x80x128xf32, #tpu.memory_space<vmem>> -> memref<80x128xf32, #tpu.memory_space<vmem>>
    %dma_wait3A_35 = arith.constant 9760 : i32
    %dma_wait3A_36 = tpu.memref_slice %arg7[%dma_wait3A_35] : memref<10000xi32, #tpu.memory_space<vmem>> -> memref<80xi32, #tpu.memory_space<vmem>>
    %dma_wait3A_37 = arith.constant 0 : i32
    %dma_wait3A_38 = arith.constant 0 : i32
    %dma_wait3A_39 = tpu.memref_slice %arg2[%dma_wait3A_37, %dma_wait3A_38] : memref<40960x128xf32, #tpu.memory_space<hbm>> -> memref<40960x128xf32, #tpu.memory_space<hbm>>
    tpu.wait_indirect_dma semaphore(%arg10 : memref<!tpu.dma_semaphore, #tpu.memory_space<semaphore_mem>>) src(%dma_wait3A_39 : memref<40960x128xf32, #tpu.memory_space<hbm>>) dst(%dma_wait3A_34 : memref<80x128xf32, #tpu.memory_space<vmem>>)
    %run_scoped3A = arith.constant 0 : i32
    %run_scoped3A_40 = arith.constant 122 : i32
    "tpu.region"() ({
      %run_scoped3A_169 = tpu.sem_alloc : memref<!tpu.dma_semaphore, #tpu.memory_space<semaphore_mem>>
      %dma_start3A_170 = arith.constant 0 : i32
      %dma_start3A_171 = arith.constant 0 : i32
      %dma_start3A_172 = tpu.memref_slice %arg9[%run_scoped3A, %dma_start3A_170, %dma_start3A_171] : memref<2x80x128xf32, #tpu.memory_space<vmem>> -> memref<1x80x128xf32, #tpu.memory_space<vmem>>
      %dma_start3A_173 = tpu.memref_squeeze %dma_start3A_172 : memref<1x80x128xf32, #tpu.memory_space<vmem>> -> memref<80x128xf32, #tpu.memory_space<vmem>>
      %dma_start3A_174 = arith.constant 0 : i32
      %dma_start3A_175 = tpu.memref_slice %arg8[%run_scoped3A_40, %dma_start3A_174] : memref<125x80xi32, #tpu.memory_space<vmem>> -> memref<1x80xi32, #tpu.memory_space<vmem>>
      %dma_start3A_176 = tpu.memref_squeeze %dma_start3A_175 : memref<1x80xi32, #tpu.memory_space<vmem>> -> memref<80xi32, #tpu.memory_space<vmem>>
      %dma_start3A_177 = arith.constant 0 : i32
      %dma_start3A_178 = arith.constant 0 : i32
      %dma_start3A_179 = tpu.memref_slice %arg6[%dma_start3A_177, %dma_start3A_178] : memref<10240x128xf32, #tpu.memory_space<vmem_shared>> -> memref<10240x128xf32, #tpu.memory_space<vmem_shared>>
      tpu.enqueue_indirect_dma source(%dma_start3A_173 : memref<80x128xf32, #tpu.memory_space<vmem>>) target(%dma_start3A_179 : memref<10240x128xf32, #tpu.memory_space<vmem_shared>>) offsets(%dma_start3A_176 : memref<80xi32, #tpu.memory_space<vmem>>) semaphore(%run_scoped3A_169 : memref<!tpu.dma_semaphore, #tpu.memory_space<semaphore_mem>>) {add = true}
      %dma_wait3A_180 = arith.constant 0 : i32
      %dma_wait3A_181 = arith.constant 0 : i32
      %dma_wait3A_182 = tpu.memref_slice %arg9[%run_scoped3A, %dma_wait3A_180, %dma_wait3A_181] : memref<2x80x128xf32, #tpu.memory_space<vmem>> -> memref<1x80x128xf32, #tpu.memory_space<vmem>>
      %dma_wait3A_183 = tpu.memref_squeeze %dma_wait3A_182 : memref<1x80x128xf32, #tpu.memory_space<vmem>> -> memref<80x128xf32, #tpu.memory_space<vmem>>
      %dma_wait3A_184 = arith.constant 0 : i32
      %dma_wait3A_185 = tpu.memref_slice %arg8[%run_scoped3A_40, %dma_wait3A_184] : memref<125x80xi32, #tpu.memory_space<vmem>> -> memref<1x80xi32, #tpu.memory_space<vmem>>
      %dma_wait3A_186 = tpu.memref_squeeze %dma_wait3A_185 : memref<1x80xi32, #tpu.memory_space<vmem>> -> memref<80xi32, #tpu.memory_space<vmem>>
      %dma_wait3A_187 = arith.constant 0 : i32
      %dma_wait3A_188 = arith.constant 0 : i32
      %dma_wait3A_189 = tpu.memref_slice %arg6[%dma_wait3A_187, %dma_wait3A_188] : memref<10240x128xf32, #tpu.memory_space<vmem_shared>> -> memref<10240x128xf32, #tpu.memory_space<vmem_shared>>
      tpu.wait_indirect_dma semaphore(%run_scoped3A_169 : memref<!tpu.dma_semaphore, #tpu.memory_space<semaphore_mem>>) src(%dma_wait3A_183 : memref<80x128xf32, #tpu.memory_space<vmem>>) dst(%dma_wait3A_189 : memref<10240x128xf32, #tpu.memory_space<vmem_shared>>)
      tpu.yield
    }) : () -> ()
    %dma_start3A_41 = arith.constant 0 : i32
    %dma_start3A_42 = arith.constant 0 : i32
    %dma_start3A_43 = arith.constant 0 : i32
    %dma_start3A_44 = tpu.memref_slice %arg9[%dma_start3A_41, %dma_start3A_42, %dma_start3A_43] : memref<2x80x128xf32, #tpu.memory_space<vmem>> -> memref<1x80x128xf32, #tpu.memory_space<vmem>>
    %dma_start3A_45 = tpu.memref_squeeze %dma_start3A_44 : memref<1x80x128xf32, #tpu.memory_space<vmem>> -> memref<80x128xf32, #tpu.memory_space<vmem>>
    %dma_start3A_46 = arith.constant 9920 : i32
    %dma_start3A_47 = tpu.memref_slice %arg7[%dma_start3A_46] : memref<10000xi32, #tpu.memory_space<vmem>> -> memref<80xi32, #tpu.memory_space<vmem>>
    %dma_start3A_48 = arith.constant 0 : i32
    %dma_start3A_49 = arith.constant 0 : i32
    %dma_start3A_50 = tpu.memref_slice %arg2[%dma_start3A_48, %dma_start3A_49] : memref<40960x128xf32, #tpu.memory_space<hbm>> -> memref<40960x128xf32, #tpu.memory_space<hbm>>
    tpu.enqueue_indirect_dma source(%dma_start3A_50 : memref<40960x128xf32, #tpu.memory_space<hbm>>) target(%dma_start3A_45 : memref<80x128xf32, #tpu.memory_space<vmem>>) offsets(%dma_start3A_47 : memref<80xi32, #tpu.memory_space<vmem>>) semaphore(%arg10 : memref<!tpu.dma_semaphore, #tpu.memory_space<semaphore_mem>>)
    %dma_wait3A_51 = arith.constant 1 : i32
    %dma_wait3A_52 = arith.constant 0 : i32
    %dma_wait3A_53 = arith.constant 0 : i32
    %dma_wait3A_54 = tpu.memref_slice %arg9[%dma_wait3A_51, %dma_wait3A_52, %dma_wait3A_53] : memref<2x80x128xf32, #tpu.memory_space<vmem>> -> memref<1x80x128xf32, #tpu.memory_space<vmem>>
    %dma_wait3A_55 = tpu.memref_squeeze %dma_wait3A_54 : memref<1x80x128xf32, #tpu.memory_space<vmem>> -> memref<80x128xf32, #tpu.memory_space<vmem>>
    %dma_wait3A_56 = arith.constant 9840 : i32
    %dma_wait3A_57 = tpu.memref_slice %arg7[%dma_wait3A_56] : memref<10000xi32, #tpu.memory_space<vmem>> -> memref<80xi32, #tpu.memory_space<vmem>>
    %dma_wait3A_58 = arith.constant 0 : i32
    %dma_wait3A_59 = arith.constant 0 : i32
    %dma_wait3A_60 = tpu.memref_slice %arg2[%dma_wait3A_58, %dma_wait3A_59] : memref<40960x128xf32, #tpu.memory_space<hbm>> -> memref<40960x128xf32, #tpu.memory_space<hbm>>
    tpu.wait_indirect_dma semaphore(%arg11 : memref<!tpu.dma_semaphore, #tpu.memory_space<semaphore_mem>>) src(%dma_wait3A_60 : memref<40960x128xf32, #tpu.memory_space<hbm>>) dst(%dma_wait3A_55 : memref<80x128xf32, #tpu.memory_space<vmem>>)
    %run_scoped3A_61 = arith.constant 1 : i32
    %run_scoped3A_62 = arith.constant 123 : i32
    "tpu.region"() ({
      %run_scoped3A_169 = tpu.sem_alloc : memref<!tpu.dma_semaphore, #tpu.memory_space<semaphore_mem>>
      %dma_start3A_170 = arith.constant 0 : i32
      %dma_start3A_171 = arith.constant 0 : i32
      %dma_start3A_172 = tpu.memref_slice %arg9[%run_scoped3A_61, %dma_start3A_170, %dma_start3A_171] : memref<2x80x128xf32, #tpu.memory_space<vmem>> -> memref<1x80x128xf32, #tpu.memory_space<vmem>>
      %dma_start3A_173 = tpu.memref_squeeze %dma_start3A_172 : memref<1x80x128xf32, #tpu.memory_space<vmem>> -> memref<80x128xf32, #tpu.memory_space<vmem>>
      %dma_start3A_174 = arith.constant 0 : i32
      %dma_start3A_175 = tpu.memref_slice %arg8[%run_scoped3A_62, %dma_start3A_174] : memref<125x80xi32, #tpu.memory_space<vmem>> -> memref<1x80xi32, #tpu.memory_space<vmem>>
      %dma_start3A_176 = tpu.memref_squeeze %dma_start3A_175 : memref<1x80xi32, #tpu.memory_space<vmem>> -> memref<80xi32, #tpu.memory_space<vmem>>
      %dma_start3A_177 = arith.constant 0 : i32
      %dma_start3A_178 = arith.constant 0 : i32
      %dma_start3A_179 = tpu.memref_slice %arg6[%dma_start3A_177, %dma_start3A_178] : memref<10240x128xf32, #tpu.memory_space<vmem_shared>> -> memref<10240x128xf32, #tpu.memory_space<vmem_shared>>
      tpu.enqueue_indirect_dma source(%dma_start3A_173 : memref<80x128xf32, #tpu.memory_space<vmem>>) target(%dma_start3A_179 : memref<10240x128xf32, #tpu.memory_space<vmem_shared>>) offsets(%dma_start3A_176 : memref<80xi32, #tpu.memory_space<vmem>>) semaphore(%run_scoped3A_169 : memref<!tpu.dma_semaphore, #tpu.memory_space<semaphore_mem>>) {add = true}
      %dma_wait3A_180 = arith.constant 0 : i32
      %dma_wait3A_181 = arith.constant 0 : i32
      %dma_wait3A_182 = tpu.memref_slice %arg9[%run_scoped3A_61, %dma_wait3A_180, %dma_wait3A_181] : memref<2x80x128xf32, #tpu.memory_space<vmem>> -> memref<1x80x128xf32, #tpu.memory_space<vmem>>
      %dma_wait3A_183 = tpu.memref_squeeze %dma_wait3A_182 : memref<1x80x128xf32, #tpu.memory_space<vmem>> -> memref<80x128xf32, #tpu.memory_space<vmem>>
      %dma_wait3A_184 = arith.constant 0 : i32
      %dma_wait3A_185 = tpu.memref_slice %arg8[%run_scoped3A_62, %dma_wait3A_184] : memref<125x80xi32, #tpu.memory_space<vmem>> -> memref<1x80xi32, #tpu.memory_space<vmem>>
      %dma_wait3A_186 = tpu.memref_squeeze %dma_wait3A_185 : memref<1x80xi32, #tpu.memory_space<vmem>> -> memref<80xi32, #tpu.memory_space<vmem>>
      %dma_wait3A_187 = arith.constant 0 : i32
      %dma_wait3A_188 = arith.constant 0 : i32
      %dma_wait3A_189 = tpu.memref_slice %arg6[%dma_wait3A_187, %dma_wait3A_188] : memref<10240x128xf32, #tpu.memory_space<vmem_shared>> -> memref<10240x128xf32, #tpu.memory_space<vmem_shared>>
      tpu.wait_indirect_dma semaphore(%run_scoped3A_169 : memref<!tpu.dma_semaphore, #tpu.memory_space<semaphore_mem>>) src(%dma_wait3A_183 : memref<80x128xf32, #tpu.memory_space<vmem>>) dst(%dma_wait3A_189 : memref<10240x128xf32, #tpu.memory_space<vmem_shared>>)
      tpu.yield
    }) : () -> ()
    %dma_wait3A_63 = arith.constant 0 : i32
    %dma_wait3A_64 = arith.constant 0 : i32
    %dma_wait3A_65 = arith.constant 0 : i32
    %dma_wait3A_66 = tpu.memref_slice %arg9[%dma_wait3A_63, %dma_wait3A_64, %dma_wait3A_65] : memref<2x80x128xf32, #tpu.memory_space<vmem>> -> memref<1x80x128xf32, #tpu.memory_space<vmem>>
    %dma_wait3A_67 = tpu.memref_squeeze %dma_wait3A_66 : memref<1x80x128xf32, #tpu.memory_space<vmem>> -> memref<80x128xf32, #tpu.memory_space<vmem>>
    %dma_wait3A_68 = arith.constant 9920 : i32
    %dma_wait3A_69 = tpu.memref_slice %arg7[%dma_wait3A_68] : memref<10000xi32, #tpu.memory_space<vmem>> -> memref<80xi32, #tpu.memory_space<vmem>>
    %dma_wait3A_70 = arith.constant 0 : i32
    %dma_wait3A_71 = arith.constant 0 : i32
    %dma_wait3A_72 = tpu.memref_slice %arg2[%dma_wait3A_70, %dma_wait3A_71] : memref<40960x128xf32, #tpu.memory_space<hbm>> -> memref<40960x128xf32, #tpu.memory_space<hbm>>
    tpu.wait_indirect_dma semaphore(%arg10 : memref<!tpu.dma_semaphore, #tpu.memory_space<semaphore_mem>>) src(%dma_wait3A_72 : memref<40960x128xf32, #tpu.memory_space<hbm>>) dst(%dma_wait3A_67 : memref<80x128xf32, #tpu.memory_space<vmem>>)
    %run_scoped3A_73 = arith.constant 0 : i32
    %run_scoped3A_74 = arith.constant 124 : i32
    "tpu.region"() ({
      %run_scoped3A_169 = tpu.sem_alloc : memref<!tpu.dma_semaphore, #tpu.memory_space<semaphore_mem>>
      %dma_start3A_170 = arith.constant 0 : i32
      %dma_start3A_171 = arith.constant 0 : i32
      %dma_start3A_172 = tpu.memref_slice %arg9[%run_scoped3A_73, %dma_start3A_170, %dma_start3A_171] : memref<2x80x128xf32, #tpu.memory_space<vmem>> -> memref<1x80x128xf32, #tpu.memory_space<vmem>>
      %dma_start3A_173 = tpu.memref_squeeze %dma_start3A_172 : memref<1x80x128xf32, #tpu.memory_space<vmem>> -> memref<80x128xf32, #tpu.memory_space<vmem>>
      %dma_start3A_174 = arith.constant 0 : i32
      %dma_start3A_175 = tpu.memref_slice %arg8[%run_scoped3A_74, %dma_start3A_174] : memref<125x80xi32, #tpu.memory_space<vmem>> -> memref<1x80xi32, #tpu.memory_space<vmem>>
      %dma_start3A_176 = tpu.memref_squeeze %dma_start3A_175 : memref<1x80xi32, #tpu.memory_space<vmem>> -> memref<80xi32, #tpu.memory_space<vmem>>
      %dma_start3A_177 = arith.constant 0 : i32
      %dma_start3A_178 = arith.constant 0 : i32
      %dma_start3A_179 = tpu.memref_slice %arg6[%dma_start3A_177, %dma_start3A_178] : memref<10240x128xf32, #tpu.memory_space<vmem_shared>> -> memref<10240x128xf32, #tpu.memory_space<vmem_shared>>
      tpu.enqueue_indirect_dma source(%dma_start3A_173 : memref<80x128xf32, #tpu.memory_space<vmem>>) target(%dma_start3A_179 : memref<10240x128xf32, #tpu.memory_space<vmem_shared>>) offsets(%dma_start3A_176 : memref<80xi32, #tpu.memory_space<vmem>>) semaphore(%run_scoped3A_169 : memref<!tpu.dma_semaphore, #tpu.memory_space<semaphore_mem>>) {add = true}
      %dma_wait3A_180 = arith.constant 0 : i32
      %dma_wait3A_181 = arith.constant 0 : i32
      %dma_wait3A_182 = tpu.memref_slice %arg9[%run_scoped3A_73, %dma_wait3A_180, %dma_wait3A_181] : memref<2x80x128xf32, #tpu.memory_space<vmem>> -> memref<1x80x128xf32, #tpu.memory_space<vmem>>
      %dma_wait3A_183 = tpu.memref_squeeze %dma_wait3A_182 : memref<1x80x128xf32, #tpu.memory_space<vmem>> -> memref<80x128xf32, #tpu.memory_space<vmem>>
      %dma_wait3A_184 = arith.constant 0 : i32
      %dma_wait3A_185 = tpu.memref_slice %arg8[%run_scoped3A_74, %dma_wait3A_184] : memref<125x80xi32, #tpu.memory_space<vmem>> -> memref<1x80xi32, #tpu.memory_space<vmem>>
      %dma_wait3A_186 = tpu.memref_squeeze %dma_wait3A_185 : memref<1x80xi32, #tpu.memory_space<vmem>> -> memref<80xi32, #tpu.memory_space<vmem>>
      %dma_wait3A_187 = arith.constant 0 : i32
      %dma_wait3A_188 = arith.constant 0 : i32
      %dma_wait3A_189 = tpu.memref_slice %arg6[%dma_wait3A_187, %dma_wait3A_188] : memref<10240x128xf32, #tpu.memory_space<vmem_shared>> -> memref<10240x128xf32, #tpu.memory_space<vmem_shared>>
      tpu.wait_indirect_dma semaphore(%run_scoped3A_169 : memref<!tpu.dma_semaphore, #tpu.memory_space<semaphore_mem>>) src(%dma_wait3A_183 : memref<80x128xf32, #tpu.memory_space<vmem>>) dst(%dma_wait3A_189 : memref<10240x128xf32, #tpu.memory_space<vmem_shared>>)
      tpu.yield
    }) : () -> ()
    %barrier3A_75 = arith.constant 0 : index
    tpu.barrier barrier_id(%barrier3A_75)
    %mul3A_76 = arith.constant 640 : i32
    %mul3A_77 = arith.muli %arg1, %mul3A_76 : i32
    %mul3A_78 = arith.constant 640 : i32
    %mul3A_79 = arith.muli %arg1, %mul3A_78 : i32
    %add3A_80 = arith.addi %mul3A_1, %mul3A_79 : i32
    "tpu.region"() ({
      %run_scoped3A_169 = tpu.sem_alloc : memref<!tpu.dma_semaphore, #tpu.memory_space<semaphore_mem>>
      %dma_start3A_170 = arith.constant 0 : i32
      %dma_start3A_171 = tpu.memref_slice %arg5[%add3A_80, %dma_start3A_170] : memref<40960x128xf32, #tpu.memory_space<hbm>> -> memref<640x128xf32, #tpu.memory_space<hbm>>
      %dma_start3A_172 = arith.constant 0 : i32
      %dma_start3A_173 = tpu.memref_slice %arg6[%mul3A_77, %dma_start3A_172] : memref<10240x128xf32, #tpu.memory_space<vmem_shared>> -> memref<640x128xf32, #tpu.memory_space<vmem_shared>>
      tpu.enqueue_dma source(%dma_start3A_173 : memref<640x128xf32, #tpu.memory_space<vmem_shared>>) target(%dma_start3A_171 : memref<640x128xf32, #tpu.memory_space<hbm>>) target_semaphore(%run_scoped3A_169 : memref<!tpu.dma_semaphore, #tpu.memory_space<semaphore_mem>>)
      %dma_wait3A_174 = arith.constant 0 : i32
      %dma_wait3A_175 = tpu.memref_slice %arg5[%add3A_80, %dma_wait3A_174] : memref<40960x128xf32, #tpu.memory_space<hbm>> -> memref<640x128xf32, #tpu.memory_space<hbm>>
      %dma_wait3A_176 = arith.constant 0 : i32
      %dma_wait3A_177 = tpu.memref_slice %arg6[%mul3A_77, %dma_wait3A_176] : memref<10240x128xf32, #tpu.memory_space<vmem_shared>> -> memref<640x128xf32, #tpu.memory_space<vmem_shared>>
      tpu.wait_dma2 semaphore(%run_scoped3A_169 : memref<!tpu.dma_semaphore, #tpu.memory_space<semaphore_mem>>) src(%dma_wait3A_177 : memref<640x128xf32, #tpu.memory_space<vmem_shared>>) dst(%dma_wait3A_175 : memref<640x128xf32, #tpu.memory_space<hbm>>)
      tpu.yield
    }) : () -> ()
    %add3A_81 = arith.constant 2 : i32
    %add3A_82 = arith.addi %add3A_81, %arg0 : i32
    %mul3A_83 = arith.constant 10240 : i32
    %mul3A_84 = arith.muli %add3A_82, %mul3A_83 : i32
    %mul3A_85 = arith.constant 640 : i32
    %mul3A_86 = arith.muli %arg1, %mul3A_85 : i32
    %add3A_87 = arith.addi %mul3A_84, %mul3A_86 : i32
    %mul3A_88 = arith.constant 640 : i32
    %mul3A_89 = arith.muli %arg1, %mul3A_88 : i32
    "tpu.region"() ({
      %run_scoped3A_169 = tpu.sem_alloc : memref<!tpu.dma_semaphore, #tpu.memory_space<semaphore_mem>>
      %dma_start3A_170 = arith.constant 0 : i32
      %dma_start3A_171 = tpu.memref_slice %arg6[%mul3A_89, %dma_start3A_170] : memref<10240x128xf32, #tpu.memory_space<vmem_shared>> -> memref<640x128xf32, #tpu.memory_space<vmem_shared>>
      %dma_start3A_172 = arith.constant 0 : i32
      %dma_start3A_173 = tpu.memref_slice %arg2[%add3A_87, %dma_start3A_172] : memref<40960x128xf32, #tpu.memory_space<hbm>> -> memref<640x128xf32, #tpu.memory_space<hbm>>
      tpu.enqueue_dma source(%dma_start3A_173 : memref<640x128xf32, #tpu.memory_space<hbm>>) target(%dma_start3A_171 : memref<640x128xf32, #tpu.memory_space<vmem_shared>>) target_semaphore(%run_scoped3A_169 : memref<!tpu.dma_semaphore, #tpu.memory_space<semaphore_mem>>)
      %dma_wait3A_174 = arith.constant 0 : i32
      %dma_wait3A_175 = tpu.memref_slice %arg6[%mul3A_89, %dma_wait3A_174] : memref<10240x128xf32, #tpu.memory_space<vmem_shared>> -> memref<640x128xf32, #tpu.memory_space<vmem_shared>>
      %dma_wait3A_176 = arith.constant 0 : i32
      %dma_wait3A_177 = tpu.memref_slice %arg2[%add3A_87, %dma_wait3A_176] : memref<40960x128xf32, #tpu.memory_space<hbm>> -> memref<640x128xf32, #tpu.memory_space<hbm>>
      tpu.wait_dma2 semaphore(%run_scoped3A_169 : memref<!tpu.dma_semaphore, #tpu.memory_space<semaphore_mem>>) src(%dma_wait3A_177 : memref<640x128xf32, #tpu.memory_space<hbm>>) dst(%dma_wait3A_175 : memref<640x128xf32, #tpu.memory_space<vmem_shared>>)
      tpu.yield
    }) : () -> ()
    "tpu.region"() ({
      %run_scoped3A_169 = tpu.sem_alloc : memref<!tpu.dma_semaphore, #tpu.memory_space<semaphore_mem>>
      %dma_start3A_170 = arith.constant 0 : i32
      %dma_start3A_171 = tpu.memref_slice %arg3[%add3A_82, %arg1, %dma_start3A_170] : memref<4x16x10000xi32, #tpu.memory_space<hbm>> -> memref<1x1x10000xi32, #tpu.memory_space<hbm>>
      %dma_start3A_172 = tpu.memref_squeeze %dma_start3A_171 : memref<1x1x10000xi32, #tpu.memory_space<hbm>> -> memref<10000xi32, #tpu.memory_space<hbm>>
      %dma_start3A_173 = arith.constant 0 : i32
      %dma_start3A_174 = tpu.memref_slice %arg3[%add3A_82, %arg1, %dma_start3A_173] : memref<4x16x10000xi32, #tpu.memory_space<hbm>> -> memref<1x1x10000xi32, #tpu.memory_space<hbm>>
      %dma_start3A_175 = tpu.memref_squeeze %dma_start3A_174 : memref<1x1x10000xi32, #tpu.memory_space<hbm>> -> memref<10000xi32, #tpu.memory_space<hbm>>
      tpu.enqueue_dma source(%dma_start3A_175 : memref<10000xi32, #tpu.memory_space<hbm>>) target(%arg7 : memref<10000xi32, #tpu.memory_space<vmem>>) target_semaphore(%run_scoped3A_169 : memref<!tpu.dma_semaphore, #tpu.memory_space<semaphore_mem>>)
      %dma_wait3A_176 = arith.constant 0 : i32
      %dma_wait3A_177 = tpu.memref_slice %arg3[%add3A_82, %arg1, %dma_wait3A_176] : memref<4x16x10000xi32, #tpu.memory_space<hbm>> -> memref<1x1x10000xi32, #tpu.memory_space<hbm>>
      %dma_wait3A_178 = tpu.memref_squeeze %dma_wait3A_177 : memref<1x1x10000xi32, #tpu.memory_space<hbm>> -> memref<10000xi32, #tpu.memory_space<hbm>>
      %dma_wait3A_179 = arith.constant 0 : i32
      %dma_wait3A_180 = tpu.memref_slice %arg3[%add3A_82, %arg1, %dma_wait3A_179] : memref<4x16x10000xi32, #tpu.memory_space<hbm>> -> memref<1x1x10000xi32, #tpu.memory_space<hbm>>
      %dma_wait3A_181 = tpu.memref_squeeze %dma_wait3A_180 : memref<1x1x10000xi32, #tpu.memory_space<hbm>> -> memref<10000xi32, #tpu.memory_space<hbm>>
      tpu.wait_dma2 semaphore(%run_scoped3A_169 : memref<!tpu.dma_semaphore, #tpu.memory_space<semaphore_mem>>) src(%dma_wait3A_181 : memref<10000xi32, #tpu.memory_space<hbm>>) dst(%arg7 : memref<10000xi32, #tpu.memory_space<vmem>>)
      tpu.yield
    }) : () -> ()
    %barrier3A_90 = arith.constant 0 : index
    tpu.barrier barrier_id(%barrier3A_90)
    %dma_start3A_91 = arith.constant 0 : i32
    %dma_start3A_92 = arith.constant 0 : i32
    %dma_start3A_93 = arith.constant 0 : i32
    %dma_start3A_94 = tpu.memref_slice %arg9[%dma_start3A_91, %dma_start3A_92, %dma_start3A_93] : memref<2x80x128xf32, #tpu.memory_space<vmem>> -> memref<1x80x128xf32, #tpu.memory_space<vmem>>
    %dma_start3A_95 = tpu.memref_squeeze %dma_start3A_94 : memref<1x80x128xf32, #tpu.memory_space<vmem>> -> memref<80x128xf32, #tpu.memory_space<vmem>>
    %dma_start3A_96 = arith.constant 0 : i32
    %dma_start3A_97 = tpu.memref_slice %arg7[%dma_start3A_96] : memref<10000xi32, #tpu.memory_space<vmem>> -> memref<80xi32, #tpu.memory_space<vmem>>
    %dma_start3A_98 = arith.constant 0 : i32
    %dma_start3A_99 = arith.constant 0 : i32
    %dma_start3A_100 = tpu.memref_slice %arg2[%dma_start3A_98, %dma_start3A_99] : memref<40960x128xf32, #tpu.memory_space<hbm>> -> memref<40960x128xf32, #tpu.memory_space<hbm>>
    tpu.enqueue_indirect_dma source(%dma_start3A_100 : memref<40960x128xf32, #tpu.memory_space<hbm>>) target(%dma_start3A_95 : memref<80x128xf32, #tpu.memory_space<vmem>>) offsets(%dma_start3A_97 : memref<80xi32, #tpu.memory_space<vmem>>) semaphore(%arg10 : memref<!tpu.dma_semaphore, #tpu.memory_space<semaphore_mem>>)
    %dma_start3A_101 = arith.constant 1 : i32
    %dma_start3A_102 = arith.constant 0 : i32
    %dma_start3A_103 = arith.constant 0 : i32
    %dma_start3A_104 = tpu.memref_slice %arg9[%dma_start3A_101, %dma_start3A_102, %dma_start3A_103] : memref<2x80x128xf32, #tpu.memory_space<vmem>> -> memref<1x80x128xf32, #tpu.memory_space<vmem>>
    %dma_start3A_105 = tpu.memref_squeeze %dma_start3A_104 : memref<1x80x128xf32, #tpu.memory_space<vmem>> -> memref<80x128xf32, #tpu.memory_space<vmem>>
    %dma_start3A_106 = arith.constant 80 : i32
    %dma_start3A_107 = tpu.memref_slice %arg7[%dma_start3A_106] : memref<10000xi32, #tpu.memory_space<vmem>> -> memref<80xi32, #tpu.memory_space<vmem>>
    %dma_start3A_108 = arith.constant 0 : i32
    %dma_start3A_109 = arith.constant 0 : i32
    %dma_start3A_110 = tpu.memref_slice %arg2[%dma_start3A_108, %dma_start3A_109] : memref<40960x128xf32, #tpu.memory_space<hbm>> -> memref<40960x128xf32, #tpu.memory_space<hbm>>
    tpu.enqueue_indirect_dma source(%dma_start3A_110 : memref<40960x128xf32, #tpu.memory_space<hbm>>) target(%dma_start3A_105 : memref<80x128xf32, #tpu.memory_space<vmem>>) offsets(%dma_start3A_107 : memref<80xi32, #tpu.memory_space<vmem>>) semaphore(%arg11 : memref<!tpu.dma_semaphore, #tpu.memory_space<semaphore_mem>>)
    %scan3A_111 = arith.constant 0 : i32
    %scan3A_112 = arith.constant 0 : i32
    %scan3A_113 = arith.constant 61 : i32
    %scan3A_114 = arith.addi %scan3A_112, %scan3A_113 : i32
    %scan3A_115 = arith.constant 1 : i32
    scf.for %scan3A_169 = %scan3A_112 to %scan3A_114 step %scan3A_115  : i32 {
      %mul3A_170 = arith.constant 2 : i32
      %mul3A_171 = arith.muli %scan3A_169, %mul3A_170 : i32
      %mul3A_172 = arith.constant 80 : i32
      %mul3A_173 = arith.muli %mul3A_171, %mul3A_172 : i32
      %dma_wait3A_174 = arith.constant 0 : i32
      %dma_wait3A_175 = arith.constant 0 : i32
      %dma_wait3A_176 = arith.constant 0 : i32
      %dma_wait3A_177 = tpu.memref_slice %arg9[%dma_wait3A_174, %dma_wait3A_175, %dma_wait3A_176] : memref<2x80x128xf32, #tpu.memory_space<vmem>> -> memref<1x80x128xf32, #tpu.memory_space<vmem>>
      %dma_wait3A_178 = tpu.memref_squeeze %dma_wait3A_177 : memref<1x80x128xf32, #tpu.memory_space<vmem>> -> memref<80x128xf32, #tpu.memory_space<vmem>>
      %dma_wait3A_179 = tpu.memref_slice %arg7[%mul3A_173] : memref<10000xi32, #tpu.memory_space<vmem>> -> memref<80xi32, #tpu.memory_space<vmem>>
      %dma_wait3A_180 = arith.constant 0 : i32
      %dma_wait3A_181 = arith.constant 0 : i32
      %dma_wait3A_182 = tpu.memref_slice %arg2[%dma_wait3A_180, %dma_wait3A_181] : memref<40960x128xf32, #tpu.memory_space<hbm>> -> memref<40960x128xf32, #tpu.memory_space<hbm>>
      tpu.wait_indirect_dma semaphore(%arg10 : memref<!tpu.dma_semaphore, #tpu.memory_space<semaphore_mem>>) src(%dma_wait3A_182 : memref<40960x128xf32, #tpu.memory_space<hbm>>) dst(%dma_wait3A_178 : memref<80x128xf32, #tpu.memory_space<vmem>>)
      %run_scoped3A_183 = arith.constant 0 : i32
      "tpu.region"() ({
        %run_scoped3A_224 = tpu.sem_alloc : memref<!tpu.dma_semaphore, #tpu.memory_space<semaphore_mem>>
        %dma_start3A_225 = arith.constant 0 : i32
        %dma_start3A_226 = arith.constant 0 : i32
        %dma_start3A_227 = tpu.memref_slice %arg9[%run_scoped3A_183, %dma_start3A_225, %dma_start3A_226] : memref<2x80x128xf32, #tpu.memory_space<vmem>> -> memref<1x80x128xf32, #tpu.memory_space<vmem>>
        %dma_start3A_228 = tpu.memref_squeeze %dma_start3A_227 : memref<1x80x128xf32, #tpu.memory_space<vmem>> -> memref<80x128xf32, #tpu.memory_space<vmem>>
        %dma_start3A_229 = arith.constant 0 : i32
        %dma_start3A_230 = tpu.memref_slice %arg8[%mul3A_171, %dma_start3A_229] : memref<125x80xi32, #tpu.memory_space<vmem>> -> memref<1x80xi32, #tpu.memory_space<vmem>>
        %dma_start3A_231 = tpu.memref_squeeze %dma_start3A_230 : memref<1x80xi32, #tpu.memory_space<vmem>> -> memref<80xi32, #tpu.memory_space<vmem>>
        %dma_start3A_232 = arith.constant 0 : i32
        %dma_start3A_233 = arith.constant 0 : i32
        %dma_start3A_234 = tpu.memref_slice %arg6[%dma_start3A_232, %dma_start3A_233] : memref<10240x128xf32, #tpu.memory_space<vmem_shared>> -> memref<10240x128xf32, #tpu.memory_space<vmem_shared>>
        tpu.enqueue_indirect_dma source(%dma_start3A_228 : memref<80x128xf32, #tpu.memory_space<vmem>>) target(%dma_start3A_234 : memref<10240x128xf32, #tpu.memory_space<vmem_shared>>) offsets(%dma_start3A_231 : memref<80xi32, #tpu.memory_space<vmem>>) semaphore(%run_scoped3A_224 : memref<!tpu.dma_semaphore, #tpu.memory_space<semaphore_mem>>) {add = true}
        %dma_wait3A_235 = arith.constant 0 : i32
        %dma_wait3A_236 = arith.constant 0 : i32
        %dma_wait3A_237 = tpu.memref_slice %arg9[%run_scoped3A_183, %dma_wait3A_235, %dma_wait3A_236] : memref<2x80x128xf32, #tpu.memory_space<vmem>> -> memref<1x80x128xf32, #tpu.memory_space<vmem>>
        %dma_wait3A_238 = tpu.memref_squeeze %dma_wait3A_237 : memref<1x80x128xf32, #tpu.memory_space<vmem>> -> memref<80x128xf32, #tpu.memory_space<vmem>>
        %dma_wait3A_239 = arith.constant 0 : i32
        %dma_wait3A_240 = tpu.memref_slice %arg8[%mul3A_171, %dma_wait3A_239] : memref<125x80xi32, #tpu.memory_space<vmem>> -> memref<1x80xi32, #tpu.memory_space<vmem>>
        %dma_wait3A_241 = tpu.memref_squeeze %dma_wait3A_240 : memref<1x80xi32, #tpu.memory_space<vmem>> -> memref<80xi32, #tpu.memory_space<vmem>>
        %dma_wait3A_242 = arith.constant 0 : i32
        %dma_wait3A_243 = arith.constant 0 : i32
        %dma_wait3A_244 = tpu.memref_slice %arg6[%dma_wait3A_242, %dma_wait3A_243] : memref<10240x128xf32, #tpu.memory_space<vmem_shared>> -> memref<10240x128xf32, #tpu.memory_space<vmem_shared>>
        tpu.wait_indirect_dma semaphore(%run_scoped3A_224 : memref<!tpu.dma_semaphore, #tpu.memory_space<semaphore_mem>>) src(%dma_wait3A_238 : memref<80x128xf32, #tpu.memory_space<vmem>>) dst(%dma_wait3A_244 : memref<10240x128xf32, #tpu.memory_space<vmem_shared>>)
        tpu.yield
      }) : () -> ()
      %add3A_184 = arith.constant 2 : i32
      %add3A_185 = arith.addi %mul3A_171, %add3A_184 : i32
      %mul3A_186 = arith.constant 80 : i32
      %mul3A_187 = arith.muli %add3A_185, %mul3A_186 : i32
      %dma_start3A_188 = arith.constant 0 : i32
      %dma_start3A_189 = arith.constant 0 : i32
      %dma_start3A_190 = arith.constant 0 : i32
      %dma_start3A_191 = tpu.memref_slice %arg9[%dma_start3A_188, %dma_start3A_189, %dma_start3A_190] : memref<2x80x128xf32, #tpu.memory_space<vmem>> -> memref<1x80x128xf32, #tpu.memory_space<vmem>>
      %dma_start3A_192 = tpu.memref_squeeze %dma_start3A_191 : memref<1x80x128xf32, #tpu.memory_space<vmem>> -> memref<80x128xf32, #tpu.memory_space<vmem>>
      %dma_start3A_193 = tpu.memref_slice %arg7[%mul3A_187] : memref<10000xi32, #tpu.memory_space<vmem>> -> memref<80xi32, #tpu.memory_space<vmem>>
      %dma_start3A_194 = arith.constant 0 : i32
      %dma_start3A_195 = arith.constant 0 : i32
      %dma_start3A_196 = tpu.memref_slice %arg2[%dma_start3A_194, %dma_start3A_195] : memref<40960x128xf32, #tpu.memory_space<hbm>> -> memref<40960x128xf32, #tpu.memory_space<hbm>>
      tpu.enqueue_indirect_dma source(%dma_start3A_196 : memref<40960x128xf32, #tpu.memory_space<hbm>>) target(%dma_start3A_192 : memref<80x128xf32, #tpu.memory_space<vmem>>) offsets(%dma_start3A_193 : memref<80xi32, #tpu.memory_space<vmem>>) semaphore(%arg10 : memref<!tpu.dma_semaphore, #tpu.memory_space<semaphore_mem>>)
      %add3A_197 = arith.constant 1 : i32
      %add3A_198 = arith.addi %mul3A_171, %add3A_197 : i32
      %mul3A_199 = arith.constant 80 : i32
      %mul3A_200 = arith.muli %add3A_198, %mul3A_199 : i32
      %dma_wait3A_201 = arith.constant 1 : i32
      %dma_wait3A_202 = arith.constant 0 : i32
      %dma_wait3A_203 = arith.constant 0 : i32
      %dma_wait3A_204 = tpu.memref_slice %arg9[%dma_wait3A_201, %dma_wait3A_202, %dma_wait3A_203] : memref<2x80x128xf32, #tpu.memory_space<vmem>> -> memref<1x80x128xf32, #tpu.memory_space<vmem>>
      %dma_wait3A_205 = tpu.memref_squeeze %dma_wait3A_204 : memref<1x80x128xf32, #tpu.memory_space<vmem>> -> memref<80x128xf32, #tpu.memory_space<vmem>>
      %dma_wait3A_206 = tpu.memref_slice %arg7[%mul3A_200] : memref<10000xi32, #tpu.memory_space<vmem>> -> memref<80xi32, #tpu.memory_space<vmem>>
      %dma_wait3A_207 = arith.constant 0 : i32
      %dma_wait3A_208 = arith.constant 0 : i32
      %dma_wait3A_209 = tpu.memref_slice %arg2[%dma_wait3A_207, %dma_wait3A_208] : memref<40960x128xf32, #tpu.memory_space<hbm>> -> memref<40960x128xf32, #tpu.memory_space<hbm>>
      tpu.wait_indirect_dma semaphore(%arg11 : memref<!tpu.dma_semaphore, #tpu.memory_space<semaphore_mem>>) src(%dma_wait3A_209 : memref<40960x128xf32, #tpu.memory_space<hbm>>) dst(%dma_wait3A_205 : memref<80x128xf32, #tpu.memory_space<vmem>>)
      %run_scoped3A_210 = arith.constant 1 : i32
      "tpu.region"() ({
        %run_scoped3A_224 = tpu.sem_alloc : memref<!tpu.dma_semaphore, #tpu.memory_space<semaphore_mem>>
        %dma_start3A_225 = arith.constant 0 : i32
        %dma_start3A_226 = arith.constant 0 : i32
        %dma_start3A_227 = tpu.memref_slice %arg9[%run_scoped3A_210, %dma_start3A_225, %dma_start3A_226] : memref<2x80x128xf32, #tpu.memory_space<vmem>> -> memref<1x80x128xf32, #tpu.memory_space<vmem>>
        %dma_start3A_228 = tpu.memref_squeeze %dma_start3A_227 : memref<1x80x128xf32, #tpu.memory_space<vmem>> -> memref<80x128xf32, #tpu.memory_space<vmem>>
        %dma_start3A_229 = arith.constant 0 : i32
        %dma_start3A_230 = tpu.memref_slice %arg8[%add3A_198, %dma_start3A_229] : memref<125x80xi32, #tpu.memory_space<vmem>> -> memref<1x80xi32, #tpu.memory_space<vmem>>
        %dma_start3A_231 = tpu.memref_squeeze %dma_start3A_230 : memref<1x80xi32, #tpu.memory_space<vmem>> -> memref<80xi32, #tpu.memory_space<vmem>>
        %dma_start3A_232 = arith.constant 0 : i32
        %dma_start3A_233 = arith.constant 0 : i32
        %dma_start3A_234 = tpu.memref_slice %arg6[%dma_start3A_232, %dma_start3A_233] : memref<10240x128xf32, #tpu.memory_space<vmem_shared>> -> memref<10240x128xf32, #tpu.memory_space<vmem_shared>>
        tpu.enqueue_indirect_dma source(%dma_start3A_228 : memref<80x128xf32, #tpu.memory_space<vmem>>) target(%dma_start3A_234 : memref<10240x128xf32, #tpu.memory_space<vmem_shared>>) offsets(%dma_start3A_231 : memref<80xi32, #tpu.memory_space<vmem>>) semaphore(%run_scoped3A_224 : memref<!tpu.dma_semaphore, #tpu.memory_space<semaphore_mem>>) {add = true}
        %dma_wait3A_235 = arith.constant 0 : i32
        %dma_wait3A_236 = arith.constant 0 : i32
        %dma_wait3A_237 = tpu.memref_slice %arg9[%run_scoped3A_210, %dma_wait3A_235, %dma_wait3A_236] : memref<2x80x128xf32, #tpu.memory_space<vmem>> -> memref<1x80x128xf32, #tpu.memory_space<vmem>>
        %dma_wait3A_238 = tpu.memref_squeeze %dma_wait3A_237 : memref<1x80x128xf32, #tpu.memory_space<vmem>> -> memref<80x128xf32, #tpu.memory_space<vmem>>
        %dma_wait3A_239 = arith.constant 0 : i32
        %dma_wait3A_240 = tpu.memref_slice %arg8[%add3A_198, %dma_wait3A_239] : memref<125x80xi32, #tpu.memory_space<vmem>> -> memref<1x80xi32, #tpu.memory_space<vmem>>
        %dma_wait3A_241 = tpu.memref_squeeze %dma_wait3A_240 : memref<1x80xi32, #tpu.memory_space<vmem>> -> memref<80xi32, #tpu.memory_space<vmem>>
        %dma_wait3A_242 = arith.constant 0 : i32
        %dma_wait3A_243 = arith.constant 0 : i32
        %dma_wait3A_244 = tpu.memref_slice %arg6[%dma_wait3A_242, %dma_wait3A_243] : memref<10240x128xf32, #tpu.memory_space<vmem_shared>> -> memref<10240x128xf32, #tpu.memory_space<vmem_shared>>
        tpu.wait_indirect_dma semaphore(%run_scoped3A_224 : memref<!tpu.dma_semaphore, #tpu.memory_space<semaphore_mem>>) src(%dma_wait3A_238 : memref<80x128xf32, #tpu.memory_space<vmem>>) dst(%dma_wait3A_244 : memref<10240x128xf32, #tpu.memory_space<vmem_shared>>)
        tpu.yield
      }) : () -> ()
      %add3A_211 = arith.constant 3 : i32
      %add3A_212 = arith.addi %mul3A_171, %add3A_211 : i32
      %mul3A_213 = arith.constant 80 : i32
      %mul3A_214 = arith.muli %add3A_212, %mul3A_213 : i32
      %dma_start3A_215 = arith.constant 1 : i32
      %dma_start3A_216 = arith.constant 0 : i32
      %dma_start3A_217 = arith.constant 0 : i32
      %dma_start3A_218 = tpu.memref_slice %arg9[%dma_start3A_215, %dma_start3A_216, %dma_start3A_217] : memref<2x80x128xf32, #tpu.memory_space<vmem>> -> memref<1x80x128xf32, #tpu.memory_space<vmem>>
      %dma_start3A_219 = tpu.memref_squeeze %dma_start3A_218 : memref<1x80x128xf32, #tpu.memory_space<vmem>> -> memref<80x128xf32, #tpu.memory_space<vmem>>
      %dma_start3A_220 = tpu.memref_slice %arg7[%mul3A_214] : memref<10000xi32, #tpu.memory_space<vmem>> -> memref<80xi32, #tpu.memory_space<vmem>>
      %dma_start3A_221 = arith.constant 0 : i32
      %dma_start3A_222 = arith.constant 0 : i32
      %dma_start3A_223 = tpu.memref_slice %arg2[%dma_start3A_221, %dma_start3A_222] : memref<40960x128xf32, #tpu.memory_space<hbm>> -> memref<40960x128xf32, #tpu.memory_space<hbm>>
      tpu.enqueue_indirect_dma source(%dma_start3A_223 : memref<40960x128xf32, #tpu.memory_space<hbm>>) target(%dma_start3A_219 : memref<80x128xf32, #tpu.memory_space<vmem>>) offsets(%dma_start3A_220 : memref<80xi32, #tpu.memory_space<vmem>>) semaphore(%arg11 : memref<!tpu.dma_semaphore, #tpu.memory_space<semaphore_mem>>)
    }
    %scan3A_116 = arith.constant 61 : i32
    %dma_wait3A_117 = arith.constant 0 : i32
    %dma_wait3A_118 = arith.constant 0 : i32
    %dma_wait3A_119 = arith.constant 0 : i32
    %dma_wait3A_120 = tpu.memref_slice %arg9[%dma_wait3A_117, %dma_wait3A_118, %dma_wait3A_119] : memref<2x80x128xf32, #tpu.memory_space<vmem>> -> memref<1x80x128xf32, #tpu.memory_space<vmem>>
    %dma_wait3A_121 = tpu.memref_squeeze %dma_wait3A_120 : memref<1x80x128xf32, #tpu.memory_space<vmem>> -> memref<80x128xf32, #tpu.memory_space<vmem>>
    %dma_wait3A_122 = arith.constant 9760 : i32
    %dma_wait3A_123 = tpu.memref_slice %arg7[%dma_wait3A_122] : memref<10000xi32, #tpu.memory_space<vmem>> -> memref<80xi32, #tpu.memory_space<vmem>>
    %dma_wait3A_124 = arith.constant 0 : i32
    %dma_wait3A_125 = arith.constant 0 : i32
    %dma_wait3A_126 = tpu.memref_slice %arg2[%dma_wait3A_124, %dma_wait3A_125] : memref<40960x128xf32, #tpu.memory_space<hbm>> -> memref<40960x128xf32, #tpu.memory_space<hbm>>
    tpu.wait_indirect_dma semaphore(%arg10 : memref<!tpu.dma_semaphore, #tpu.memory_space<semaphore_mem>>) src(%dma_wait3A_126 : memref<40960x128xf32, #tpu.memory_space<hbm>>) dst(%dma_wait3A_121 : memref<80x128xf32, #tpu.memory_space<vmem>>)
    %run_scoped3A_127 = arith.constant 0 : i32
    %run_scoped3A_128 = arith.constant 122 : i32
    "tpu.region"() ({
      %run_scoped3A_169 = tpu.sem_alloc : memref<!tpu.dma_semaphore, #tpu.memory_space<semaphore_mem>>
      %dma_start3A_170 = arith.constant 0 : i32
      %dma_start3A_171 = arith.constant 0 : i32
      %dma_start3A_172 = tpu.memref_slice %arg9[%run_scoped3A_127, %dma_start3A_170, %dma_start3A_171] : memref<2x80x128xf32, #tpu.memory_space<vmem>> -> memref<1x80x128xf32, #tpu.memory_space<vmem>>
      %dma_start3A_173 = tpu.memref_squeeze %dma_start3A_172 : memref<1x80x128xf32, #tpu.memory_space<vmem>> -> memref<80x128xf32, #tpu.memory_space<vmem>>
      %dma_start3A_174 = arith.constant 0 : i32
      %dma_start3A_175 = tpu.memref_slice %arg8[%run_scoped3A_128, %dma_start3A_174] : memref<125x80xi32, #tpu.memory_space<vmem>> -> memref<1x80xi32, #tpu.memory_space<vmem>>
      %dma_start3A_176 = tpu.memref_squeeze %dma_start3A_175 : memref<1x80xi32, #tpu.memory_space<vmem>> -> memref<80xi32, #tpu.memory_space<vmem>>
      %dma_start3A_177 = arith.constant 0 : i32
      %dma_start3A_178 = arith.constant 0 : i32
      %dma_start3A_179 = tpu.memref_slice %arg6[%dma_start3A_177, %dma_start3A_178] : memref<10240x128xf32, #tpu.memory_space<vmem_shared>> -> memref<10240x128xf32, #tpu.memory_space<vmem_shared>>
      tpu.enqueue_indirect_dma source(%dma_start3A_173 : memref<80x128xf32, #tpu.memory_space<vmem>>) target(%dma_start3A_179 : memref<10240x128xf32, #tpu.memory_space<vmem_shared>>) offsets(%dma_start3A_176 : memref<80xi32, #tpu.memory_space<vmem>>) semaphore(%run_scoped3A_169 : memref<!tpu.dma_semaphore, #tpu.memory_space<semaphore_mem>>) {add = true}
      %dma_wait3A_180 = arith.constant 0 : i32
      %dma_wait3A_181 = arith.constant 0 : i32
      %dma_wait3A_182 = tpu.memref_slice %arg9[%run_scoped3A_127, %dma_wait3A_180, %dma_wait3A_181] : memref<2x80x128xf32, #tpu.memory_space<vmem>> -> memref<1x80x128xf32, #tpu.memory_space<vmem>>
      %dma_wait3A_183 = tpu.memref_squeeze %dma_wait3A_182 : memref<1x80x128xf32, #tpu.memory_space<vmem>> -> memref<80x128xf32, #tpu.memory_space<vmem>>
      %dma_wait3A_184 = arith.constant 0 : i32
      %dma_wait3A_185 = tpu.memref_slice %arg8[%run_scoped3A_128, %dma_wait3A_184] : memref<125x80xi32, #tpu.memory_space<vmem>> -> memref<1x80xi32, #tpu.memory_space<vmem>>
      %dma_wait3A_186 = tpu.memref_squeeze %dma_wait3A_185 : memref<1x80xi32, #tpu.memory_space<vmem>> -> memref<80xi32, #tpu.memory_space<vmem>>
      %dma_wait3A_187 = arith.constant 0 : i32
      %dma_wait3A_188 = arith.constant 0 : i32
      %dma_wait3A_189 = tpu.memref_slice %arg6[%dma_wait3A_187, %dma_wait3A_188] : memref<10240x128xf32, #tpu.memory_space<vmem_shared>> -> memref<10240x128xf32, #tpu.memory_space<vmem_shared>>
      tpu.wait_indirect_dma semaphore(%run_scoped3A_169 : memref<!tpu.dma_semaphore, #tpu.memory_space<semaphore_mem>>) src(%dma_wait3A_183 : memref<80x128xf32, #tpu.memory_space<vmem>>) dst(%dma_wait3A_189 : memref<10240x128xf32, #tpu.memory_space<vmem_shared>>)
      tpu.yield
    }) : () -> ()
    %dma_start3A_129 = arith.constant 0 : i32
    %dma_start3A_130 = arith.constant 0 : i32
    %dma_start3A_131 = arith.constant 0 : i32
    %dma_start3A_132 = tpu.memref_slice %arg9[%dma_start3A_129, %dma_start3A_130, %dma_start3A_131] : memref<2x80x128xf32, #tpu.memory_space<vmem>> -> memref<1x80x128xf32, #tpu.memory_space<vmem>>
    %dma_start3A_133 = tpu.memref_squeeze %dma_start3A_132 : memref<1x80x128xf32, #tpu.memory_space<vmem>> -> memref<80x128xf32, #tpu.memory_space<vmem>>
    %dma_start3A_134 = arith.constant 9920 : i32
    %dma_start3A_135 = tpu.memref_slice %arg7[%dma_start3A_134] : memref<10000xi32, #tpu.memory_space<vmem>> -> memref<80xi32, #tpu.memory_space<vmem>>
    %dma_start3A_136 = arith.constant 0 : i32
    %dma_start3A_137 = arith.constant 0 : i32
    %dma_start3A_138 = tpu.memref_slice %arg2[%dma_start3A_136, %dma_start3A_137] : memref<40960x128xf32, #tpu.memory_space<hbm>> -> memref<40960x128xf32, #tpu.memory_space<hbm>>
    tpu.enqueue_indirect_dma source(%dma_start3A_138 : memref<40960x128xf32, #tpu.memory_space<hbm>>) target(%dma_start3A_133 : memref<80x128xf32, #tpu.memory_space<vmem>>) offsets(%dma_start3A_135 : memref<80xi32, #tpu.memory_space<vmem>>) semaphore(%arg10 : memref<!tpu.dma_semaphore, #tpu.memory_space<semaphore_mem>>)
    %dma_wait3A_139 = arith.constant 1 : i32
    %dma_wait3A_140 = arith.constant 0 : i32
    %dma_wait3A_141 = arith.constant 0 : i32
    %dma_wait3A_142 = tpu.memref_slice %arg9[%dma_wait3A_139, %dma_wait3A_140, %dma_wait3A_141] : memref<2x80x128xf32, #tpu.memory_space<vmem>> -> memref<1x80x128xf32, #tpu.memory_space<vmem>>
    %dma_wait3A_143 = tpu.memref_squeeze %dma_wait3A_142 : memref<1x80x128xf32, #tpu.memory_space<vmem>> -> memref<80x128xf32, #tpu.memory_space<vmem>>
    %dma_wait3A_144 = arith.constant 9840 : i32
    %dma_wait3A_145 = tpu.memref_slice %arg7[%dma_wait3A_144] : memref<10000xi32, #tpu.memory_space<vmem>> -> memref<80xi32, #tpu.memory_space<vmem>>
    %dma_wait3A_146 = arith.constant 0 : i32
    %dma_wait3A_147 = arith.constant 0 : i32
    %dma_wait3A_148 = tpu.memref_slice %arg2[%dma_wait3A_146, %dma_wait3A_147] : memref<40960x128xf32, #tpu.memory_space<hbm>> -> memref<40960x128xf32, #tpu.memory_space<hbm>>
    tpu.wait_indirect_dma semaphore(%arg11 : memref<!tpu.dma_semaphore, #tpu.memory_space<semaphore_mem>>) src(%dma_wait3A_148 : memref<40960x128xf32, #tpu.memory_space<hbm>>) dst(%dma_wait3A_143 : memref<80x128xf32, #tpu.memory_space<vmem>>)
    %run_scoped3A_149 = arith.constant 1 : i32
    %run_scoped3A_150 = arith.constant 123 : i32
    "tpu.region"() ({
      %run_scoped3A_169 = tpu.sem_alloc : memref<!tpu.dma_semaphore, #tpu.memory_space<semaphore_mem>>
      %dma_start3A_170 = arith.constant 0 : i32
      %dma_start3A_171 = arith.constant 0 : i32
      %dma_start3A_172 = tpu.memref_slice %arg9[%run_scoped3A_149, %dma_start3A_170, %dma_start3A_171] : memref<2x80x128xf32, #tpu.memory_space<vmem>> -> memref<1x80x128xf32, #tpu.memory_space<vmem>>
      %dma_start3A_173 = tpu.memref_squeeze %dma_start3A_172 : memref<1x80x128xf32, #tpu.memory_space<vmem>> -> memref<80x128xf32, #tpu.memory_space<vmem>>
      %dma_start3A_174 = arith.constant 0 : i32
      %dma_start3A_175 = tpu.memref_slice %arg8[%run_scoped3A_150, %dma_start3A_174] : memref<125x80xi32, #tpu.memory_space<vmem>> -> memref<1x80xi32, #tpu.memory_space<vmem>>
      %dma_start3A_176 = tpu.memref_squeeze %dma_start3A_175 : memref<1x80xi32, #tpu.memory_space<vmem>> -> memref<80xi32, #tpu.memory_space<vmem>>
      %dma_start3A_177 = arith.constant 0 : i32
      %dma_start3A_178 = arith.constant 0 : i32
      %dma_start3A_179 = tpu.memref_slice %arg6[%dma_start3A_177, %dma_start3A_178] : memref<10240x128xf32, #tpu.memory_space<vmem_shared>> -> memref<10240x128xf32, #tpu.memory_space<vmem_shared>>
      tpu.enqueue_indirect_dma source(%dma_start3A_173 : memref<80x128xf32, #tpu.memory_space<vmem>>) target(%dma_start3A_179 : memref<10240x128xf32, #tpu.memory_space<vmem_shared>>) offsets(%dma_start3A_176 : memref<80xi32, #tpu.memory_space<vmem>>) semaphore(%run_scoped3A_169 : memref<!tpu.dma_semaphore, #tpu.memory_space<semaphore_mem>>) {add = true}
      %dma_wait3A_180 = arith.constant 0 : i32
      %dma_wait3A_181 = arith.constant 0 : i32
      %dma_wait3A_182 = tpu.memref_slice %arg9[%run_scoped3A_149, %dma_wait3A_180, %dma_wait3A_181] : memref<2x80x128xf32, #tpu.memory_space<vmem>> -> memref<1x80x128xf32, #tpu.memory_space<vmem>>
      %dma_wait3A_183 = tpu.memref_squeeze %dma_wait3A_182 : memref<1x80x128xf32, #tpu.memory_space<vmem>> -> memref<80x128xf32, #tpu.memory_space<vmem>>
      %dma_wait3A_184 = arith.constant 0 : i32
      %dma_wait3A_185 = tpu.memref_slice %arg8[%run_scoped3A_150, %dma_wait3A_184] : memref<125x80xi32, #tpu.memory_space<vmem>> -> memref<1x80xi32, #tpu.memory_space<vmem>>
      %dma_wait3A_186 = tpu.memref_squeeze %dma_wait3A_185 : memref<1x80xi32, #tpu.memory_space<vmem>> -> memref<80xi32, #tpu.memory_space<vmem>>
      %dma_wait3A_187 = arith.constant 0 : i32
      %dma_wait3A_188 = arith.constant 0 : i32
      %dma_wait3A_189 = tpu.memref_slice %arg6[%dma_wait3A_187, %dma_wait3A_188] : memref<10240x128xf32, #tpu.memory_space<vmem_shared>> -> memref<10240x128xf32, #tpu.memory_space<vmem_shared>>
      tpu.wait_indirect_dma semaphore(%run_scoped3A_169 : memref<!tpu.dma_semaphore, #tpu.memory_space<semaphore_mem>>) src(%dma_wait3A_183 : memref<80x128xf32, #tpu.memory_space<vmem>>) dst(%dma_wait3A_189 : memref<10240x128xf32, #tpu.memory_space<vmem_shared>>)
      tpu.yield
    }) : () -> ()
    %dma_wait3A_151 = arith.constant 0 : i32
    %dma_wait3A_152 = arith.constant 0 : i32
    %dma_wait3A_153 = arith.constant 0 : i32
    %dma_wait3A_154 = tpu.memref_slice %arg9[%dma_wait3A_151, %dma_wait3A_152, %dma_wait3A_153] : memref<2x80x128xf32, #tpu.memory_space<vmem>> -> memref<1x80x128xf32, #tpu.memory_space<vmem>>
    %dma_wait3A_155 = tpu.memref_squeeze %dma_wait3A_154 : memref<1x80x128xf32, #tpu.memory_space<vmem>> -> memref<80x128xf32, #tpu.memory_space<vmem>>
    %dma_wait3A_156 = arith.constant 9920 : i32
    %dma_wait3A_157 = tpu.memref_slice %arg7[%dma_wait3A_156] : memref<10000xi32, #tpu.memory_space<vmem>> -> memref<80xi32, #tpu.memory_space<vmem>>
    %dma_wait3A_158 = arith.constant 0 : i32
    %dma_wait3A_159 = arith.constant 0 : i32
    %dma_wait3A_160 = tpu.memref_slice %arg2[%dma_wait3A_158, %dma_wait3A_159] : memref<40960x128xf32, #tpu.memory_space<hbm>> -> memref<40960x128xf32, #tpu.memory_space<hbm>>
    tpu.wait_indirect_dma semaphore(%arg10 : memref<!tpu.dma_semaphore, #tpu.memory_space<semaphore_mem>>) src(%dma_wait3A_160 : memref<40960x128xf32, #tpu.memory_space<hbm>>) dst(%dma_wait3A_155 : memref<80x128xf32, #tpu.memory_space<vmem>>)
    %run_scoped3A_161 = arith.constant 0 : i32
    %run_scoped3A_162 = arith.constant 124 : i32
    "tpu.region"() ({
      %run_scoped3A_169 = tpu.sem_alloc : memref<!tpu.dma_semaphore, #tpu.memory_space<semaphore_mem>>
      %dma_start3A_170 = arith.constant 0 : i32
      %dma_start3A_171 = arith.constant 0 : i32
      %dma_start3A_172 = tpu.memref_slice %arg9[%run_scoped3A_161, %dma_start3A_170, %dma_start3A_171] : memref<2x80x128xf32, #tpu.memory_space<vmem>> -> memref<1x80x128xf32, #tpu.memory_space<vmem>>
      %dma_start3A_173 = tpu.memref_squeeze %dma_start3A_172 : memref<1x80x128xf32, #tpu.memory_space<vmem>> -> memref<80x128xf32, #tpu.memory_space<vmem>>
      %dma_start3A_174 = arith.constant 0 : i32
      %dma_start3A_175 = tpu.memref_slice %arg8[%run_scoped3A_162, %dma_start3A_174] : memref<125x80xi32, #tpu.memory_space<vmem>> -> memref<1x80xi32, #tpu.memory_space<vmem>>
      %dma_start3A_176 = tpu.memref_squeeze %dma_start3A_175 : memref<1x80xi32, #tpu.memory_space<vmem>> -> memref<80xi32, #tpu.memory_space<vmem>>
      %dma_start3A_177 = arith.constant 0 : i32
      %dma_start3A_178 = arith.constant 0 : i32
      %dma_start3A_179 = tpu.memref_slice %arg6[%dma_start3A_177, %dma_start3A_178] : memref<10240x128xf32, #tpu.memory_space<vmem_shared>> -> memref<10240x128xf32, #tpu.memory_space<vmem_shared>>
      tpu.enqueue_indirect_dma source(%dma_start3A_173 : memref<80x128xf32, #tpu.memory_space<vmem>>) target(%dma_start3A_179 : memref<10240x128xf32, #tpu.memory_space<vmem_shared>>) offsets(%dma_start3A_176 : memref<80xi32, #tpu.memory_space<vmem>>) semaphore(%run_scoped3A_169 : memref<!tpu.dma_semaphore, #tpu.memory_space<semaphore_mem>>) {add = true}
      %dma_wait3A_180 = arith.constant 0 : i32
      %dma_wait3A_181 = arith.constant 0 : i32
      %dma_wait3A_182 = tpu.memref_slice %arg9[%run_scoped3A_161, %dma_wait3A_180, %dma_wait3A_181] : memref<2x80x128xf32, #tpu.memory_space<vmem>> -> memref<1x80x128xf32, #tpu.memory_space<vmem>>
      %dma_wait3A_183 = tpu.memref_squeeze %dma_wait3A_182 : memref<1x80x128xf32, #tpu.memory_space<vmem>> -> memref<80x128xf32, #tpu.memory_space<vmem>>
      %dma_wait3A_184 = arith.constant 0 : i32
      %dma_wait3A_185 = tpu.memref_slice %arg8[%run_scoped3A_162, %dma_wait3A_184] : memref<125x80xi32, #tpu.memory_space<vmem>> -> memref<1x80xi32, #tpu.memory_space<vmem>>
      %dma_wait3A_186 = tpu.memref_squeeze %dma_wait3A_185 : memref<1x80xi32, #tpu.memory_space<vmem>> -> memref<80xi32, #tpu.memory_space<vmem>>
      %dma_wait3A_187 = arith.constant 0 : i32
      %dma_wait3A_188 = arith.constant 0 : i32
      %dma_wait3A_189 = tpu.memref_slice %arg6[%dma_wait3A_187, %dma_wait3A_188] : memref<10240x128xf32, #tpu.memory_space<vmem_shared>> -> memref<10240x128xf32, #tpu.memory_space<vmem_shared>>
      tpu.wait_indirect_dma semaphore(%run_scoped3A_169 : memref<!tpu.dma_semaphore, #tpu.memory_space<semaphore_mem>>) src(%dma_wait3A_183 : memref<80x128xf32, #tpu.memory_space<vmem>>) dst(%dma_wait3A_189 : memref<10240x128xf32, #tpu.memory_space<vmem_shared>>)
      tpu.yield
    }) : () -> ()
    %barrier3A_163 = arith.constant 0 : index
    tpu.barrier barrier_id(%barrier3A_163)
    %mul3A_164 = arith.constant 640 : i32
    %mul3A_165 = arith.muli %arg1, %mul3A_164 : i32
    %mul3A_166 = arith.constant 640 : i32
    %mul3A_167 = arith.muli %arg1, %mul3A_166 : i32
    %add3A_168 = arith.addi %mul3A_84, %mul3A_167 : i32
    "tpu.region"() ({
      %run_scoped3A_169 = tpu.sem_alloc : memref<!tpu.dma_semaphore, #tpu.memory_space<semaphore_mem>>
      %dma_start3A_170 = arith.constant 0 : i32
      %dma_start3A_171 = tpu.memref_slice %arg5[%add3A_168, %dma_start3A_170] : memref<40960x128xf32, #tpu.memory_space<hbm>> -> memref<640x128xf32, #tpu.memory_space<hbm>>
      %dma_start3A_172 = arith.constant 0 : i32
      %dma_start3A_173 = tpu.memref_slice %arg6[%mul3A_165, %dma_start3A_172] : memref<10240x128xf32, #tpu.memory_space<vmem_shared>> -> memref<640x128xf32, #tpu.memory_space<vmem_shared>>
      tpu.enqueue_dma source(%dma_start3A_173 : memref<640x128xf32, #tpu.memory_space<vmem_shared>>) target(%dma_start3A_171 : memref<640x128xf32, #tpu.memory_space<hbm>>) target_semaphore(%run_scoped3A_169 : memref<!tpu.dma_semaphore, #tpu.memory_space<semaphore_mem>>)
      %dma_wait3A_174 = arith.constant 0 : i32
      %dma_wait3A_175 = tpu.memref_slice %arg5[%add3A_168, %dma_wait3A_174] : memref<40960x128xf32, #tpu.memory_space<hbm>> -> memref<640x128xf32, #tpu.memory_space<hbm>>
      %dma_wait3A_176 = arith.constant 0 : i32
      %dma_wait3A_177 = tpu.memref_slice %arg6[%mul3A_165, %dma_wait3A_176] : memref<10240x128xf32, #tpu.memory_space<vmem_shared>> -> memref<640x128xf32, #tpu.memory_space<vmem_shared>>
      tpu.wait_dma2 semaphore(%run_scoped3A_169 : memref<!tpu.dma_semaphore, #tpu.memory_space<semaphore_mem>>) src(%dma_wait3A_177 : memref<640x128xf32, #tpu.memory_space<vmem_shared>>) dst(%dma_wait3A_175 : memref<640x128xf32, #tpu.memory_space<hbm>>)
      tpu.yield
    }) : () -> ()
    return
  }
}

#map = affine_map<(d0, d1) -> (0, 0, 0, 0)>
#map1 = affine_map<(d0, d1) -> (0, 0)>
#map2 = affine_map<(d0, d1) -> (0, 0, 0)>
module attributes {stable_mosaic.version = 14 : i64} {
  func.func @deg_kernel(%arg0: i32, %arg1: i32, %arg2: memref<16x2x50x100xi32, #tpu.memory_space<hbm>>, %arg3: memref<100x128xf32, #tpu.memory_space<hbm>>, %arg4: memref<40x128xf32, #tpu.memory_space<hbm>>, %arg5: memref<2x10240x128xf32, #tpu.memory_space<hbm>>, %arg6: memref<10240x128xf32, #tpu.memory_space<vmem_shared>>, %arg7: memref<50x100xi32, #tpu.memory_space<vmem>>, %arg8: memref<100x128xf32, #tpu.memory_space<vmem>>, %arg9: memref<40x128xf32, #tpu.memory_space<vmem>>) attributes {dimension_semantics = [#tpu.dimension_semantics<core_parallel>, #tpu.dimension_semantics<subcore_parallel>], iteration_bounds = array<i64: 2, 16>, scalar_prefetch = 0 : i64, scratch_operands = 4 : i64, tpu.core_type = #tpu.core_type<sc_vector_subcore>, window_params = [{transform_indices = #map}, {transform_indices = #map1}, {transform_indices = #map1}, {transform_indices = #map2}]} {
    "tpu.region"() ({
      %run_scoped3A = tpu.sem_alloc : memref<!tpu.dma_semaphore, #tpu.memory_space<semaphore_mem>>
      tpu.enqueue_dma source(%arg3 : memref<100x128xf32, #tpu.memory_space<hbm>>) target(%arg8 : memref<100x128xf32, #tpu.memory_space<vmem>>) target_semaphore(%run_scoped3A : memref<!tpu.dma_semaphore, #tpu.memory_space<semaphore_mem>>)
      tpu.wait_dma2 semaphore(%run_scoped3A : memref<!tpu.dma_semaphore, #tpu.memory_space<semaphore_mem>>) src(%arg3 : memref<100x128xf32, #tpu.memory_space<hbm>>) dst(%arg8 : memref<100x128xf32, #tpu.memory_space<vmem>>)
      tpu.yield
    }) : () -> ()
    "tpu.region"() ({
      %run_scoped3A = tpu.sem_alloc : memref<!tpu.dma_semaphore, #tpu.memory_space<semaphore_mem>>
      tpu.enqueue_dma source(%arg4 : memref<40x128xf32, #tpu.memory_space<hbm>>) target(%arg9 : memref<40x128xf32, #tpu.memory_space<vmem>>) target_semaphore(%run_scoped3A : memref<!tpu.dma_semaphore, #tpu.memory_space<semaphore_mem>>)
      tpu.wait_dma2 semaphore(%run_scoped3A : memref<!tpu.dma_semaphore, #tpu.memory_space<semaphore_mem>>) src(%arg4 : memref<40x128xf32, #tpu.memory_space<hbm>>) dst(%arg9 : memref<40x128xf32, #tpu.memory_space<vmem>>)
      tpu.yield
    }) : () -> ()
    %mul3A = arith.constant 640 : i32
    %mul3A_0 = arith.muli %arg1, %mul3A : i32
    %add3A = arith.constant 0 : i32
    %add3A_1 = arith.addi %mul3A_0, %add3A : i32
    "tpu.region"() ({
      %run_scoped3A = tpu.sem_alloc : memref<!tpu.dma_semaphore, #tpu.memory_space<semaphore_mem>>
      %dma_start3A = arith.constant 0 : i32
      %dma_start3A_72 = tpu.memref_slice %arg6[%add3A_1, %dma_start3A] : memref<10240x128xf32, #tpu.memory_space<vmem_shared>> -> memref<40x128xf32, #tpu.memory_space<vmem_shared>>
      %dma_start3A_73 = arith.constant 0 : i32
      %dma_start3A_74 = tpu.memref_slice %arg6[%add3A_1, %dma_start3A_73] : memref<10240x128xf32, #tpu.memory_space<vmem_shared>> -> memref<40x128xf32, #tpu.memory_space<vmem_shared>>
      tpu.enqueue_dma source(%arg9 : memref<40x128xf32, #tpu.memory_space<vmem>>) target(%dma_start3A_74 : memref<40x128xf32, #tpu.memory_space<vmem_shared>>) target_semaphore(%run_scoped3A : memref<!tpu.dma_semaphore, #tpu.memory_space<semaphore_mem>>)
      %dma_wait3A = arith.constant 0 : i32
      %dma_wait3A_75 = tpu.memref_slice %arg6[%add3A_1, %dma_wait3A] : memref<10240x128xf32, #tpu.memory_space<vmem_shared>> -> memref<40x128xf32, #tpu.memory_space<vmem_shared>>
      %dma_wait3A_76 = arith.constant 0 : i32
      %dma_wait3A_77 = tpu.memref_slice %arg6[%add3A_1, %dma_wait3A_76] : memref<10240x128xf32, #tpu.memory_space<vmem_shared>> -> memref<40x128xf32, #tpu.memory_space<vmem_shared>>
      tpu.wait_dma2 semaphore(%run_scoped3A : memref<!tpu.dma_semaphore, #tpu.memory_space<semaphore_mem>>) src(%arg9 : memref<40x128xf32, #tpu.memory_space<vmem>>) dst(%dma_wait3A_77 : memref<40x128xf32, #tpu.memory_space<vmem_shared>>)
      tpu.yield
    }) : () -> ()
    %mul3A_2 = arith.constant 640 : i32
    %mul3A_3 = arith.muli %arg1, %mul3A_2 : i32
    %add3A_4 = arith.constant 40 : i32
    %add3A_5 = arith.addi %mul3A_3, %add3A_4 : i32
    "tpu.region"() ({
      %run_scoped3A = tpu.sem_alloc : memref<!tpu.dma_semaphore, #tpu.memory_space<semaphore_mem>>
      %dma_start3A = arith.constant 0 : i32
      %dma_start3A_72 = tpu.memref_slice %arg6[%add3A_5, %dma_start3A] : memref<10240x128xf32, #tpu.memory_space<vmem_shared>> -> memref<40x128xf32, #tpu.memory_space<vmem_shared>>
      %dma_start3A_73 = arith.constant 0 : i32
      %dma_start3A_74 = tpu.memref_slice %arg6[%add3A_5, %dma_start3A_73] : memref<10240x128xf32, #tpu.memory_space<vmem_shared>> -> memref<40x128xf32, #tpu.memory_space<vmem_shared>>
      tpu.enqueue_dma source(%arg9 : memref<40x128xf32, #tpu.memory_space<vmem>>) target(%dma_start3A_74 : memref<40x128xf32, #tpu.memory_space<vmem_shared>>) target_semaphore(%run_scoped3A : memref<!tpu.dma_semaphore, #tpu.memory_space<semaphore_mem>>)
      %dma_wait3A = arith.constant 0 : i32
      %dma_wait3A_75 = tpu.memref_slice %arg6[%add3A_5, %dma_wait3A] : memref<10240x128xf32, #tpu.memory_space<vmem_shared>> -> memref<40x128xf32, #tpu.memory_space<vmem_shared>>
      %dma_wait3A_76 = arith.constant 0 : i32
      %dma_wait3A_77 = tpu.memref_slice %arg6[%add3A_5, %dma_wait3A_76] : memref<10240x128xf32, #tpu.memory_space<vmem_shared>> -> memref<40x128xf32, #tpu.memory_space<vmem_shared>>
      tpu.wait_dma2 semaphore(%run_scoped3A : memref<!tpu.dma_semaphore, #tpu.memory_space<semaphore_mem>>) src(%arg9 : memref<40x128xf32, #tpu.memory_space<vmem>>) dst(%dma_wait3A_77 : memref<40x128xf32, #tpu.memory_space<vmem_shared>>)
      tpu.yield
    }) : () -> ()
    %mul3A_6 = arith.constant 640 : i32
    %mul3A_7 = arith.muli %arg1, %mul3A_6 : i32
    %add3A_8 = arith.constant 80 : i32
    %add3A_9 = arith.addi %mul3A_7, %add3A_8 : i32
    "tpu.region"() ({
      %run_scoped3A = tpu.sem_alloc : memref<!tpu.dma_semaphore, #tpu.memory_space<semaphore_mem>>
      %dma_start3A = arith.constant 0 : i32
      %dma_start3A_72 = tpu.memref_slice %arg6[%add3A_9, %dma_start3A] : memref<10240x128xf32, #tpu.memory_space<vmem_shared>> -> memref<40x128xf32, #tpu.memory_space<vmem_shared>>
      %dma_start3A_73 = arith.constant 0 : i32
      %dma_start3A_74 = tpu.memref_slice %arg6[%add3A_9, %dma_start3A_73] : memref<10240x128xf32, #tpu.memory_space<vmem_shared>> -> memref<40x128xf32, #tpu.memory_space<vmem_shared>>
      tpu.enqueue_dma source(%arg9 : memref<40x128xf32, #tpu.memory_space<vmem>>) target(%dma_start3A_74 : memref<40x128xf32, #tpu.memory_space<vmem_shared>>) target_semaphore(%run_scoped3A : memref<!tpu.dma_semaphore, #tpu.memory_space<semaphore_mem>>)
      %dma_wait3A = arith.constant 0 : i32
      %dma_wait3A_75 = tpu.memref_slice %arg6[%add3A_9, %dma_wait3A] : memref<10240x128xf32, #tpu.memory_space<vmem_shared>> -> memref<40x128xf32, #tpu.memory_space<vmem_shared>>
      %dma_wait3A_76 = arith.constant 0 : i32
      %dma_wait3A_77 = tpu.memref_slice %arg6[%add3A_9, %dma_wait3A_76] : memref<10240x128xf32, #tpu.memory_space<vmem_shared>> -> memref<40x128xf32, #tpu.memory_space<vmem_shared>>
      tpu.wait_dma2 semaphore(%run_scoped3A : memref<!tpu.dma_semaphore, #tpu.memory_space<semaphore_mem>>) src(%arg9 : memref<40x128xf32, #tpu.memory_space<vmem>>) dst(%dma_wait3A_77 : memref<40x128xf32, #tpu.memory_space<vmem_shared>>)
      tpu.yield
    }) : () -> ()
    %mul3A_10 = arith.constant 640 : i32
    %mul3A_11 = arith.muli %arg1, %mul3A_10 : i32
    %add3A_12 = arith.constant 120 : i32
    %add3A_13 = arith.addi %mul3A_11, %add3A_12 : i32
    "tpu.region"() ({
      %run_scoped3A = tpu.sem_alloc : memref<!tpu.dma_semaphore, #tpu.memory_space<semaphore_mem>>
      %dma_start3A = arith.constant 0 : i32
      %dma_start3A_72 = tpu.memref_slice %arg6[%add3A_13, %dma_start3A] : memref<10240x128xf32, #tpu.memory_space<vmem_shared>> -> memref<40x128xf32, #tpu.memory_space<vmem_shared>>
      %dma_start3A_73 = arith.constant 0 : i32
      %dma_start3A_74 = tpu.memref_slice %arg6[%add3A_13, %dma_start3A_73] : memref<10240x128xf32, #tpu.memory_space<vmem_shared>> -> memref<40x128xf32, #tpu.memory_space<vmem_shared>>
      tpu.enqueue_dma source(%arg9 : memref<40x128xf32, #tpu.memory_space<vmem>>) target(%dma_start3A_74 : memref<40x128xf32, #tpu.memory_space<vmem_shared>>) target_semaphore(%run_scoped3A : memref<!tpu.dma_semaphore, #tpu.memory_space<semaphore_mem>>)
      %dma_wait3A = arith.constant 0 : i32
      %dma_wait3A_75 = tpu.memref_slice %arg6[%add3A_13, %dma_wait3A] : memref<10240x128xf32, #tpu.memory_space<vmem_shared>> -> memref<40x128xf32, #tpu.memory_space<vmem_shared>>
      %dma_wait3A_76 = arith.constant 0 : i32
      %dma_wait3A_77 = tpu.memref_slice %arg6[%add3A_13, %dma_wait3A_76] : memref<10240x128xf32, #tpu.memory_space<vmem_shared>> -> memref<40x128xf32, #tpu.memory_space<vmem_shared>>
      tpu.wait_dma2 semaphore(%run_scoped3A : memref<!tpu.dma_semaphore, #tpu.memory_space<semaphore_mem>>) src(%arg9 : memref<40x128xf32, #tpu.memory_space<vmem>>) dst(%dma_wait3A_77 : memref<40x128xf32, #tpu.memory_space<vmem_shared>>)
      tpu.yield
    }) : () -> ()
    %mul3A_14 = arith.constant 640 : i32
    %mul3A_15 = arith.muli %arg1, %mul3A_14 : i32
    %add3A_16 = arith.constant 160 : i32
    %add3A_17 = arith.addi %mul3A_15, %add3A_16 : i32
    "tpu.region"() ({
      %run_scoped3A = tpu.sem_alloc : memref<!tpu.dma_semaphore, #tpu.memory_space<semaphore_mem>>
      %dma_start3A = arith.constant 0 : i32
      %dma_start3A_72 = tpu.memref_slice %arg6[%add3A_17, %dma_start3A] : memref<10240x128xf32, #tpu.memory_space<vmem_shared>> -> memref<40x128xf32, #tpu.memory_space<vmem_shared>>
      %dma_start3A_73 = arith.constant 0 : i32
      %dma_start3A_74 = tpu.memref_slice %arg6[%add3A_17, %dma_start3A_73] : memref<10240x128xf32, #tpu.memory_space<vmem_shared>> -> memref<40x128xf32, #tpu.memory_space<vmem_shared>>
      tpu.enqueue_dma source(%arg9 : memref<40x128xf32, #tpu.memory_space<vmem>>) target(%dma_start3A_74 : memref<40x128xf32, #tpu.memory_space<vmem_shared>>) target_semaphore(%run_scoped3A : memref<!tpu.dma_semaphore, #tpu.memory_space<semaphore_mem>>)
      %dma_wait3A = arith.constant 0 : i32
      %dma_wait3A_75 = tpu.memref_slice %arg6[%add3A_17, %dma_wait3A] : memref<10240x128xf32, #tpu.memory_space<vmem_shared>> -> memref<40x128xf32, #tpu.memory_space<vmem_shared>>
      %dma_wait3A_76 = arith.constant 0 : i32
      %dma_wait3A_77 = tpu.memref_slice %arg6[%add3A_17, %dma_wait3A_76] : memref<10240x128xf32, #tpu.memory_space<vmem_shared>> -> memref<40x128xf32, #tpu.memory_space<vmem_shared>>
      tpu.wait_dma2 semaphore(%run_scoped3A : memref<!tpu.dma_semaphore, #tpu.memory_space<semaphore_mem>>) src(%arg9 : memref<40x128xf32, #tpu.memory_space<vmem>>) dst(%dma_wait3A_77 : memref<40x128xf32, #tpu.memory_space<vmem_shared>>)
      tpu.yield
    }) : () -> ()
    %mul3A_18 = arith.constant 640 : i32
    %mul3A_19 = arith.muli %arg1, %mul3A_18 : i32
    %add3A_20 = arith.constant 200 : i32
    %add3A_21 = arith.addi %mul3A_19, %add3A_20 : i32
    "tpu.region"() ({
      %run_scoped3A = tpu.sem_alloc : memref<!tpu.dma_semaphore, #tpu.memory_space<semaphore_mem>>
      %dma_start3A = arith.constant 0 : i32
      %dma_start3A_72 = tpu.memref_slice %arg6[%add3A_21, %dma_start3A] : memref<10240x128xf32, #tpu.memory_space<vmem_shared>> -> memref<40x128xf32, #tpu.memory_space<vmem_shared>>
      %dma_start3A_73 = arith.constant 0 : i32
      %dma_start3A_74 = tpu.memref_slice %arg6[%add3A_21, %dma_start3A_73] : memref<10240x128xf32, #tpu.memory_space<vmem_shared>> -> memref<40x128xf32, #tpu.memory_space<vmem_shared>>
      tpu.enqueue_dma source(%arg9 : memref<40x128xf32, #tpu.memory_space<vmem>>) target(%dma_start3A_74 : memref<40x128xf32, #tpu.memory_space<vmem_shared>>) target_semaphore(%run_scoped3A : memref<!tpu.dma_semaphore, #tpu.memory_space<semaphore_mem>>)
      %dma_wait3A = arith.constant 0 : i32
      %dma_wait3A_75 = tpu.memref_slice %arg6[%add3A_21, %dma_wait3A] : memref<10240x128xf32, #tpu.memory_space<vmem_shared>> -> memref<40x128xf32, #tpu.memory_space<vmem_shared>>
      %dma_wait3A_76 = arith.constant 0 : i32
      %dma_wait3A_77 = tpu.memref_slice %arg6[%add3A_21, %dma_wait3A_76] : memref<10240x128xf32, #tpu.memory_space<vmem_shared>> -> memref<40x128xf32, #tpu.memory_space<vmem_shared>>
      tpu.wait_dma2 semaphore(%run_scoped3A : memref<!tpu.dma_semaphore, #tpu.memory_space<semaphore_mem>>) src(%arg9 : memref<40x128xf32, #tpu.memory_space<vmem>>) dst(%dma_wait3A_77 : memref<40x128xf32, #tpu.memory_space<vmem_shared>>)
      tpu.yield
    }) : () -> ()
    %mul3A_22 = arith.constant 640 : i32
    %mul3A_23 = arith.muli %arg1, %mul3A_22 : i32
    %add3A_24 = arith.constant 240 : i32
    %add3A_25 = arith.addi %mul3A_23, %add3A_24 : i32
    "tpu.region"() ({
      %run_scoped3A = tpu.sem_alloc : memref<!tpu.dma_semaphore, #tpu.memory_space<semaphore_mem>>
      %dma_start3A = arith.constant 0 : i32
      %dma_start3A_72 = tpu.memref_slice %arg6[%add3A_25, %dma_start3A] : memref<10240x128xf32, #tpu.memory_space<vmem_shared>> -> memref<40x128xf32, #tpu.memory_space<vmem_shared>>
      %dma_start3A_73 = arith.constant 0 : i32
      %dma_start3A_74 = tpu.memref_slice %arg6[%add3A_25, %dma_start3A_73] : memref<10240x128xf32, #tpu.memory_space<vmem_shared>> -> memref<40x128xf32, #tpu.memory_space<vmem_shared>>
      tpu.enqueue_dma source(%arg9 : memref<40x128xf32, #tpu.memory_space<vmem>>) target(%dma_start3A_74 : memref<40x128xf32, #tpu.memory_space<vmem_shared>>) target_semaphore(%run_scoped3A : memref<!tpu.dma_semaphore, #tpu.memory_space<semaphore_mem>>)
      %dma_wait3A = arith.constant 0 : i32
      %dma_wait3A_75 = tpu.memref_slice %arg6[%add3A_25, %dma_wait3A] : memref<10240x128xf32, #tpu.memory_space<vmem_shared>> -> memref<40x128xf32, #tpu.memory_space<vmem_shared>>
      %dma_wait3A_76 = arith.constant 0 : i32
      %dma_wait3A_77 = tpu.memref_slice %arg6[%add3A_25, %dma_wait3A_76] : memref<10240x128xf32, #tpu.memory_space<vmem_shared>> -> memref<40x128xf32, #tpu.memory_space<vmem_shared>>
      tpu.wait_dma2 semaphore(%run_scoped3A : memref<!tpu.dma_semaphore, #tpu.memory_space<semaphore_mem>>) src(%arg9 : memref<40x128xf32, #tpu.memory_space<vmem>>) dst(%dma_wait3A_77 : memref<40x128xf32, #tpu.memory_space<vmem_shared>>)
      tpu.yield
    }) : () -> ()
    %mul3A_26 = arith.constant 640 : i32
    %mul3A_27 = arith.muli %arg1, %mul3A_26 : i32
    %add3A_28 = arith.constant 280 : i32
    %add3A_29 = arith.addi %mul3A_27, %add3A_28 : i32
    "tpu.region"() ({
      %run_scoped3A = tpu.sem_alloc : memref<!tpu.dma_semaphore, #tpu.memory_space<semaphore_mem>>
      %dma_start3A = arith.constant 0 : i32
      %dma_start3A_72 = tpu.memref_slice %arg6[%add3A_29, %dma_start3A] : memref<10240x128xf32, #tpu.memory_space<vmem_shared>> -> memref<40x128xf32, #tpu.memory_space<vmem_shared>>
      %dma_start3A_73 = arith.constant 0 : i32
      %dma_start3A_74 = tpu.memref_slice %arg6[%add3A_29, %dma_start3A_73] : memref<10240x128xf32, #tpu.memory_space<vmem_shared>> -> memref<40x128xf32, #tpu.memory_space<vmem_shared>>
      tpu.enqueue_dma source(%arg9 : memref<40x128xf32, #tpu.memory_space<vmem>>) target(%dma_start3A_74 : memref<40x128xf32, #tpu.memory_space<vmem_shared>>) target_semaphore(%run_scoped3A : memref<!tpu.dma_semaphore, #tpu.memory_space<semaphore_mem>>)
      %dma_wait3A = arith.constant 0 : i32
      %dma_wait3A_75 = tpu.memref_slice %arg6[%add3A_29, %dma_wait3A] : memref<10240x128xf32, #tpu.memory_space<vmem_shared>> -> memref<40x128xf32, #tpu.memory_space<vmem_shared>>
      %dma_wait3A_76 = arith.constant 0 : i32
      %dma_wait3A_77 = tpu.memref_slice %arg6[%add3A_29, %dma_wait3A_76] : memref<10240x128xf32, #tpu.memory_space<vmem_shared>> -> memref<40x128xf32, #tpu.memory_space<vmem_shared>>
      tpu.wait_dma2 semaphore(%run_scoped3A : memref<!tpu.dma_semaphore, #tpu.memory_space<semaphore_mem>>) src(%arg9 : memref<40x128xf32, #tpu.memory_space<vmem>>) dst(%dma_wait3A_77 : memref<40x128xf32, #tpu.memory_space<vmem_shared>>)
      tpu.yield
    }) : () -> ()
    %mul3A_30 = arith.constant 640 : i32
    %mul3A_31 = arith.muli %arg1, %mul3A_30 : i32
    %add3A_32 = arith.constant 320 : i32
    %add3A_33 = arith.addi %mul3A_31, %add3A_32 : i32
    "tpu.region"() ({
      %run_scoped3A = tpu.sem_alloc : memref<!tpu.dma_semaphore, #tpu.memory_space<semaphore_mem>>
      %dma_start3A = arith.constant 0 : i32
      %dma_start3A_72 = tpu.memref_slice %arg6[%add3A_33, %dma_start3A] : memref<10240x128xf32, #tpu.memory_space<vmem_shared>> -> memref<40x128xf32, #tpu.memory_space<vmem_shared>>
      %dma_start3A_73 = arith.constant 0 : i32
      %dma_start3A_74 = tpu.memref_slice %arg6[%add3A_33, %dma_start3A_73] : memref<10240x128xf32, #tpu.memory_space<vmem_shared>> -> memref<40x128xf32, #tpu.memory_space<vmem_shared>>
      tpu.enqueue_dma source(%arg9 : memref<40x128xf32, #tpu.memory_space<vmem>>) target(%dma_start3A_74 : memref<40x128xf32, #tpu.memory_space<vmem_shared>>) target_semaphore(%run_scoped3A : memref<!tpu.dma_semaphore, #tpu.memory_space<semaphore_mem>>)
      %dma_wait3A = arith.constant 0 : i32
      %dma_wait3A_75 = tpu.memref_slice %arg6[%add3A_33, %dma_wait3A] : memref<10240x128xf32, #tpu.memory_space<vmem_shared>> -> memref<40x128xf32, #tpu.memory_space<vmem_shared>>
      %dma_wait3A_76 = arith.constant 0 : i32
      %dma_wait3A_77 = tpu.memref_slice %arg6[%add3A_33, %dma_wait3A_76] : memref<10240x128xf32, #tpu.memory_space<vmem_shared>> -> memref<40x128xf32, #tpu.memory_space<vmem_shared>>
      tpu.wait_dma2 semaphore(%run_scoped3A : memref<!tpu.dma_semaphore, #tpu.memory_space<semaphore_mem>>) src(%arg9 : memref<40x128xf32, #tpu.memory_space<vmem>>) dst(%dma_wait3A_77 : memref<40x128xf32, #tpu.memory_space<vmem_shared>>)
      tpu.yield
    }) : () -> ()
    %mul3A_34 = arith.constant 640 : i32
    %mul3A_35 = arith.muli %arg1, %mul3A_34 : i32
    %add3A_36 = arith.constant 360 : i32
    %add3A_37 = arith.addi %mul3A_35, %add3A_36 : i32
    "tpu.region"() ({
      %run_scoped3A = tpu.sem_alloc : memref<!tpu.dma_semaphore, #tpu.memory_space<semaphore_mem>>
      %dma_start3A = arith.constant 0 : i32
      %dma_start3A_72 = tpu.memref_slice %arg6[%add3A_37, %dma_start3A] : memref<10240x128xf32, #tpu.memory_space<vmem_shared>> -> memref<40x128xf32, #tpu.memory_space<vmem_shared>>
      %dma_start3A_73 = arith.constant 0 : i32
      %dma_start3A_74 = tpu.memref_slice %arg6[%add3A_37, %dma_start3A_73] : memref<10240x128xf32, #tpu.memory_space<vmem_shared>> -> memref<40x128xf32, #tpu.memory_space<vmem_shared>>
      tpu.enqueue_dma source(%arg9 : memref<40x128xf32, #tpu.memory_space<vmem>>) target(%dma_start3A_74 : memref<40x128xf32, #tpu.memory_space<vmem_shared>>) target_semaphore(%run_scoped3A : memref<!tpu.dma_semaphore, #tpu.memory_space<semaphore_mem>>)
      %dma_wait3A = arith.constant 0 : i32
      %dma_wait3A_75 = tpu.memref_slice %arg6[%add3A_37, %dma_wait3A] : memref<10240x128xf32, #tpu.memory_space<vmem_shared>> -> memref<40x128xf32, #tpu.memory_space<vmem_shared>>
      %dma_wait3A_76 = arith.constant 0 : i32
      %dma_wait3A_77 = tpu.memref_slice %arg6[%add3A_37, %dma_wait3A_76] : memref<10240x128xf32, #tpu.memory_space<vmem_shared>> -> memref<40x128xf32, #tpu.memory_space<vmem_shared>>
      tpu.wait_dma2 semaphore(%run_scoped3A : memref<!tpu.dma_semaphore, #tpu.memory_space<semaphore_mem>>) src(%arg9 : memref<40x128xf32, #tpu.memory_space<vmem>>) dst(%dma_wait3A_77 : memref<40x128xf32, #tpu.memory_space<vmem_shared>>)
      tpu.yield
    }) : () -> ()
    %mul3A_38 = arith.constant 640 : i32
    %mul3A_39 = arith.muli %arg1, %mul3A_38 : i32
    %add3A_40 = arith.constant 400 : i32
    %add3A_41 = arith.addi %mul3A_39, %add3A_40 : i32
    "tpu.region"() ({
      %run_scoped3A = tpu.sem_alloc : memref<!tpu.dma_semaphore, #tpu.memory_space<semaphore_mem>>
      %dma_start3A = arith.constant 0 : i32
      %dma_start3A_72 = tpu.memref_slice %arg6[%add3A_41, %dma_start3A] : memref<10240x128xf32, #tpu.memory_space<vmem_shared>> -> memref<40x128xf32, #tpu.memory_space<vmem_shared>>
      %dma_start3A_73 = arith.constant 0 : i32
      %dma_start3A_74 = tpu.memref_slice %arg6[%add3A_41, %dma_start3A_73] : memref<10240x128xf32, #tpu.memory_space<vmem_shared>> -> memref<40x128xf32, #tpu.memory_space<vmem_shared>>
      tpu.enqueue_dma source(%arg9 : memref<40x128xf32, #tpu.memory_space<vmem>>) target(%dma_start3A_74 : memref<40x128xf32, #tpu.memory_space<vmem_shared>>) target_semaphore(%run_scoped3A : memref<!tpu.dma_semaphore, #tpu.memory_space<semaphore_mem>>)
      %dma_wait3A = arith.constant 0 : i32
      %dma_wait3A_75 = tpu.memref_slice %arg6[%add3A_41, %dma_wait3A] : memref<10240x128xf32, #tpu.memory_space<vmem_shared>> -> memref<40x128xf32, #tpu.memory_space<vmem_shared>>
      %dma_wait3A_76 = arith.constant 0 : i32
      %dma_wait3A_77 = tpu.memref_slice %arg6[%add3A_41, %dma_wait3A_76] : memref<10240x128xf32, #tpu.memory_space<vmem_shared>> -> memref<40x128xf32, #tpu.memory_space<vmem_shared>>
      tpu.wait_dma2 semaphore(%run_scoped3A : memref<!tpu.dma_semaphore, #tpu.memory_space<semaphore_mem>>) src(%arg9 : memref<40x128xf32, #tpu.memory_space<vmem>>) dst(%dma_wait3A_77 : memref<40x128xf32, #tpu.memory_space<vmem_shared>>)
      tpu.yield
    }) : () -> ()
    %mul3A_42 = arith.constant 640 : i32
    %mul3A_43 = arith.muli %arg1, %mul3A_42 : i32
    %add3A_44 = arith.constant 440 : i32
    %add3A_45 = arith.addi %mul3A_43, %add3A_44 : i32
    "tpu.region"() ({
      %run_scoped3A = tpu.sem_alloc : memref<!tpu.dma_semaphore, #tpu.memory_space<semaphore_mem>>
      %dma_start3A = arith.constant 0 : i32
      %dma_start3A_72 = tpu.memref_slice %arg6[%add3A_45, %dma_start3A] : memref<10240x128xf32, #tpu.memory_space<vmem_shared>> -> memref<40x128xf32, #tpu.memory_space<vmem_shared>>
      %dma_start3A_73 = arith.constant 0 : i32
      %dma_start3A_74 = tpu.memref_slice %arg6[%add3A_45, %dma_start3A_73] : memref<10240x128xf32, #tpu.memory_space<vmem_shared>> -> memref<40x128xf32, #tpu.memory_space<vmem_shared>>
      tpu.enqueue_dma source(%arg9 : memref<40x128xf32, #tpu.memory_space<vmem>>) target(%dma_start3A_74 : memref<40x128xf32, #tpu.memory_space<vmem_shared>>) target_semaphore(%run_scoped3A : memref<!tpu.dma_semaphore, #tpu.memory_space<semaphore_mem>>)
      %dma_wait3A = arith.constant 0 : i32
      %dma_wait3A_75 = tpu.memref_slice %arg6[%add3A_45, %dma_wait3A] : memref<10240x128xf32, #tpu.memory_space<vmem_shared>> -> memref<40x128xf32, #tpu.memory_space<vmem_shared>>
      %dma_wait3A_76 = arith.constant 0 : i32
      %dma_wait3A_77 = tpu.memref_slice %arg6[%add3A_45, %dma_wait3A_76] : memref<10240x128xf32, #tpu.memory_space<vmem_shared>> -> memref<40x128xf32, #tpu.memory_space<vmem_shared>>
      tpu.wait_dma2 semaphore(%run_scoped3A : memref<!tpu.dma_semaphore, #tpu.memory_space<semaphore_mem>>) src(%arg9 : memref<40x128xf32, #tpu.memory_space<vmem>>) dst(%dma_wait3A_77 : memref<40x128xf32, #tpu.memory_space<vmem_shared>>)
      tpu.yield
    }) : () -> ()
    %mul3A_46 = arith.constant 640 : i32
    %mul3A_47 = arith.muli %arg1, %mul3A_46 : i32
    %add3A_48 = arith.constant 480 : i32
    %add3A_49 = arith.addi %mul3A_47, %add3A_48 : i32
    "tpu.region"() ({
      %run_scoped3A = tpu.sem_alloc : memref<!tpu.dma_semaphore, #tpu.memory_space<semaphore_mem>>
      %dma_start3A = arith.constant 0 : i32
      %dma_start3A_72 = tpu.memref_slice %arg6[%add3A_49, %dma_start3A] : memref<10240x128xf32, #tpu.memory_space<vmem_shared>> -> memref<40x128xf32, #tpu.memory_space<vmem_shared>>
      %dma_start3A_73 = arith.constant 0 : i32
      %dma_start3A_74 = tpu.memref_slice %arg6[%add3A_49, %dma_start3A_73] : memref<10240x128xf32, #tpu.memory_space<vmem_shared>> -> memref<40x128xf32, #tpu.memory_space<vmem_shared>>
      tpu.enqueue_dma source(%arg9 : memref<40x128xf32, #tpu.memory_space<vmem>>) target(%dma_start3A_74 : memref<40x128xf32, #tpu.memory_space<vmem_shared>>) target_semaphore(%run_scoped3A : memref<!tpu.dma_semaphore, #tpu.memory_space<semaphore_mem>>)
      %dma_wait3A = arith.constant 0 : i32
      %dma_wait3A_75 = tpu.memref_slice %arg6[%add3A_49, %dma_wait3A] : memref<10240x128xf32, #tpu.memory_space<vmem_shared>> -> memref<40x128xf32, #tpu.memory_space<vmem_shared>>
      %dma_wait3A_76 = arith.constant 0 : i32
      %dma_wait3A_77 = tpu.memref_slice %arg6[%add3A_49, %dma_wait3A_76] : memref<10240x128xf32, #tpu.memory_space<vmem_shared>> -> memref<40x128xf32, #tpu.memory_space<vmem_shared>>
      tpu.wait_dma2 semaphore(%run_scoped3A : memref<!tpu.dma_semaphore, #tpu.memory_space<semaphore_mem>>) src(%arg9 : memref<40x128xf32, #tpu.memory_space<vmem>>) dst(%dma_wait3A_77 : memref<40x128xf32, #tpu.memory_space<vmem_shared>>)
      tpu.yield
    }) : () -> ()
    %mul3A_50 = arith.constant 640 : i32
    %mul3A_51 = arith.muli %arg1, %mul3A_50 : i32
    %add3A_52 = arith.constant 520 : i32
    %add3A_53 = arith.addi %mul3A_51, %add3A_52 : i32
    "tpu.region"() ({
      %run_scoped3A = tpu.sem_alloc : memref<!tpu.dma_semaphore, #tpu.memory_space<semaphore_mem>>
      %dma_start3A = arith.constant 0 : i32
      %dma_start3A_72 = tpu.memref_slice %arg6[%add3A_53, %dma_start3A] : memref<10240x128xf32, #tpu.memory_space<vmem_shared>> -> memref<40x128xf32, #tpu.memory_space<vmem_shared>>
      %dma_start3A_73 = arith.constant 0 : i32
      %dma_start3A_74 = tpu.memref_slice %arg6[%add3A_53, %dma_start3A_73] : memref<10240x128xf32, #tpu.memory_space<vmem_shared>> -> memref<40x128xf32, #tpu.memory_space<vmem_shared>>
      tpu.enqueue_dma source(%arg9 : memref<40x128xf32, #tpu.memory_space<vmem>>) target(%dma_start3A_74 : memref<40x128xf32, #tpu.memory_space<vmem_shared>>) target_semaphore(%run_scoped3A : memref<!tpu.dma_semaphore, #tpu.memory_space<semaphore_mem>>)
      %dma_wait3A = arith.constant 0 : i32
      %dma_wait3A_75 = tpu.memref_slice %arg6[%add3A_53, %dma_wait3A] : memref<10240x128xf32, #tpu.memory_space<vmem_shared>> -> memref<40x128xf32, #tpu.memory_space<vmem_shared>>
      %dma_wait3A_76 = arith.constant 0 : i32
      %dma_wait3A_77 = tpu.memref_slice %arg6[%add3A_53, %dma_wait3A_76] : memref<10240x128xf32, #tpu.memory_space<vmem_shared>> -> memref<40x128xf32, #tpu.memory_space<vmem_shared>>
      tpu.wait_dma2 semaphore(%run_scoped3A : memref<!tpu.dma_semaphore, #tpu.memory_space<semaphore_mem>>) src(%arg9 : memref<40x128xf32, #tpu.memory_space<vmem>>) dst(%dma_wait3A_77 : memref<40x128xf32, #tpu.memory_space<vmem_shared>>)
      tpu.yield
    }) : () -> ()
    %mul3A_54 = arith.constant 640 : i32
    %mul3A_55 = arith.muli %arg1, %mul3A_54 : i32
    %add3A_56 = arith.constant 560 : i32
    %add3A_57 = arith.addi %mul3A_55, %add3A_56 : i32
    "tpu.region"() ({
      %run_scoped3A = tpu.sem_alloc : memref<!tpu.dma_semaphore, #tpu.memory_space<semaphore_mem>>
      %dma_start3A = arith.constant 0 : i32
      %dma_start3A_72 = tpu.memref_slice %arg6[%add3A_57, %dma_start3A] : memref<10240x128xf32, #tpu.memory_space<vmem_shared>> -> memref<40x128xf32, #tpu.memory_space<vmem_shared>>
      %dma_start3A_73 = arith.constant 0 : i32
      %dma_start3A_74 = tpu.memref_slice %arg6[%add3A_57, %dma_start3A_73] : memref<10240x128xf32, #tpu.memory_space<vmem_shared>> -> memref<40x128xf32, #tpu.memory_space<vmem_shared>>
      tpu.enqueue_dma source(%arg9 : memref<40x128xf32, #tpu.memory_space<vmem>>) target(%dma_start3A_74 : memref<40x128xf32, #tpu.memory_space<vmem_shared>>) target_semaphore(%run_scoped3A : memref<!tpu.dma_semaphore, #tpu.memory_space<semaphore_mem>>)
      %dma_wait3A = arith.constant 0 : i32
      %dma_wait3A_75 = tpu.memref_slice %arg6[%add3A_57, %dma_wait3A] : memref<10240x128xf32, #tpu.memory_space<vmem_shared>> -> memref<40x128xf32, #tpu.memory_space<vmem_shared>>
      %dma_wait3A_76 = arith.constant 0 : i32
      %dma_wait3A_77 = tpu.memref_slice %arg6[%add3A_57, %dma_wait3A_76] : memref<10240x128xf32, #tpu.memory_space<vmem_shared>> -> memref<40x128xf32, #tpu.memory_space<vmem_shared>>
      tpu.wait_dma2 semaphore(%run_scoped3A : memref<!tpu.dma_semaphore, #tpu.memory_space<semaphore_mem>>) src(%arg9 : memref<40x128xf32, #tpu.memory_space<vmem>>) dst(%dma_wait3A_77 : memref<40x128xf32, #tpu.memory_space<vmem_shared>>)
      tpu.yield
    }) : () -> ()
    %mul3A_58 = arith.constant 640 : i32
    %mul3A_59 = arith.muli %arg1, %mul3A_58 : i32
    %add3A_60 = arith.constant 600 : i32
    %add3A_61 = arith.addi %mul3A_59, %add3A_60 : i32
    "tpu.region"() ({
      %run_scoped3A = tpu.sem_alloc : memref<!tpu.dma_semaphore, #tpu.memory_space<semaphore_mem>>
      %dma_start3A = arith.constant 0 : i32
      %dma_start3A_72 = tpu.memref_slice %arg6[%add3A_61, %dma_start3A] : memref<10240x128xf32, #tpu.memory_space<vmem_shared>> -> memref<40x128xf32, #tpu.memory_space<vmem_shared>>
      %dma_start3A_73 = arith.constant 0 : i32
      %dma_start3A_74 = tpu.memref_slice %arg6[%add3A_61, %dma_start3A_73] : memref<10240x128xf32, #tpu.memory_space<vmem_shared>> -> memref<40x128xf32, #tpu.memory_space<vmem_shared>>
      tpu.enqueue_dma source(%arg9 : memref<40x128xf32, #tpu.memory_space<vmem>>) target(%dma_start3A_74 : memref<40x128xf32, #tpu.memory_space<vmem_shared>>) target_semaphore(%run_scoped3A : memref<!tpu.dma_semaphore, #tpu.memory_space<semaphore_mem>>)
      %dma_wait3A = arith.constant 0 : i32
      %dma_wait3A_75 = tpu.memref_slice %arg6[%add3A_61, %dma_wait3A] : memref<10240x128xf32, #tpu.memory_space<vmem_shared>> -> memref<40x128xf32, #tpu.memory_space<vmem_shared>>
      %dma_wait3A_76 = arith.constant 0 : i32
      %dma_wait3A_77 = tpu.memref_slice %arg6[%add3A_61, %dma_wait3A_76] : memref<10240x128xf32, #tpu.memory_space<vmem_shared>> -> memref<40x128xf32, #tpu.memory_space<vmem_shared>>
      tpu.wait_dma2 semaphore(%run_scoped3A : memref<!tpu.dma_semaphore, #tpu.memory_space<semaphore_mem>>) src(%arg9 : memref<40x128xf32, #tpu.memory_space<vmem>>) dst(%dma_wait3A_77 : memref<40x128xf32, #tpu.memory_space<vmem_shared>>)
      tpu.yield
    }) : () -> ()
    "tpu.region"() ({
      %run_scoped3A = tpu.sem_alloc : memref<!tpu.dma_semaphore, #tpu.memory_space<semaphore_mem>>
      %dma_start3A = arith.constant 0 : i32
      %dma_start3A_72 = arith.constant 0 : i32
      %dma_start3A_73 = tpu.memref_slice %arg2[%arg1, %arg0, %dma_start3A, %dma_start3A_72] : memref<16x2x50x100xi32, #tpu.memory_space<hbm>> -> memref<1x1x50x100xi32, #tpu.memory_space<hbm>>
      %dma_start3A_74 = tpu.memref_squeeze %dma_start3A_73 : memref<1x1x50x100xi32, #tpu.memory_space<hbm>> -> memref<50x100xi32, #tpu.memory_space<hbm>>
      %dma_start3A_75 = arith.constant 0 : i32
      %dma_start3A_76 = arith.constant 0 : i32
      %dma_start3A_77 = tpu.memref_slice %arg2[%arg1, %arg0, %dma_start3A_75, %dma_start3A_76] : memref<16x2x50x100xi32, #tpu.memory_space<hbm>> -> memref<1x1x50x100xi32, #tpu.memory_space<hbm>>
      %dma_start3A_78 = tpu.memref_squeeze %dma_start3A_77 : memref<1x1x50x100xi32, #tpu.memory_space<hbm>> -> memref<50x100xi32, #tpu.memory_space<hbm>>
      tpu.enqueue_dma source(%dma_start3A_78 : memref<50x100xi32, #tpu.memory_space<hbm>>) target(%arg7 : memref<50x100xi32, #tpu.memory_space<vmem>>) target_semaphore(%run_scoped3A : memref<!tpu.dma_semaphore, #tpu.memory_space<semaphore_mem>>)
      %dma_wait3A = arith.constant 0 : i32
      %dma_wait3A_79 = arith.constant 0 : i32
      %dma_wait3A_80 = tpu.memref_slice %arg2[%arg1, %arg0, %dma_wait3A, %dma_wait3A_79] : memref<16x2x50x100xi32, #tpu.memory_space<hbm>> -> memref<1x1x50x100xi32, #tpu.memory_space<hbm>>
      %dma_wait3A_81 = tpu.memref_squeeze %dma_wait3A_80 : memref<1x1x50x100xi32, #tpu.memory_space<hbm>> -> memref<50x100xi32, #tpu.memory_space<hbm>>
      %dma_wait3A_82 = arith.constant 0 : i32
      %dma_wait3A_83 = arith.constant 0 : i32
      %dma_wait3A_84 = tpu.memref_slice %arg2[%arg1, %arg0, %dma_wait3A_82, %dma_wait3A_83] : memref<16x2x50x100xi32, #tpu.memory_space<hbm>> -> memref<1x1x50x100xi32, #tpu.memory_space<hbm>>
      %dma_wait3A_85 = tpu.memref_squeeze %dma_wait3A_84 : memref<1x1x50x100xi32, #tpu.memory_space<hbm>> -> memref<50x100xi32, #tpu.memory_space<hbm>>
      tpu.wait_dma2 semaphore(%run_scoped3A : memref<!tpu.dma_semaphore, #tpu.memory_space<semaphore_mem>>) src(%dma_wait3A_85 : memref<50x100xi32, #tpu.memory_space<hbm>>) dst(%arg7 : memref<50x100xi32, #tpu.memory_space<vmem>>)
      tpu.yield
    }) : () -> ()
    %barrier3A = arith.constant 0 : index
    tpu.barrier barrier_id(%barrier3A)
    %scan3A = arith.constant 0 : i32
    %scan3A_62 = arith.constant 0 : i32
    %scan3A_63 = arith.constant 50 : i32
    %scan3A_64 = arith.addi %scan3A_62, %scan3A_63 : i32
    %scan3A_65 = arith.constant 1 : i32
    scf.for %scan3A_72 = %scan3A_62 to %scan3A_64 step %scan3A_65  : i32 {
      "tpu.region"() ({
        %run_scoped3A = tpu.sem_alloc : memref<!tpu.dma_semaphore, #tpu.memory_space<semaphore_mem>>
        %dma_start3A = arith.constant 0 : i32
        %dma_start3A_73 = tpu.memref_slice %arg7[%scan3A_72, %dma_start3A] : memref<50x100xi32, #tpu.memory_space<vmem>> -> memref<1x100xi32, #tpu.memory_space<vmem>>
        %dma_start3A_74 = tpu.memref_squeeze %dma_start3A_73 : memref<1x100xi32, #tpu.memory_space<vmem>> -> memref<100xi32, #tpu.memory_space<vmem>>
        %dma_start3A_75 = arith.constant 0 : i32
        %dma_start3A_76 = arith.constant 0 : i32
        %dma_start3A_77 = tpu.memref_slice %arg6[%dma_start3A_75, %dma_start3A_76] : memref<10240x128xf32, #tpu.memory_space<vmem_shared>> -> memref<10240x128xf32, #tpu.memory_space<vmem_shared>>
        tpu.enqueue_indirect_dma source(%arg8 : memref<100x128xf32, #tpu.memory_space<vmem>>) target(%dma_start3A_77 : memref<10240x128xf32, #tpu.memory_space<vmem_shared>>) offsets(%dma_start3A_74 : memref<100xi32, #tpu.memory_space<vmem>>) semaphore(%run_scoped3A : memref<!tpu.dma_semaphore, #tpu.memory_space<semaphore_mem>>) {add = true}
        %dma_wait3A = arith.constant 0 : i32
        %dma_wait3A_78 = tpu.memref_slice %arg7[%scan3A_72, %dma_wait3A] : memref<50x100xi32, #tpu.memory_space<vmem>> -> memref<1x100xi32, #tpu.memory_space<vmem>>
        %dma_wait3A_79 = tpu.memref_squeeze %dma_wait3A_78 : memref<1x100xi32, #tpu.memory_space<vmem>> -> memref<100xi32, #tpu.memory_space<vmem>>
        %dma_wait3A_80 = arith.constant 0 : i32
        %dma_wait3A_81 = arith.constant 0 : i32
        %dma_wait3A_82 = tpu.memref_slice %arg6[%dma_wait3A_80, %dma_wait3A_81] : memref<10240x128xf32, #tpu.memory_space<vmem_shared>> -> memref<10240x128xf32, #tpu.memory_space<vmem_shared>>
        tpu.wait_indirect_dma semaphore(%run_scoped3A : memref<!tpu.dma_semaphore, #tpu.memory_space<semaphore_mem>>) src(%arg8 : memref<100x128xf32, #tpu.memory_space<vmem>>) dst(%dma_wait3A_82 : memref<10240x128xf32, #tpu.memory_space<vmem_shared>>)
        tpu.yield
      }) : () -> ()
    }
    %scan3A_66 = arith.constant 50 : i32
    %barrier3A_67 = arith.constant 0 : index
    tpu.barrier barrier_id(%barrier3A_67)
    %mul3A_68 = arith.constant 640 : i32
    %mul3A_69 = arith.muli %arg1, %mul3A_68 : i32
    %mul3A_70 = arith.constant 640 : i32
    %mul3A_71 = arith.muli %arg1, %mul3A_70 : i32
    "tpu.region"() ({
      %run_scoped3A = tpu.sem_alloc : memref<!tpu.dma_semaphore, #tpu.memory_space<semaphore_mem>>
      %dma_start3A = arith.constant 0 : i32
      %dma_start3A_72 = tpu.memref_slice %arg5[%arg0, %mul3A_71, %dma_start3A] : memref<2x10240x128xf32, #tpu.memory_space<hbm>> -> memref<1x640x128xf32, #tpu.memory_space<hbm>>
      %dma_start3A_73 = tpu.memref_squeeze %dma_start3A_72 : memref<1x640x128xf32, #tpu.memory_space<hbm>> -> memref<640x128xf32, #tpu.memory_space<hbm>>
      %dma_start3A_74 = arith.constant 0 : i32
      %dma_start3A_75 = tpu.memref_slice %arg6[%mul3A_69, %dma_start3A_74] : memref<10240x128xf32, #tpu.memory_space<vmem_shared>> -> memref<640x128xf32, #tpu.memory_space<vmem_shared>>
      tpu.enqueue_dma source(%dma_start3A_75 : memref<640x128xf32, #tpu.memory_space<vmem_shared>>) target(%dma_start3A_73 : memref<640x128xf32, #tpu.memory_space<hbm>>) target_semaphore(%run_scoped3A : memref<!tpu.dma_semaphore, #tpu.memory_space<semaphore_mem>>)
      %dma_wait3A = arith.constant 0 : i32
      %dma_wait3A_76 = tpu.memref_slice %arg5[%arg0, %mul3A_71, %dma_wait3A] : memref<2x10240x128xf32, #tpu.memory_space<hbm>> -> memref<1x640x128xf32, #tpu.memory_space<hbm>>
      %dma_wait3A_77 = tpu.memref_squeeze %dma_wait3A_76 : memref<1x640x128xf32, #tpu.memory_space<hbm>> -> memref<640x128xf32, #tpu.memory_space<hbm>>
      %dma_wait3A_78 = arith.constant 0 : i32
      %dma_wait3A_79 = tpu.memref_slice %arg6[%mul3A_69, %dma_wait3A_78] : memref<10240x128xf32, #tpu.memory_space<vmem_shared>> -> memref<640x128xf32, #tpu.memory_space<vmem_shared>>
      tpu.wait_dma2 semaphore(%run_scoped3A : memref<!tpu.dma_semaphore, #tpu.memory_space<semaphore_mem>>) src(%dma_wait3A_79 : memref<640x128xf32, #tpu.memory_space<vmem_shared>>) dst(%dma_wait3A_77 : memref<640x128xf32, #tpu.memory_space<hbm>>)
      tpu.yield
    }) : () -> ()
    return
  }
}

#map = affine_map<(d0, d1) -> (0, 0)>
#map1 = affine_map<(d0, d1) -> (0, 0, 0)>
module attributes {stable_mosaic.version = 14 : i64} {
  func.func @agg_kernel(%arg0: i32, %arg1: i32, %arg2: memref<20480x128xf32, #tpu.memory_space<hbm>>, %arg3: memref<2x16x10000xi32, #tpu.memory_space<hbm>>, %arg4: memref<16x125x80xi32, #tpu.memory_space<hbm>>, %arg5: memref<20480x128xf32, #tpu.memory_space<hbm>>, %arg6: memref<10240x128xf32, #tpu.memory_space<vmem_shared>>, %arg7: memref<10000xi32, #tpu.memory_space<vmem>>, %arg8: memref<125x80xi32, #tpu.memory_space<vmem>>, %arg9: memref<2x80x128xf32, #tpu.memory_space<vmem>>, %arg10: memref<!tpu.dma_semaphore, #tpu.memory_space<semaphore_mem>>, %arg11: memref<!tpu.dma_semaphore, #tpu.memory_space<semaphore_mem>>) attributes {dimension_semantics = [#tpu.dimension_semantics<core_parallel>, #tpu.dimension_semantics<subcore_parallel>], iteration_bounds = array<i64: 2, 16>, scalar_prefetch = 0 : i64, scratch_operands = 6 : i64, tpu.core_type = #tpu.core_type<sc_vector_subcore>, window_params = [{transform_indices = #map}, {transform_indices = #map1}, {transform_indices = #map1}, {transform_indices = #map}]} {
    "tpu.region"() ({
      %run_scoped3A_81 = tpu.sem_alloc : memref<!tpu.dma_semaphore, #tpu.memory_space<semaphore_mem>>
      %dma_start3A_82 = arith.constant 0 : i32
      %dma_start3A_83 = arith.constant 0 : i32
      %dma_start3A_84 = tpu.memref_slice %arg4[%arg1, %dma_start3A_82, %dma_start3A_83] : memref<16x125x80xi32, #tpu.memory_space<hbm>> -> memref<1x125x80xi32, #tpu.memory_space<hbm>>
      %dma_start3A_85 = tpu.memref_squeeze %dma_start3A_84 : memref<1x125x80xi32, #tpu.memory_space<hbm>> -> memref<125x80xi32, #tpu.memory_space<hbm>>
      %dma_start3A_86 = arith.constant 0 : i32
      %dma_start3A_87 = arith.constant 0 : i32
      %dma_start3A_88 = tpu.memref_slice %arg4[%arg1, %dma_start3A_86, %dma_start3A_87] : memref<16x125x80xi32, #tpu.memory_space<hbm>> -> memref<1x125x80xi32, #tpu.memory_space<hbm>>
      %dma_start3A_89 = tpu.memref_squeeze %dma_start3A_88 : memref<1x125x80xi32, #tpu.memory_space<hbm>> -> memref<125x80xi32, #tpu.memory_space<hbm>>
      tpu.enqueue_dma source(%dma_start3A_89 : memref<125x80xi32, #tpu.memory_space<hbm>>) target(%arg8 : memref<125x80xi32, #tpu.memory_space<vmem>>) target_semaphore(%run_scoped3A_81 : memref<!tpu.dma_semaphore, #tpu.memory_space<semaphore_mem>>)
      %dma_wait3A_90 = arith.constant 0 : i32
      %dma_wait3A_91 = arith.constant 0 : i32
      %dma_wait3A_92 = tpu.memref_slice %arg4[%arg1, %dma_wait3A_90, %dma_wait3A_91] : memref<16x125x80xi32, #tpu.memory_space<hbm>> -> memref<1x125x80xi32, #tpu.memory_space<hbm>>
      %dma_wait3A_93 = tpu.memref_squeeze %dma_wait3A_92 : memref<1x125x80xi32, #tpu.memory_space<hbm>> -> memref<125x80xi32, #tpu.memory_space<hbm>>
      %dma_wait3A_94 = arith.constant 0 : i32
      %dma_wait3A_95 = arith.constant 0 : i32
      %dma_wait3A_96 = tpu.memref_slice %arg4[%arg1, %dma_wait3A_94, %dma_wait3A_95] : memref<16x125x80xi32, #tpu.memory_space<hbm>> -> memref<1x125x80xi32, #tpu.memory_space<hbm>>
      %dma_wait3A_97 = tpu.memref_squeeze %dma_wait3A_96 : memref<1x125x80xi32, #tpu.memory_space<hbm>> -> memref<125x80xi32, #tpu.memory_space<hbm>>
      tpu.wait_dma2 semaphore(%run_scoped3A_81 : memref<!tpu.dma_semaphore, #tpu.memory_space<semaphore_mem>>) src(%dma_wait3A_97 : memref<125x80xi32, #tpu.memory_space<hbm>>) dst(%arg8 : memref<125x80xi32, #tpu.memory_space<vmem>>)
      tpu.yield
    }) : () -> ()
    %add3A = arith.constant 0 : i32
    %add3A_0 = arith.addi %add3A, %arg0 : i32
    %mul3A = arith.constant 10240 : i32
    %mul3A_1 = arith.muli %add3A_0, %mul3A : i32
    %mul3A_2 = arith.constant 640 : i32
    %mul3A_3 = arith.muli %arg1, %mul3A_2 : i32
    %add3A_4 = arith.addi %mul3A_1, %mul3A_3 : i32
    %mul3A_5 = arith.constant 640 : i32
    %mul3A_6 = arith.muli %arg1, %mul3A_5 : i32
    "tpu.region"() ({
      %run_scoped3A_81 = tpu.sem_alloc : memref<!tpu.dma_semaphore, #tpu.memory_space<semaphore_mem>>
      %dma_start3A_82 = arith.constant 0 : i32
      %dma_start3A_83 = tpu.memref_slice %arg6[%mul3A_6, %dma_start3A_82] : memref<10240x128xf32, #tpu.memory_space<vmem_shared>> -> memref<640x128xf32, #tpu.memory_space<vmem_shared>>
      %dma_start3A_84 = arith.constant 0 : i32
      %dma_start3A_85 = tpu.memref_slice %arg2[%add3A_4, %dma_start3A_84] : memref<20480x128xf32, #tpu.memory_space<hbm>> -> memref<640x128xf32, #tpu.memory_space<hbm>>
      tpu.enqueue_dma source(%dma_start3A_85 : memref<640x128xf32, #tpu.memory_space<hbm>>) target(%dma_start3A_83 : memref<640x128xf32, #tpu.memory_space<vmem_shared>>) target_semaphore(%run_scoped3A_81 : memref<!tpu.dma_semaphore, #tpu.memory_space<semaphore_mem>>)
      %dma_wait3A_86 = arith.constant 0 : i32
      %dma_wait3A_87 = tpu.memref_slice %arg6[%mul3A_6, %dma_wait3A_86] : memref<10240x128xf32, #tpu.memory_space<vmem_shared>> -> memref<640x128xf32, #tpu.memory_space<vmem_shared>>
      %dma_wait3A_88 = arith.constant 0 : i32
      %dma_wait3A_89 = tpu.memref_slice %arg2[%add3A_4, %dma_wait3A_88] : memref<20480x128xf32, #tpu.memory_space<hbm>> -> memref<640x128xf32, #tpu.memory_space<hbm>>
      tpu.wait_dma2 semaphore(%run_scoped3A_81 : memref<!tpu.dma_semaphore, #tpu.memory_space<semaphore_mem>>) src(%dma_wait3A_89 : memref<640x128xf32, #tpu.memory_space<hbm>>) dst(%dma_wait3A_87 : memref<640x128xf32, #tpu.memory_space<vmem_shared>>)
      tpu.yield
    }) : () -> ()
    "tpu.region"() ({
      %run_scoped3A_81 = tpu.sem_alloc : memref<!tpu.dma_semaphore, #tpu.memory_space<semaphore_mem>>
      %dma_start3A_82 = arith.constant 0 : i32
      %dma_start3A_83 = tpu.memref_slice %arg3[%add3A_0, %arg1, %dma_start3A_82] : memref<2x16x10000xi32, #tpu.memory_space<hbm>> -> memref<1x1x10000xi32, #tpu.memory_space<hbm>>
      %dma_start3A_84 = tpu.memref_squeeze %dma_start3A_83 : memref<1x1x10000xi32, #tpu.memory_space<hbm>> -> memref<10000xi32, #tpu.memory_space<hbm>>
      %dma_start3A_85 = arith.constant 0 : i32
      %dma_start3A_86 = tpu.memref_slice %arg3[%add3A_0, %arg1, %dma_start3A_85] : memref<2x16x10000xi32, #tpu.memory_space<hbm>> -> memref<1x1x10000xi32, #tpu.memory_space<hbm>>
      %dma_start3A_87 = tpu.memref_squeeze %dma_start3A_86 : memref<1x1x10000xi32, #tpu.memory_space<hbm>> -> memref<10000xi32, #tpu.memory_space<hbm>>
      tpu.enqueue_dma source(%dma_start3A_87 : memref<10000xi32, #tpu.memory_space<hbm>>) target(%arg7 : memref<10000xi32, #tpu.memory_space<vmem>>) target_semaphore(%run_scoped3A_81 : memref<!tpu.dma_semaphore, #tpu.memory_space<semaphore_mem>>)
      %dma_wait3A_88 = arith.constant 0 : i32
      %dma_wait3A_89 = tpu.memref_slice %arg3[%add3A_0, %arg1, %dma_wait3A_88] : memref<2x16x10000xi32, #tpu.memory_space<hbm>> -> memref<1x1x10000xi32, #tpu.memory_space<hbm>>
      %dma_wait3A_90 = tpu.memref_squeeze %dma_wait3A_89 : memref<1x1x10000xi32, #tpu.memory_space<hbm>> -> memref<10000xi32, #tpu.memory_space<hbm>>
      %dma_wait3A_91 = arith.constant 0 : i32
      %dma_wait3A_92 = tpu.memref_slice %arg3[%add3A_0, %arg1, %dma_wait3A_91] : memref<2x16x10000xi32, #tpu.memory_space<hbm>> -> memref<1x1x10000xi32, #tpu.memory_space<hbm>>
      %dma_wait3A_93 = tpu.memref_squeeze %dma_wait3A_92 : memref<1x1x10000xi32, #tpu.memory_space<hbm>> -> memref<10000xi32, #tpu.memory_space<hbm>>
      tpu.wait_dma2 semaphore(%run_scoped3A_81 : memref<!tpu.dma_semaphore, #tpu.memory_space<semaphore_mem>>) src(%dma_wait3A_93 : memref<10000xi32, #tpu.memory_space<hbm>>) dst(%arg7 : memref<10000xi32, #tpu.memory_space<vmem>>)
      tpu.yield
    }) : () -> ()
    %barrier3A = arith.constant 0 : index
    tpu.barrier barrier_id(%barrier3A)
    %dma_start3A = arith.constant 0 : i32
    %dma_start3A_7 = arith.constant 0 : i32
    %dma_start3A_8 = arith.constant 0 : i32
    %dma_start3A_9 = tpu.memref_slice %arg9[%dma_start3A, %dma_start3A_7, %dma_start3A_8] : memref<2x80x128xf32, #tpu.memory_space<vmem>> -> memref<1x80x128xf32, #tpu.memory_space<vmem>>
    %dma_start3A_10 = tpu.memref_squeeze %dma_start3A_9 : memref<1x80x128xf32, #tpu.memory_space<vmem>> -> memref<80x128xf32, #tpu.memory_space<vmem>>
    %dma_start3A_11 = arith.constant 0 : i32
    %dma_start3A_12 = tpu.memref_slice %arg7[%dma_start3A_11] : memref<10000xi32, #tpu.memory_space<vmem>> -> memref<80xi32, #tpu.memory_space<vmem>>
    %dma_start3A_13 = arith.constant 0 : i32
    %dma_start3A_14 = arith.constant 0 : i32
    %dma_start3A_15 = tpu.memref_slice %arg2[%dma_start3A_13, %dma_start3A_14] : memref<20480x128xf32, #tpu.memory_space<hbm>> -> memref<20480x128xf32, #tpu.memory_space<hbm>>
    tpu.enqueue_indirect_dma source(%dma_start3A_15 : memref<20480x128xf32, #tpu.memory_space<hbm>>) target(%dma_start3A_10 : memref<80x128xf32, #tpu.memory_space<vmem>>) offsets(%dma_start3A_12 : memref<80xi32, #tpu.memory_space<vmem>>) semaphore(%arg10 : memref<!tpu.dma_semaphore, #tpu.memory_space<semaphore_mem>>)
    %dma_start3A_16 = arith.constant 1 : i32
    %dma_start3A_17 = arith.constant 0 : i32
    %dma_start3A_18 = arith.constant 0 : i32
    %dma_start3A_19 = tpu.memref_slice %arg9[%dma_start3A_16, %dma_start3A_17, %dma_start3A_18] : memref<2x80x128xf32, #tpu.memory_space<vmem>> -> memref<1x80x128xf32, #tpu.memory_space<vmem>>
    %dma_start3A_20 = tpu.memref_squeeze %dma_start3A_19 : memref<1x80x128xf32, #tpu.memory_space<vmem>> -> memref<80x128xf32, #tpu.memory_space<vmem>>
    %dma_start3A_21 = arith.constant 80 : i32
    %dma_start3A_22 = tpu.memref_slice %arg7[%dma_start3A_21] : memref<10000xi32, #tpu.memory_space<vmem>> -> memref<80xi32, #tpu.memory_space<vmem>>
    %dma_start3A_23 = arith.constant 0 : i32
    %dma_start3A_24 = arith.constant 0 : i32
    %dma_start3A_25 = tpu.memref_slice %arg2[%dma_start3A_23, %dma_start3A_24] : memref<20480x128xf32, #tpu.memory_space<hbm>> -> memref<20480x128xf32, #tpu.memory_space<hbm>>
    tpu.enqueue_indirect_dma source(%dma_start3A_25 : memref<20480x128xf32, #tpu.memory_space<hbm>>) target(%dma_start3A_20 : memref<80x128xf32, #tpu.memory_space<vmem>>) offsets(%dma_start3A_22 : memref<80xi32, #tpu.memory_space<vmem>>) semaphore(%arg11 : memref<!tpu.dma_semaphore, #tpu.memory_space<semaphore_mem>>)
    %scan3A = arith.constant 0 : i32
    %scan3A_26 = arith.constant 0 : i32
    %scan3A_27 = arith.constant 61 : i32
    %scan3A_28 = arith.addi %scan3A_26, %scan3A_27 : i32
    %scan3A_29 = arith.constant 1 : i32
    scf.for %scan3A_81 = %scan3A_26 to %scan3A_28 step %scan3A_29  : i32 {
      %mul3A_82 = arith.constant 2 : i32
      %mul3A_83 = arith.muli %scan3A_81, %mul3A_82 : i32
      %mul3A_84 = arith.constant 80 : i32
      %mul3A_85 = arith.muli %mul3A_83, %mul3A_84 : i32
      %dma_wait3A_86 = arith.constant 0 : i32
      %dma_wait3A_87 = arith.constant 0 : i32
      %dma_wait3A_88 = arith.constant 0 : i32
      %dma_wait3A_89 = tpu.memref_slice %arg9[%dma_wait3A_86, %dma_wait3A_87, %dma_wait3A_88] : memref<2x80x128xf32, #tpu.memory_space<vmem>> -> memref<1x80x128xf32, #tpu.memory_space<vmem>>
      %dma_wait3A_90 = tpu.memref_squeeze %dma_wait3A_89 : memref<1x80x128xf32, #tpu.memory_space<vmem>> -> memref<80x128xf32, #tpu.memory_space<vmem>>
      %dma_wait3A_91 = tpu.memref_slice %arg7[%mul3A_85] : memref<10000xi32, #tpu.memory_space<vmem>> -> memref<80xi32, #tpu.memory_space<vmem>>
      %dma_wait3A_92 = arith.constant 0 : i32
      %dma_wait3A_93 = arith.constant 0 : i32
      %dma_wait3A_94 = tpu.memref_slice %arg2[%dma_wait3A_92, %dma_wait3A_93] : memref<20480x128xf32, #tpu.memory_space<hbm>> -> memref<20480x128xf32, #tpu.memory_space<hbm>>
      tpu.wait_indirect_dma semaphore(%arg10 : memref<!tpu.dma_semaphore, #tpu.memory_space<semaphore_mem>>) src(%dma_wait3A_94 : memref<20480x128xf32, #tpu.memory_space<hbm>>) dst(%dma_wait3A_90 : memref<80x128xf32, #tpu.memory_space<vmem>>)
      %run_scoped3A_95 = arith.constant 0 : i32
      "tpu.region"() ({
        %run_scoped3A_136 = tpu.sem_alloc : memref<!tpu.dma_semaphore, #tpu.memory_space<semaphore_mem>>
        %dma_start3A_137 = arith.constant 0 : i32
        %dma_start3A_138 = arith.constant 0 : i32
        %dma_start3A_139 = tpu.memref_slice %arg9[%run_scoped3A_95, %dma_start3A_137, %dma_start3A_138] : memref<2x80x128xf32, #tpu.memory_space<vmem>> -> memref<1x80x128xf32, #tpu.memory_space<vmem>>
        %dma_start3A_140 = tpu.memref_squeeze %dma_start3A_139 : memref<1x80x128xf32, #tpu.memory_space<vmem>> -> memref<80x128xf32, #tpu.memory_space<vmem>>
        %dma_start3A_141 = arith.constant 0 : i32
        %dma_start3A_142 = tpu.memref_slice %arg8[%mul3A_83, %dma_start3A_141] : memref<125x80xi32, #tpu.memory_space<vmem>> -> memref<1x80xi32, #tpu.memory_space<vmem>>
        %dma_start3A_143 = tpu.memref_squeeze %dma_start3A_142 : memref<1x80xi32, #tpu.memory_space<vmem>> -> memref<80xi32, #tpu.memory_space<vmem>>
        %dma_start3A_144 = arith.constant 0 : i32
        %dma_start3A_145 = arith.constant 0 : i32
        %dma_start3A_146 = tpu.memref_slice %arg6[%dma_start3A_144, %dma_start3A_145] : memref<10240x128xf32, #tpu.memory_space<vmem_shared>> -> memref<10240x128xf32, #tpu.memory_space<vmem_shared>>
        tpu.enqueue_indirect_dma source(%dma_start3A_140 : memref<80x128xf32, #tpu.memory_space<vmem>>) target(%dma_start3A_146 : memref<10240x128xf32, #tpu.memory_space<vmem_shared>>) offsets(%dma_start3A_143 : memref<80xi32, #tpu.memory_space<vmem>>) semaphore(%run_scoped3A_136 : memref<!tpu.dma_semaphore, #tpu.memory_space<semaphore_mem>>) {add = true}
        %dma_wait3A_147 = arith.constant 0 : i32
        %dma_wait3A_148 = arith.constant 0 : i32
        %dma_wait3A_149 = tpu.memref_slice %arg9[%run_scoped3A_95, %dma_wait3A_147, %dma_wait3A_148] : memref<2x80x128xf32, #tpu.memory_space<vmem>> -> memref<1x80x128xf32, #tpu.memory_space<vmem>>
        %dma_wait3A_150 = tpu.memref_squeeze %dma_wait3A_149 : memref<1x80x128xf32, #tpu.memory_space<vmem>> -> memref<80x128xf32, #tpu.memory_space<vmem>>
        %dma_wait3A_151 = arith.constant 0 : i32
        %dma_wait3A_152 = tpu.memref_slice %arg8[%mul3A_83, %dma_wait3A_151] : memref<125x80xi32, #tpu.memory_space<vmem>> -> memref<1x80xi32, #tpu.memory_space<vmem>>
        %dma_wait3A_153 = tpu.memref_squeeze %dma_wait3A_152 : memref<1x80xi32, #tpu.memory_space<vmem>> -> memref<80xi32, #tpu.memory_space<vmem>>
        %dma_wait3A_154 = arith.constant 0 : i32
        %dma_wait3A_155 = arith.constant 0 : i32
        %dma_wait3A_156 = tpu.memref_slice %arg6[%dma_wait3A_154, %dma_wait3A_155] : memref<10240x128xf32, #tpu.memory_space<vmem_shared>> -> memref<10240x128xf32, #tpu.memory_space<vmem_shared>>
        tpu.wait_indirect_dma semaphore(%run_scoped3A_136 : memref<!tpu.dma_semaphore, #tpu.memory_space<semaphore_mem>>) src(%dma_wait3A_150 : memref<80x128xf32, #tpu.memory_space<vmem>>) dst(%dma_wait3A_156 : memref<10240x128xf32, #tpu.memory_space<vmem_shared>>)
        tpu.yield
      }) : () -> ()
      %add3A_96 = arith.constant 2 : i32
      %add3A_97 = arith.addi %mul3A_83, %add3A_96 : i32
      %mul3A_98 = arith.constant 80 : i32
      %mul3A_99 = arith.muli %add3A_97, %mul3A_98 : i32
      %dma_start3A_100 = arith.constant 0 : i32
      %dma_start3A_101 = arith.constant 0 : i32
      %dma_start3A_102 = arith.constant 0 : i32
      %dma_start3A_103 = tpu.memref_slice %arg9[%dma_start3A_100, %dma_start3A_101, %dma_start3A_102] : memref<2x80x128xf32, #tpu.memory_space<vmem>> -> memref<1x80x128xf32, #tpu.memory_space<vmem>>
      %dma_start3A_104 = tpu.memref_squeeze %dma_start3A_103 : memref<1x80x128xf32, #tpu.memory_space<vmem>> -> memref<80x128xf32, #tpu.memory_space<vmem>>
      %dma_start3A_105 = tpu.memref_slice %arg7[%mul3A_99] : memref<10000xi32, #tpu.memory_space<vmem>> -> memref<80xi32, #tpu.memory_space<vmem>>
      %dma_start3A_106 = arith.constant 0 : i32
      %dma_start3A_107 = arith.constant 0 : i32
      %dma_start3A_108 = tpu.memref_slice %arg2[%dma_start3A_106, %dma_start3A_107] : memref<20480x128xf32, #tpu.memory_space<hbm>> -> memref<20480x128xf32, #tpu.memory_space<hbm>>
      tpu.enqueue_indirect_dma source(%dma_start3A_108 : memref<20480x128xf32, #tpu.memory_space<hbm>>) target(%dma_start3A_104 : memref<80x128xf32, #tpu.memory_space<vmem>>) offsets(%dma_start3A_105 : memref<80xi32, #tpu.memory_space<vmem>>) semaphore(%arg10 : memref<!tpu.dma_semaphore, #tpu.memory_space<semaphore_mem>>)
      %add3A_109 = arith.constant 1 : i32
      %add3A_110 = arith.addi %mul3A_83, %add3A_109 : i32
      %mul3A_111 = arith.constant 80 : i32
      %mul3A_112 = arith.muli %add3A_110, %mul3A_111 : i32
      %dma_wait3A_113 = arith.constant 1 : i32
      %dma_wait3A_114 = arith.constant 0 : i32
      %dma_wait3A_115 = arith.constant 0 : i32
      %dma_wait3A_116 = tpu.memref_slice %arg9[%dma_wait3A_113, %dma_wait3A_114, %dma_wait3A_115] : memref<2x80x128xf32, #tpu.memory_space<vmem>> -> memref<1x80x128xf32, #tpu.memory_space<vmem>>
      %dma_wait3A_117 = tpu.memref_squeeze %dma_wait3A_116 : memref<1x80x128xf32, #tpu.memory_space<vmem>> -> memref<80x128xf32, #tpu.memory_space<vmem>>
      %dma_wait3A_118 = tpu.memref_slice %arg7[%mul3A_112] : memref<10000xi32, #tpu.memory_space<vmem>> -> memref<80xi32, #tpu.memory_space<vmem>>
      %dma_wait3A_119 = arith.constant 0 : i32
      %dma_wait3A_120 = arith.constant 0 : i32
      %dma_wait3A_121 = tpu.memref_slice %arg2[%dma_wait3A_119, %dma_wait3A_120] : memref<20480x128xf32, #tpu.memory_space<hbm>> -> memref<20480x128xf32, #tpu.memory_space<hbm>>
      tpu.wait_indirect_dma semaphore(%arg11 : memref<!tpu.dma_semaphore, #tpu.memory_space<semaphore_mem>>) src(%dma_wait3A_121 : memref<20480x128xf32, #tpu.memory_space<hbm>>) dst(%dma_wait3A_117 : memref<80x128xf32, #tpu.memory_space<vmem>>)
      %run_scoped3A_122 = arith.constant 1 : i32
      "tpu.region"() ({
        %run_scoped3A_136 = tpu.sem_alloc : memref<!tpu.dma_semaphore, #tpu.memory_space<semaphore_mem>>
        %dma_start3A_137 = arith.constant 0 : i32
        %dma_start3A_138 = arith.constant 0 : i32
        %dma_start3A_139 = tpu.memref_slice %arg9[%run_scoped3A_122, %dma_start3A_137, %dma_start3A_138] : memref<2x80x128xf32, #tpu.memory_space<vmem>> -> memref<1x80x128xf32, #tpu.memory_space<vmem>>
        %dma_start3A_140 = tpu.memref_squeeze %dma_start3A_139 : memref<1x80x128xf32, #tpu.memory_space<vmem>> -> memref<80x128xf32, #tpu.memory_space<vmem>>
        %dma_start3A_141 = arith.constant 0 : i32
        %dma_start3A_142 = tpu.memref_slice %arg8[%add3A_110, %dma_start3A_141] : memref<125x80xi32, #tpu.memory_space<vmem>> -> memref<1x80xi32, #tpu.memory_space<vmem>>
        %dma_start3A_143 = tpu.memref_squeeze %dma_start3A_142 : memref<1x80xi32, #tpu.memory_space<vmem>> -> memref<80xi32, #tpu.memory_space<vmem>>
        %dma_start3A_144 = arith.constant 0 : i32
        %dma_start3A_145 = arith.constant 0 : i32
        %dma_start3A_146 = tpu.memref_slice %arg6[%dma_start3A_144, %dma_start3A_145] : memref<10240x128xf32, #tpu.memory_space<vmem_shared>> -> memref<10240x128xf32, #tpu.memory_space<vmem_shared>>
        tpu.enqueue_indirect_dma source(%dma_start3A_140 : memref<80x128xf32, #tpu.memory_space<vmem>>) target(%dma_start3A_146 : memref<10240x128xf32, #tpu.memory_space<vmem_shared>>) offsets(%dma_start3A_143 : memref<80xi32, #tpu.memory_space<vmem>>) semaphore(%run_scoped3A_136 : memref<!tpu.dma_semaphore, #tpu.memory_space<semaphore_mem>>) {add = true}
        %dma_wait3A_147 = arith.constant 0 : i32
        %dma_wait3A_148 = arith.constant 0 : i32
        %dma_wait3A_149 = tpu.memref_slice %arg9[%run_scoped3A_122, %dma_wait3A_147, %dma_wait3A_148] : memref<2x80x128xf32, #tpu.memory_space<vmem>> -> memref<1x80x128xf32, #tpu.memory_space<vmem>>
        %dma_wait3A_150 = tpu.memref_squeeze %dma_wait3A_149 : memref<1x80x128xf32, #tpu.memory_space<vmem>> -> memref<80x128xf32, #tpu.memory_space<vmem>>
        %dma_wait3A_151 = arith.constant 0 : i32
        %dma_wait3A_152 = tpu.memref_slice %arg8[%add3A_110, %dma_wait3A_151] : memref<125x80xi32, #tpu.memory_space<vmem>> -> memref<1x80xi32, #tpu.memory_space<vmem>>
        %dma_wait3A_153 = tpu.memref_squeeze %dma_wait3A_152 : memref<1x80xi32, #tpu.memory_space<vmem>> -> memref<80xi32, #tpu.memory_space<vmem>>
        %dma_wait3A_154 = arith.constant 0 : i32
        %dma_wait3A_155 = arith.constant 0 : i32
        %dma_wait3A_156 = tpu.memref_slice %arg6[%dma_wait3A_154, %dma_wait3A_155] : memref<10240x128xf32, #tpu.memory_space<vmem_shared>> -> memref<10240x128xf32, #tpu.memory_space<vmem_shared>>
        tpu.wait_indirect_dma semaphore(%run_scoped3A_136 : memref<!tpu.dma_semaphore, #tpu.memory_space<semaphore_mem>>) src(%dma_wait3A_150 : memref<80x128xf32, #tpu.memory_space<vmem>>) dst(%dma_wait3A_156 : memref<10240x128xf32, #tpu.memory_space<vmem_shared>>)
        tpu.yield
      }) : () -> ()
      %add3A_123 = arith.constant 3 : i32
      %add3A_124 = arith.addi %mul3A_83, %add3A_123 : i32
      %mul3A_125 = arith.constant 80 : i32
      %mul3A_126 = arith.muli %add3A_124, %mul3A_125 : i32
      %dma_start3A_127 = arith.constant 1 : i32
      %dma_start3A_128 = arith.constant 0 : i32
      %dma_start3A_129 = arith.constant 0 : i32
      %dma_start3A_130 = tpu.memref_slice %arg9[%dma_start3A_127, %dma_start3A_128, %dma_start3A_129] : memref<2x80x128xf32, #tpu.memory_space<vmem>> -> memref<1x80x128xf32, #tpu.memory_space<vmem>>
      %dma_start3A_131 = tpu.memref_squeeze %dma_start3A_130 : memref<1x80x128xf32, #tpu.memory_space<vmem>> -> memref<80x128xf32, #tpu.memory_space<vmem>>
      %dma_start3A_132 = tpu.memref_slice %arg7[%mul3A_126] : memref<10000xi32, #tpu.memory_space<vmem>> -> memref<80xi32, #tpu.memory_space<vmem>>
      %dma_start3A_133 = arith.constant 0 : i32
      %dma_start3A_134 = arith.constant 0 : i32
      %dma_start3A_135 = tpu.memref_slice %arg2[%dma_start3A_133, %dma_start3A_134] : memref<20480x128xf32, #tpu.memory_space<hbm>> -> memref<20480x128xf32, #tpu.memory_space<hbm>>
      tpu.enqueue_indirect_dma source(%dma_start3A_135 : memref<20480x128xf32, #tpu.memory_space<hbm>>) target(%dma_start3A_131 : memref<80x128xf32, #tpu.memory_space<vmem>>) offsets(%dma_start3A_132 : memref<80xi32, #tpu.memory_space<vmem>>) semaphore(%arg11 : memref<!tpu.dma_semaphore, #tpu.memory_space<semaphore_mem>>)
    }
    %scan3A_30 = arith.constant 61 : i32
    %dma_wait3A = arith.constant 0 : i32
    %dma_wait3A_31 = arith.constant 0 : i32
    %dma_wait3A_32 = arith.constant 0 : i32
    %dma_wait3A_33 = tpu.memref_slice %arg9[%dma_wait3A, %dma_wait3A_31, %dma_wait3A_32] : memref<2x80x128xf32, #tpu.memory_space<vmem>> -> memref<1x80x128xf32, #tpu.memory_space<vmem>>
    %dma_wait3A_34 = tpu.memref_squeeze %dma_wait3A_33 : memref<1x80x128xf32, #tpu.memory_space<vmem>> -> memref<80x128xf32, #tpu.memory_space<vmem>>
    %dma_wait3A_35 = arith.constant 9760 : i32
    %dma_wait3A_36 = tpu.memref_slice %arg7[%dma_wait3A_35] : memref<10000xi32, #tpu.memory_space<vmem>> -> memref<80xi32, #tpu.memory_space<vmem>>
    %dma_wait3A_37 = arith.constant 0 : i32
    %dma_wait3A_38 = arith.constant 0 : i32
    %dma_wait3A_39 = tpu.memref_slice %arg2[%dma_wait3A_37, %dma_wait3A_38] : memref<20480x128xf32, #tpu.memory_space<hbm>> -> memref<20480x128xf32, #tpu.memory_space<hbm>>
    tpu.wait_indirect_dma semaphore(%arg10 : memref<!tpu.dma_semaphore, #tpu.memory_space<semaphore_mem>>) src(%dma_wait3A_39 : memref<20480x128xf32, #tpu.memory_space<hbm>>) dst(%dma_wait3A_34 : memref<80x128xf32, #tpu.memory_space<vmem>>)
    %run_scoped3A = arith.constant 0 : i32
    %run_scoped3A_40 = arith.constant 122 : i32
    "tpu.region"() ({
      %run_scoped3A_81 = tpu.sem_alloc : memref<!tpu.dma_semaphore, #tpu.memory_space<semaphore_mem>>
      %dma_start3A_82 = arith.constant 0 : i32
      %dma_start3A_83 = arith.constant 0 : i32
      %dma_start3A_84 = tpu.memref_slice %arg9[%run_scoped3A, %dma_start3A_82, %dma_start3A_83] : memref<2x80x128xf32, #tpu.memory_space<vmem>> -> memref<1x80x128xf32, #tpu.memory_space<vmem>>
      %dma_start3A_85 = tpu.memref_squeeze %dma_start3A_84 : memref<1x80x128xf32, #tpu.memory_space<vmem>> -> memref<80x128xf32, #tpu.memory_space<vmem>>
      %dma_start3A_86 = arith.constant 0 : i32
      %dma_start3A_87 = tpu.memref_slice %arg8[%run_scoped3A_40, %dma_start3A_86] : memref<125x80xi32, #tpu.memory_space<vmem>> -> memref<1x80xi32, #tpu.memory_space<vmem>>
      %dma_start3A_88 = tpu.memref_squeeze %dma_start3A_87 : memref<1x80xi32, #tpu.memory_space<vmem>> -> memref<80xi32, #tpu.memory_space<vmem>>
      %dma_start3A_89 = arith.constant 0 : i32
      %dma_start3A_90 = arith.constant 0 : i32
      %dma_start3A_91 = tpu.memref_slice %arg6[%dma_start3A_89, %dma_start3A_90] : memref<10240x128xf32, #tpu.memory_space<vmem_shared>> -> memref<10240x128xf32, #tpu.memory_space<vmem_shared>>
      tpu.enqueue_indirect_dma source(%dma_start3A_85 : memref<80x128xf32, #tpu.memory_space<vmem>>) target(%dma_start3A_91 : memref<10240x128xf32, #tpu.memory_space<vmem_shared>>) offsets(%dma_start3A_88 : memref<80xi32, #tpu.memory_space<vmem>>) semaphore(%run_scoped3A_81 : memref<!tpu.dma_semaphore, #tpu.memory_space<semaphore_mem>>) {add = true}
      %dma_wait3A_92 = arith.constant 0 : i32
      %dma_wait3A_93 = arith.constant 0 : i32
      %dma_wait3A_94 = tpu.memref_slice %arg9[%run_scoped3A, %dma_wait3A_92, %dma_wait3A_93] : memref<2x80x128xf32, #tpu.memory_space<vmem>> -> memref<1x80x128xf32, #tpu.memory_space<vmem>>
      %dma_wait3A_95 = tpu.memref_squeeze %dma_wait3A_94 : memref<1x80x128xf32, #tpu.memory_space<vmem>> -> memref<80x128xf32, #tpu.memory_space<vmem>>
      %dma_wait3A_96 = arith.constant 0 : i32
      %dma_wait3A_97 = tpu.memref_slice %arg8[%run_scoped3A_40, %dma_wait3A_96] : memref<125x80xi32, #tpu.memory_space<vmem>> -> memref<1x80xi32, #tpu.memory_space<vmem>>
      %dma_wait3A_98 = tpu.memref_squeeze %dma_wait3A_97 : memref<1x80xi32, #tpu.memory_space<vmem>> -> memref<80xi32, #tpu.memory_space<vmem>>
      %dma_wait3A_99 = arith.constant 0 : i32
      %dma_wait3A_100 = arith.constant 0 : i32
      %dma_wait3A_101 = tpu.memref_slice %arg6[%dma_wait3A_99, %dma_wait3A_100] : memref<10240x128xf32, #tpu.memory_space<vmem_shared>> -> memref<10240x128xf32, #tpu.memory_space<vmem_shared>>
      tpu.wait_indirect_dma semaphore(%run_scoped3A_81 : memref<!tpu.dma_semaphore, #tpu.memory_space<semaphore_mem>>) src(%dma_wait3A_95 : memref<80x128xf32, #tpu.memory_space<vmem>>) dst(%dma_wait3A_101 : memref<10240x128xf32, #tpu.memory_space<vmem_shared>>)
      tpu.yield
    }) : () -> ()
    %dma_start3A_41 = arith.constant 0 : i32
    %dma_start3A_42 = arith.constant 0 : i32
    %dma_start3A_43 = arith.constant 0 : i32
    %dma_start3A_44 = tpu.memref_slice %arg9[%dma_start3A_41, %dma_start3A_42, %dma_start3A_43] : memref<2x80x128xf32, #tpu.memory_space<vmem>> -> memref<1x80x128xf32, #tpu.memory_space<vmem>>
    %dma_start3A_45 = tpu.memref_squeeze %dma_start3A_44 : memref<1x80x128xf32, #tpu.memory_space<vmem>> -> memref<80x128xf32, #tpu.memory_space<vmem>>
    %dma_start3A_46 = arith.constant 9920 : i32
    %dma_start3A_47 = tpu.memref_slice %arg7[%dma_start3A_46] : memref<10000xi32, #tpu.memory_space<vmem>> -> memref<80xi32, #tpu.memory_space<vmem>>
    %dma_start3A_48 = arith.constant 0 : i32
    %dma_start3A_49 = arith.constant 0 : i32
    %dma_start3A_50 = tpu.memref_slice %arg2[%dma_start3A_48, %dma_start3A_49] : memref<20480x128xf32, #tpu.memory_space<hbm>> -> memref<20480x128xf32, #tpu.memory_space<hbm>>
    tpu.enqueue_indirect_dma source(%dma_start3A_50 : memref<20480x128xf32, #tpu.memory_space<hbm>>) target(%dma_start3A_45 : memref<80x128xf32, #tpu.memory_space<vmem>>) offsets(%dma_start3A_47 : memref<80xi32, #tpu.memory_space<vmem>>) semaphore(%arg10 : memref<!tpu.dma_semaphore, #tpu.memory_space<semaphore_mem>>)
    %dma_wait3A_51 = arith.constant 1 : i32
    %dma_wait3A_52 = arith.constant 0 : i32
    %dma_wait3A_53 = arith.constant 0 : i32
    %dma_wait3A_54 = tpu.memref_slice %arg9[%dma_wait3A_51, %dma_wait3A_52, %dma_wait3A_53] : memref<2x80x128xf32, #tpu.memory_space<vmem>> -> memref<1x80x128xf32, #tpu.memory_space<vmem>>
    %dma_wait3A_55 = tpu.memref_squeeze %dma_wait3A_54 : memref<1x80x128xf32, #tpu.memory_space<vmem>> -> memref<80x128xf32, #tpu.memory_space<vmem>>
    %dma_wait3A_56 = arith.constant 9840 : i32
    %dma_wait3A_57 = tpu.memref_slice %arg7[%dma_wait3A_56] : memref<10000xi32, #tpu.memory_space<vmem>> -> memref<80xi32, #tpu.memory_space<vmem>>
    %dma_wait3A_58 = arith.constant 0 : i32
    %dma_wait3A_59 = arith.constant 0 : i32
    %dma_wait3A_60 = tpu.memref_slice %arg2[%dma_wait3A_58, %dma_wait3A_59] : memref<20480x128xf32, #tpu.memory_space<hbm>> -> memref<20480x128xf32, #tpu.memory_space<hbm>>
    tpu.wait_indirect_dma semaphore(%arg11 : memref<!tpu.dma_semaphore, #tpu.memory_space<semaphore_mem>>) src(%dma_wait3A_60 : memref<20480x128xf32, #tpu.memory_space<hbm>>) dst(%dma_wait3A_55 : memref<80x128xf32, #tpu.memory_space<vmem>>)
    %run_scoped3A_61 = arith.constant 1 : i32
    %run_scoped3A_62 = arith.constant 123 : i32
    "tpu.region"() ({
      %run_scoped3A_81 = tpu.sem_alloc : memref<!tpu.dma_semaphore, #tpu.memory_space<semaphore_mem>>
      %dma_start3A_82 = arith.constant 0 : i32
      %dma_start3A_83 = arith.constant 0 : i32
      %dma_start3A_84 = tpu.memref_slice %arg9[%run_scoped3A_61, %dma_start3A_82, %dma_start3A_83] : memref<2x80x128xf32, #tpu.memory_space<vmem>> -> memref<1x80x128xf32, #tpu.memory_space<vmem>>
      %dma_start3A_85 = tpu.memref_squeeze %dma_start3A_84 : memref<1x80x128xf32, #tpu.memory_space<vmem>> -> memref<80x128xf32, #tpu.memory_space<vmem>>
      %dma_start3A_86 = arith.constant 0 : i32
      %dma_start3A_87 = tpu.memref_slice %arg8[%run_scoped3A_62, %dma_start3A_86] : memref<125x80xi32, #tpu.memory_space<vmem>> -> memref<1x80xi32, #tpu.memory_space<vmem>>
      %dma_start3A_88 = tpu.memref_squeeze %dma_start3A_87 : memref<1x80xi32, #tpu.memory_space<vmem>> -> memref<80xi32, #tpu.memory_space<vmem>>
      %dma_start3A_89 = arith.constant 0 : i32
      %dma_start3A_90 = arith.constant 0 : i32
      %dma_start3A_91 = tpu.memref_slice %arg6[%dma_start3A_89, %dma_start3A_90] : memref<10240x128xf32, #tpu.memory_space<vmem_shared>> -> memref<10240x128xf32, #tpu.memory_space<vmem_shared>>
      tpu.enqueue_indirect_dma source(%dma_start3A_85 : memref<80x128xf32, #tpu.memory_space<vmem>>) target(%dma_start3A_91 : memref<10240x128xf32, #tpu.memory_space<vmem_shared>>) offsets(%dma_start3A_88 : memref<80xi32, #tpu.memory_space<vmem>>) semaphore(%run_scoped3A_81 : memref<!tpu.dma_semaphore, #tpu.memory_space<semaphore_mem>>) {add = true}
      %dma_wait3A_92 = arith.constant 0 : i32
      %dma_wait3A_93 = arith.constant 0 : i32
      %dma_wait3A_94 = tpu.memref_slice %arg9[%run_scoped3A_61, %dma_wait3A_92, %dma_wait3A_93] : memref<2x80x128xf32, #tpu.memory_space<vmem>> -> memref<1x80x128xf32, #tpu.memory_space<vmem>>
      %dma_wait3A_95 = tpu.memref_squeeze %dma_wait3A_94 : memref<1x80x128xf32, #tpu.memory_space<vmem>> -> memref<80x128xf32, #tpu.memory_space<vmem>>
      %dma_wait3A_96 = arith.constant 0 : i32
      %dma_wait3A_97 = tpu.memref_slice %arg8[%run_scoped3A_62, %dma_wait3A_96] : memref<125x80xi32, #tpu.memory_space<vmem>> -> memref<1x80xi32, #tpu.memory_space<vmem>>
      %dma_wait3A_98 = tpu.memref_squeeze %dma_wait3A_97 : memref<1x80xi32, #tpu.memory_space<vmem>> -> memref<80xi32, #tpu.memory_space<vmem>>
      %dma_wait3A_99 = arith.constant 0 : i32
      %dma_wait3A_100 = arith.constant 0 : i32
      %dma_wait3A_101 = tpu.memref_slice %arg6[%dma_wait3A_99, %dma_wait3A_100] : memref<10240x128xf32, #tpu.memory_space<vmem_shared>> -> memref<10240x128xf32, #tpu.memory_space<vmem_shared>>
      tpu.wait_indirect_dma semaphore(%run_scoped3A_81 : memref<!tpu.dma_semaphore, #tpu.memory_space<semaphore_mem>>) src(%dma_wait3A_95 : memref<80x128xf32, #tpu.memory_space<vmem>>) dst(%dma_wait3A_101 : memref<10240x128xf32, #tpu.memory_space<vmem_shared>>)
      tpu.yield
    }) : () -> ()
    %dma_wait3A_63 = arith.constant 0 : i32
    %dma_wait3A_64 = arith.constant 0 : i32
    %dma_wait3A_65 = arith.constant 0 : i32
    %dma_wait3A_66 = tpu.memref_slice %arg9[%dma_wait3A_63, %dma_wait3A_64, %dma_wait3A_65] : memref<2x80x128xf32, #tpu.memory_space<vmem>> -> memref<1x80x128xf32, #tpu.memory_space<vmem>>
    %dma_wait3A_67 = tpu.memref_squeeze %dma_wait3A_66 : memref<1x80x128xf32, #tpu.memory_space<vmem>> -> memref<80x128xf32, #tpu.memory_space<vmem>>
    %dma_wait3A_68 = arith.constant 9920 : i32
    %dma_wait3A_69 = tpu.memref_slice %arg7[%dma_wait3A_68] : memref<10000xi32, #tpu.memory_space<vmem>> -> memref<80xi32, #tpu.memory_space<vmem>>
    %dma_wait3A_70 = arith.constant 0 : i32
    %dma_wait3A_71 = arith.constant 0 : i32
    %dma_wait3A_72 = tpu.memref_slice %arg2[%dma_wait3A_70, %dma_wait3A_71] : memref<20480x128xf32, #tpu.memory_space<hbm>> -> memref<20480x128xf32, #tpu.memory_space<hbm>>
    tpu.wait_indirect_dma semaphore(%arg10 : memref<!tpu.dma_semaphore, #tpu.memory_space<semaphore_mem>>) src(%dma_wait3A_72 : memref<20480x128xf32, #tpu.memory_space<hbm>>) dst(%dma_wait3A_67 : memref<80x128xf32, #tpu.memory_space<vmem>>)
    %run_scoped3A_73 = arith.constant 0 : i32
    %run_scoped3A_74 = arith.constant 124 : i32
    "tpu.region"() ({
      %run_scoped3A_81 = tpu.sem_alloc : memref<!tpu.dma_semaphore, #tpu.memory_space<semaphore_mem>>
      %dma_start3A_82 = arith.constant 0 : i32
      %dma_start3A_83 = arith.constant 0 : i32
      %dma_start3A_84 = tpu.memref_slice %arg9[%run_scoped3A_73, %dma_start3A_82, %dma_start3A_83] : memref<2x80x128xf32, #tpu.memory_space<vmem>> -> memref<1x80x128xf32, #tpu.memory_space<vmem>>
      %dma_start3A_85 = tpu.memref_squeeze %dma_start3A_84 : memref<1x80x128xf32, #tpu.memory_space<vmem>> -> memref<80x128xf32, #tpu.memory_space<vmem>>
      %dma_start3A_86 = arith.constant 0 : i32
      %dma_start3A_87 = tpu.memref_slice %arg8[%run_scoped3A_74, %dma_start3A_86] : memref<125x80xi32, #tpu.memory_space<vmem>> -> memref<1x80xi32, #tpu.memory_space<vmem>>
      %dma_start3A_88 = tpu.memref_squeeze %dma_start3A_87 : memref<1x80xi32, #tpu.memory_space<vmem>> -> memref<80xi32, #tpu.memory_space<vmem>>
      %dma_start3A_89 = arith.constant 0 : i32
      %dma_start3A_90 = arith.constant 0 : i32
      %dma_start3A_91 = tpu.memref_slice %arg6[%dma_start3A_89, %dma_start3A_90] : memref<10240x128xf32, #tpu.memory_space<vmem_shared>> -> memref<10240x128xf32, #tpu.memory_space<vmem_shared>>
      tpu.enqueue_indirect_dma source(%dma_start3A_85 : memref<80x128xf32, #tpu.memory_space<vmem>>) target(%dma_start3A_91 : memref<10240x128xf32, #tpu.memory_space<vmem_shared>>) offsets(%dma_start3A_88 : memref<80xi32, #tpu.memory_space<vmem>>) semaphore(%run_scoped3A_81 : memref<!tpu.dma_semaphore, #tpu.memory_space<semaphore_mem>>) {add = true}
      %dma_wait3A_92 = arith.constant 0 : i32
      %dma_wait3A_93 = arith.constant 0 : i32
      %dma_wait3A_94 = tpu.memref_slice %arg9[%run_scoped3A_73, %dma_wait3A_92, %dma_wait3A_93] : memref<2x80x128xf32, #tpu.memory_space<vmem>> -> memref<1x80x128xf32, #tpu.memory_space<vmem>>
      %dma_wait3A_95 = tpu.memref_squeeze %dma_wait3A_94 : memref<1x80x128xf32, #tpu.memory_space<vmem>> -> memref<80x128xf32, #tpu.memory_space<vmem>>
      %dma_wait3A_96 = arith.constant 0 : i32
      %dma_wait3A_97 = tpu.memref_slice %arg8[%run_scoped3A_74, %dma_wait3A_96] : memref<125x80xi32, #tpu.memory_space<vmem>> -> memref<1x80xi32, #tpu.memory_space<vmem>>
      %dma_wait3A_98 = tpu.memref_squeeze %dma_wait3A_97 : memref<1x80xi32, #tpu.memory_space<vmem>> -> memref<80xi32, #tpu.memory_space<vmem>>
      %dma_wait3A_99 = arith.constant 0 : i32
      %dma_wait3A_100 = arith.constant 0 : i32
      %dma_wait3A_101 = tpu.memref_slice %arg6[%dma_wait3A_99, %dma_wait3A_100] : memref<10240x128xf32, #tpu.memory_space<vmem_shared>> -> memref<10240x128xf32, #tpu.memory_space<vmem_shared>>
      tpu.wait_indirect_dma semaphore(%run_scoped3A_81 : memref<!tpu.dma_semaphore, #tpu.memory_space<semaphore_mem>>) src(%dma_wait3A_95 : memref<80x128xf32, #tpu.memory_space<vmem>>) dst(%dma_wait3A_101 : memref<10240x128xf32, #tpu.memory_space<vmem_shared>>)
      tpu.yield
    }) : () -> ()
    %barrier3A_75 = arith.constant 0 : index
    tpu.barrier barrier_id(%barrier3A_75)
    %mul3A_76 = arith.constant 640 : i32
    %mul3A_77 = arith.muli %arg1, %mul3A_76 : i32
    %mul3A_78 = arith.constant 640 : i32
    %mul3A_79 = arith.muli %arg1, %mul3A_78 : i32
    %add3A_80 = arith.addi %mul3A_1, %mul3A_79 : i32
    "tpu.region"() ({
      %run_scoped3A_81 = tpu.sem_alloc : memref<!tpu.dma_semaphore, #tpu.memory_space<semaphore_mem>>
      %dma_start3A_82 = arith.constant 0 : i32
      %dma_start3A_83 = tpu.memref_slice %arg5[%add3A_80, %dma_start3A_82] : memref<20480x128xf32, #tpu.memory_space<hbm>> -> memref<640x128xf32, #tpu.memory_space<hbm>>
      %dma_start3A_84 = arith.constant 0 : i32
      %dma_start3A_85 = tpu.memref_slice %arg6[%mul3A_77, %dma_start3A_84] : memref<10240x128xf32, #tpu.memory_space<vmem_shared>> -> memref<640x128xf32, #tpu.memory_space<vmem_shared>>
      tpu.enqueue_dma source(%dma_start3A_85 : memref<640x128xf32, #tpu.memory_space<vmem_shared>>) target(%dma_start3A_83 : memref<640x128xf32, #tpu.memory_space<hbm>>) target_semaphore(%run_scoped3A_81 : memref<!tpu.dma_semaphore, #tpu.memory_space<semaphore_mem>>)
      %dma_wait3A_86 = arith.constant 0 : i32
      %dma_wait3A_87 = tpu.memref_slice %arg5[%add3A_80, %dma_wait3A_86] : memref<20480x128xf32, #tpu.memory_space<hbm>> -> memref<640x128xf32, #tpu.memory_space<hbm>>
      %dma_wait3A_88 = arith.constant 0 : i32
      %dma_wait3A_89 = tpu.memref_slice %arg6[%mul3A_77, %dma_wait3A_88] : memref<10240x128xf32, #tpu.memory_space<vmem_shared>> -> memref<640x128xf32, #tpu.memory_space<vmem_shared>>
      tpu.wait_dma2 semaphore(%run_scoped3A_81 : memref<!tpu.dma_semaphore, #tpu.memory_space<semaphore_mem>>) src(%dma_wait3A_89 : memref<640x128xf32, #tpu.memory_space<vmem_shared>>) dst(%dma_wait3A_87 : memref<640x128xf32, #tpu.memory_space<hbm>>)
      tpu.yield
    }) : () -> ()
    return
  }
}

module attributes {stable_mosaic.version = 14 : i64} {
  func.func @_h2_body(%arg0: i32, %arg1: i32, %arg2: memref<2048x256xf32, #tpu.memory_space<vmem>>, %arg3: memref<256x128xf32, #tpu.memory_space<vmem>>, %arg4: memref<2x2048x128xf32, #tpu.memory_space<vmem>>, %arg5: memref<2048x128xf32, #tpu.memory_space<vmem>>, %arg6: memref<2048x128xf32, #tpu.memory_space<vmem>>) attributes {dimension_semantics = [#tpu.dimension_semantics<arbitrary>, #tpu.dimension_semantics<arbitrary>], iteration_bounds = array<i64: 5, 4>, scalar_prefetch = 0 : i64, scratch_operands = 0 : i64, tpu.core_type = #tpu.core_type<tc>, window_params = [{transform_indices = @transform_0, window_bounds = array<i64: 2048, 256>}, {transform_indices = @transform_1, window_bounds = array<i64: 256, 128>}, {transform_indices = @transform_2, window_bounds = array<i64: 2, 2048, 128>}, {transform_indices = @transform_3, window_bounds = array<i64: 2048, 128>}, {transform_indices = @transform_4, window_bounds = array<i64: 2048, 128>}]} {
    %get3A = arith.constant 0 : index
    %get3A_0 = arith.constant 0 : index
    %get3A_1 = arith.constant 0 : index
    %get3A_2 = vector.load %arg4[%get3A, %get3A_0, %get3A_1] : memref<2x2048x128xf32, #tpu.memory_space<vmem>>, vector<2x2048x128xf32>
    %slice3A = vector.extract_strided_slice %get3A_2 {offsets = [0, 0, 0], sizes = [1, 2048, 1], strides = [1, 1, 1]} : vector<2x2048x128xf32> to vector<1x2048x1xf32>
    %squeeze3A = vector.shape_cast %slice3A : vector<1x2048x1xf32> to vector<2048x1xf32>
    %slice3A_3 = vector.extract_strided_slice %get3A_2 {offsets = [1, 0, 0], sizes = [1, 2048, 1], strides = [1, 1, 1]} : vector<2x2048x128xf32> to vector<1x2048x1xf32>
    %squeeze3A_4 = vector.shape_cast %slice3A_3 : vector<1x2048x1xf32> to vector<2048x1xf32>
    %add3A = arith.addf %squeeze3A, %squeeze3A_4 : vector<2048x1xf32>
    %add3A_5 = arith.constant 1.000000e+00 : f32
    %add3A_6 = vector.broadcast %add3A_5 : f32 to vector<2048x1xf32>
    %add3A_7 = arith.addf %add3A, %add3A_6 : vector<2048x1xf32>
    %rsqrt3A = math.rsqrt %add3A_7 : vector<2048x1xf32>
    %broadcast_in_dim3A = vector.shape_cast %rsqrt3A : vector<2048x1xf32> to vector<2048x1xf32>
    %broadcast_in_dim3A_8 = vector.broadcast %broadcast_in_dim3A : vector<2048x1xf32> to vector<2048x128xf32>
    %get3A_9 = arith.constant 0 : index
    %get3A_10 = arith.constant 0 : index
    %get3A_11 = vector.load %arg2[%get3A_9, %get3A_10] : memref<2048x256xf32, #tpu.memory_space<vmem>>, vector<2048x256xf32>
    %get3A_12 = arith.constant 0 : index
    %get3A_13 = arith.constant 0 : index
    %get3A_14 = vector.load %arg3[%get3A_12, %get3A_13] : memref<256x128xf32, #tpu.memory_space<vmem>>, vector<256x128xf32>
    %dot_general3A = arith.constant dense<0.000000e+00> : vector<2048x128xf32>
    %dot_general3A_15 = tpu.matmul %get3A_11, %get3A_14, %dot_general3A {dimension_numbers = #tpu.dot_dimension_numbers<[1], [0], [0], [1], [0, 0, 1, 1], [], []>, transpose_lhs_hint = false} : vector<2048x256xf32>, vector<256x128xf32>, vector<2048x128xf32> -> vector<2048x128xf32>
    %mul3A = arith.mulf %dot_general3A_15, %broadcast_in_dim3A_8 : vector<2048x128xf32>
    %swap3A = arith.constant 0 : index
    %swap3A_16 = arith.constant 0 : index
    %swap3A_17 = vector.load %arg5[%swap3A, %swap3A_16] : memref<2048x128xf32, #tpu.memory_space<vmem>>, vector<2048x128xf32>
    tpu.vector_store %arg5[%swap3A, %swap3A_16], %mul3A {strides = array<i32>} : memref<2048x128xf32, #tpu.memory_space<vmem>>, vector<2048x128xf32>,
    %swap3A_18 = arith.constant 0 : index
    %swap3A_19 = arith.constant 0 : index
    %swap3A_20 = vector.load %arg6[%swap3A_18, %swap3A_19] : memref<2048x128xf32, #tpu.memory_space<vmem>>, vector<2048x128xf32>
    tpu.vector_store %arg6[%swap3A_18, %swap3A_19], %broadcast_in_dim3A_8 {strides = array<i32>} : memref<2048x128xf32, #tpu.memory_space<vmem>>, vector<2048x128xf32>,
    return
  }
  func.func @transform_0(%arg0: i32, %arg1: i32) -> (i32, i32) {
    %c0_i32 = arith.constant 0 : i32
    %c0_i32_0 = arith.constant 0 : i32
    return %arg0, %c0_i32 : i32, i32
  }
  func.func @transform_1(%arg0: i32, %arg1: i32) -> (i32, i32) {
    %c0_i32 = arith.constant 0 : i32
    %c0_i32_0 = arith.constant 0 : i32
    return %c0_i32, %arg1 : i32, i32
  }
  func.func @transform_2(%arg0: i32, %arg1: i32) -> (i32, i32, i32) {
    %c0_i32 = arith.constant 0 : i32
    %c0_i32_0 = arith.constant 0 : i32
    %c0_i32_1 = arith.constant 0 : i32
    return %c0_i32, %arg0, %c0_i32_0 : i32, i32, i32
  }
  func.func @transform_3(%arg0: i32, %arg1: i32) -> (i32, i32) {
    %mul3A = arith.constant 5 : i32
    %mul3A_0 = arith.muli %arg1, %mul3A : i32
    %add3A = arith.addi %mul3A_0, %arg0 : i32
    %c0_i32 = arith.constant 0 : i32
    %c0_i32_1 = arith.constant 0 : i32
    return %add3A, %c0_i32 : i32, i32
  }
  func.func @transform_4(%arg0: i32, %arg1: i32) -> (i32, i32) {
    %c0_i32 = arith.constant 0 : i32
    %c0_i32_0 = arith.constant 0 : i32
    return %arg0, %c0_i32 : i32, i32
  }
}

module attributes {stable_mosaic.version = 14 : i64} {
  func.func @_stats_body(%arg0: i32, %arg1: i32, %arg2: memref<2048x128xf32, #tpu.memory_space<vmem>>, %arg3: memref<2048x128xf32, #tpu.memory_space<vmem>>, %arg4: memref<1x1x128xf32, #tpu.memory_space<vmem>>, %arg5: memref<1x1x128xf32, #tpu.memory_space<vmem>>) attributes {dimension_semantics = [#tpu.dimension_semantics<arbitrary>, #tpu.dimension_semantics<arbitrary>], iteration_bounds = array<i64: 4, 5>, scalar_prefetch = 0 : i64, scratch_operands = 0 : i64, tpu.core_type = #tpu.core_type<tc>, window_params = [{transform_indices = @transform_0, window_bounds = array<i64: 2048, 128>}, {transform_indices = @transform_1, window_bounds = array<i64: 2048, 128>}, {transform_indices = @transform_2, window_bounds = array<i64: 1, 1, 128>}, {transform_indices = @transform_3, window_bounds = array<i64: 1, 1, 128>}]} {
    %get3A = arith.constant 0 : index
    %get3A_0 = arith.constant 0 : index
    %get3A_1 = vector.load %arg2[%get3A, %get3A_0] : memref<2048x128xf32, #tpu.memory_space<vmem>>, vector<2048x128xf32>
    %get3A_2 = arith.constant 0 : index
    %get3A_3 = arith.constant 0 : index
    %get3A_4 = vector.load %arg3[%get3A_2, %get3A_3] : memref<2048x128xf32, #tpu.memory_space<vmem>>, vector<2048x128xf32>
    %mul3A = arith.mulf %get3A_1, %get3A_4 : vector<2048x128xf32>
    %reduce_sum3A = arith.constant dense<0.000000e+00> : vector<128xf32>
    %reduce_sum3A_5 = vector.multi_reduction <add>, %mul3A, %reduce_sum3A [0] : vector<2048x128xf32> to vector<128xf32>
    %broadcast_in_dim3A = vector.shape_cast %reduce_sum3A_5 : vector<128xf32> to vector<1x128xf32>
    %broadcast_in_dim3A_6 = vector.shape_cast %broadcast_in_dim3A : vector<1x128xf32> to vector<1x1x128xf32>
    %mul3A_7 = arith.mulf %mul3A, %mul3A : vector<2048x128xf32>
    %reduce_sum3A_8 = arith.constant dense<0.000000e+00> : vector<128xf32>
    %reduce_sum3A_9 = vector.multi_reduction <add>, %mul3A_7, %reduce_sum3A_8 [0] : vector<2048x128xf32> to vector<128xf32>
    %broadcast_in_dim3A_10 = vector.shape_cast %reduce_sum3A_9 : vector<128xf32> to vector<1x128xf32>
    %broadcast_in_dim3A_11 = vector.shape_cast %broadcast_in_dim3A_10 : vector<1x128xf32> to vector<1x1x128xf32>
    %eq3A = arith.constant 0 : i32
    %eq3A_12 = arith.cmpi eq, %arg1, %eq3A : i32
    %convert_element_type3A = arith.extui %eq3A_12 : i1 to i32
    %cond3A = arith.constant 0 : i32
    %cond3A_13 = arith.cmpi ne, %convert_element_type3A, %cond3A : i32
    scf.if %cond3A_13 {
      %broadcast_in_dim3A_30 = arith.constant 0.000000e+00 : f32
      %broadcast_in_dim3A_31 = vector.broadcast %broadcast_in_dim3A_30 : f32 to vector<1x1x128xf32>
      %swap3A_32 = arith.constant 0 : index
      %swap3A_33 = arith.constant 0 : index
      %swap3A_34 = arith.constant 0 : index
      %swap3A_35 = vector.load %arg4[%swap3A_32, %swap3A_33, %swap3A_34] : memref<1x1x128xf32, #tpu.memory_space<vmem>>, vector<1x1x128xf32>
      tpu.vector_store %arg4[%swap3A_32, %swap3A_33, %swap3A_34], %broadcast_in_dim3A_31 {strides = array<i32>} : memref<1x1x128xf32, #tpu.memory_space<vmem>>, vector<1x1x128xf32>,
      %broadcast_in_dim3A_36 = arith.constant 0.000000e+00 : f32
      %broadcast_in_dim3A_37 = vector.broadcast %broadcast_in_dim3A_36 : f32 to vector<1x1x128xf32>
      %swap3A_38 = arith.constant 0 : index
      %swap3A_39 = arith.constant 0 : index
      %swap3A_40 = arith.constant 0 : index
      %swap3A_41 = vector.load %arg5[%swap3A_38, %swap3A_39, %swap3A_40] : memref<1x1x128xf32, #tpu.memory_space<vmem>>, vector<1x1x128xf32>
      tpu.vector_store %arg5[%swap3A_38, %swap3A_39, %swap3A_40], %broadcast_in_dim3A_37 {strides = array<i32>} : memref<1x1x128xf32, #tpu.memory_space<vmem>>, vector<1x1x128xf32>,
    } else {
    }
    %get3A_14 = arith.constant 0 : index
    %get3A_15 = arith.constant 0 : index
    %get3A_16 = arith.constant 0 : index
    %get3A_17 = vector.load %arg4[%get3A_14, %get3A_15, %get3A_16] : memref<1x1x128xf32, #tpu.memory_space<vmem>>, vector<1x1x128xf32>
    %add3A = arith.addf %get3A_17, %broadcast_in_dim3A_6 : vector<1x1x128xf32>
    %swap3A = arith.constant 0 : index
    %swap3A_18 = arith.constant 0 : index
    %swap3A_19 = arith.constant 0 : index
    %swap3A_20 = vector.load %arg4[%swap3A, %swap3A_18, %swap3A_19] : memref<1x1x128xf32, #tpu.memory_space<vmem>>, vector<1x1x128xf32>
    tpu.vector_store %arg4[%swap3A, %swap3A_18, %swap3A_19], %add3A {strides = array<i32>} : memref<1x1x128xf32, #tpu.memory_space<vmem>>, vector<1x1x128xf32>,
    %get3A_21 = arith.constant 0 : index
    %get3A_22 = arith.constant 0 : index
    %get3A_23 = arith.constant 0 : index
    %get3A_24 = vector.load %arg5[%get3A_21, %get3A_22, %get3A_23] : memref<1x1x128xf32, #tpu.memory_space<vmem>>, vector<1x1x128xf32>
    %add3A_25 = arith.addf %get3A_24, %broadcast_in_dim3A_11 : vector<1x1x128xf32>
    %swap3A_26 = arith.constant 0 : index
    %swap3A_27 = arith.constant 0 : index
    %swap3A_28 = arith.constant 0 : index
    %swap3A_29 = vector.load %arg5[%swap3A_26, %swap3A_27, %swap3A_28] : memref<1x1x128xf32, #tpu.memory_space<vmem>>, vector<1x1x128xf32>
    tpu.vector_store %arg5[%swap3A_26, %swap3A_27, %swap3A_28], %add3A_25 {strides = array<i32>} : memref<1x1x128xf32, #tpu.memory_space<vmem>>, vector<1x1x128xf32>,
    return
  }
  func.func @transform_0(%arg0: i32, %arg1: i32) -> (i32, i32) {
    %mul3A = arith.constant 5 : i32
    %mul3A_0 = arith.muli %arg0, %mul3A : i32
    %add3A = arith.addi %mul3A_0, %arg1 : i32
    %c0_i32 = arith.constant 0 : i32
    %c0_i32_1 = arith.constant 0 : i32
    return %add3A, %c0_i32 : i32, i32
  }
  func.func @transform_1(%arg0: i32, %arg1: i32) -> (i32, i32) {
    %c0_i32 = arith.constant 0 : i32
    %c0_i32_0 = arith.constant 0 : i32
    return %arg1, %c0_i32 : i32, i32
  }
  func.func @transform_2(%arg0: i32, %arg1: i32) -> (i32, i32, i32) {
    %c0_i32 = arith.constant 0 : i32
    %c0_i32_0 = arith.constant 0 : i32
    %c0_i32_1 = arith.constant 0 : i32
    return %arg0, %c0_i32, %c0_i32_0 : i32, i32, i32
  }
  func.func @transform_3(%arg0: i32, %arg1: i32) -> (i32, i32, i32) {
    %c0_i32 = arith.constant 0 : i32
    %c0_i32_0 = arith.constant 0 : i32
    %c0_i32_1 = arith.constant 0 : i32
    return %arg0, %c0_i32, %c0_i32_0 : i32, i32, i32
  }
}

module attributes {stable_mosaic.version = 14 : i64} {
  func.func @_layer2_body(%arg0: i32, %arg1: i32, %arg2: i32, %arg3: memref<2048x128xf32, #tpu.memory_space<vmem>>, %arg4: memref<2048x128xf32, #tpu.memory_space<vmem>>, %arg5: memref<1x1x128xf32, #tpu.memory_space<vmem>>, %arg6: memref<1x1x128xf32, #tpu.memory_space<vmem>>, %arg7: memref<1x1x128xf32, #tpu.memory_space<vmem>>, %arg8: memref<1x1x128xf32, #tpu.memory_space<vmem>>, %arg9: memref<128x128xf32, #tpu.memory_space<vmem>>, %arg10: memref<2048x128xf32, #tpu.memory_space<vmem>>) attributes {dimension_semantics = [#tpu.dimension_semantics<arbitrary>, #tpu.dimension_semantics<arbitrary>, #tpu.dimension_semantics<arbitrary>], iteration_bounds = array<i64: 2, 5, 4>, scalar_prefetch = 0 : i64, scratch_operands = 0 : i64, tpu.core_type = #tpu.core_type<tc>, window_params = [{transform_indices = @transform_0, window_bounds = array<i64: 2048, 128>}, {transform_indices = @transform_1, window_bounds = array<i64: 2048, 128>}, {transform_indices = @transform_2, window_bounds = array<i64: 1, 1, 128>}, {transform_indices = @transform_3, window_bounds = array<i64: 1, 1, 128>}, {transform_indices = @transform_4, window_bounds = array<i64: 1, 1, 128>}, {transform_indices = @transform_5, window_bounds = array<i64: 1, 1, 128>}, {transform_indices = @transform_6, window_bounds = array<i64: 128, 128>}, {transform_indices = @transform_7, window_bounds = array<i64: 2048, 128>}]} {
    %get3A = arith.constant 0 : index
    %get3A_0 = arith.constant 0 : index
    %get3A_1 = vector.load %arg3[%get3A, %get3A_0] : memref<2048x128xf32, #tpu.memory_space<vmem>>, vector<2048x128xf32>
    %get3A_2 = arith.constant 0 : index
    %get3A_3 = arith.constant 0 : index
    %get3A_4 = vector.load %arg4[%get3A_2, %get3A_3] : memref<2048x128xf32, #tpu.memory_space<vmem>>, vector<2048x128xf32>
    %mul3A = arith.mulf %get3A_1, %get3A_4 : vector<2048x128xf32>
    %get3A_5 = arith.constant 0 : index
    %get3A_6 = arith.constant 0 : index
    %get3A_7 = arith.constant 0 : index
    %get3A_8 = vector.load %arg5[%get3A_5, %get3A_6, %get3A_7] : memref<1x1x128xf32, #tpu.memory_space<vmem>>, vector<1x1x128xf32>
    %get3A_9 = vector.shape_cast %get3A_8 : vector<1x1x128xf32> to vector<128xf32>
    %mul3A_10 = arith.constant 9.99999974E-5 : f32
    %mul3A_11 = vector.broadcast %mul3A_10 : f32 to vector<128xf32>
    %mul3A_12 = arith.mulf %get3A_9, %mul3A_11 : vector<128xf32>
    %get3A_13 = arith.constant 0 : index
    %get3A_14 = arith.constant 0 : index
    %get3A_15 = arith.constant 0 : index
    %get3A_16 = vector.load %arg6[%get3A_13, %get3A_14, %get3A_15] : memref<1x1x128xf32, #tpu.memory_space<vmem>>, vector<1x1x128xf32>
    %get3A_17 = vector.shape_cast %get3A_16 : vector<1x1x128xf32> to vector<128xf32>
    %mul3A_18 = arith.constant 9.99999974E-5 : f32
    %mul3A_19 = vector.broadcast %mul3A_18 : f32 to vector<128xf32>
    %mul3A_20 = arith.mulf %get3A_17, %mul3A_19 : vector<128xf32>
    %mul3A_21 = arith.mulf %mul3A_12, %mul3A_12 : vector<128xf32>
    %sub3A = arith.subf %mul3A_20, %mul3A_21 : vector<128xf32>
    %broadcast_in_dim3A = vector.shape_cast %mul3A_12 : vector<128xf32> to vector<1x128xf32>
    %sub3A_22 = vector.broadcast %broadcast_in_dim3A : vector<1x128xf32> to vector<2048x128xf32>
    %sub3A_23 = arith.subf %mul3A, %sub3A_22 : vector<2048x128xf32>
    %get3A_24 = arith.constant 0 : index
    %get3A_25 = arith.constant 0 : index
    %get3A_26 = arith.constant 0 : index
    %get3A_27 = vector.load %arg7[%get3A_24, %get3A_25, %get3A_26] : memref<1x1x128xf32, #tpu.memory_space<vmem>>, vector<1x1x128xf32>
    %get3A_28 = vector.shape_cast %get3A_27 : vector<1x1x128xf32> to vector<128xf32>
    %add3A = arith.constant 9.99999974E-6 : f32
    %add3A_29 = vector.broadcast %add3A : f32 to vector<128xf32>
    %add3A_30 = arith.addf %sub3A, %add3A_29 : vector<128xf32>
    %rsqrt3A = math.rsqrt %add3A_30 : vector<128xf32>
    %mul3A_31 = arith.mulf %get3A_28, %rsqrt3A : vector<128xf32>
    %broadcast_in_dim3A_32 = vector.shape_cast %mul3A_31 : vector<128xf32> to vector<1x128xf32>
    %mul3A_33 = vector.broadcast %broadcast_in_dim3A_32 : vector<1x128xf32> to vector<2048x128xf32>
    %mul3A_34 = arith.mulf %sub3A_23, %mul3A_33 : vector<2048x128xf32>
    %get3A_35 = arith.constant 0 : index
    %get3A_36 = arith.constant 0 : index
    %get3A_37 = arith.constant 0 : index
    %get3A_38 = vector.load %arg8[%get3A_35, %get3A_36, %get3A_37] : memref<1x1x128xf32, #tpu.memory_space<vmem>>, vector<1x1x128xf32>
    %get3A_39 = vector.shape_cast %get3A_38 : vector<1x1x128xf32> to vector<128xf32>
    %broadcast_in_dim3A_40 = vector.shape_cast %get3A_39 : vector<128xf32> to vector<1x128xf32>
    %add3A_41 = vector.broadcast %broadcast_in_dim3A_40 : vector<1x128xf32> to vector<2048x128xf32>
    %add3A_42 = arith.addf %mul3A_34, %add3A_41 : vector<2048x128xf32>
    %max3A = arith.constant 0.000000e+00 : f32
    %max3A_43 = vector.broadcast %max3A : f32 to vector<2048x128xf32>
    %max3A_44 = arith.maximumf %add3A_42, %max3A_43 : vector<2048x128xf32>
    %iota3A = tpu.iota {dimensions = array<i32: 0>} : vector<2048x1xi32>
    %mul3A_45 = arith.constant 2048 : i32
    %mul3A_46 = arith.muli %arg1, %mul3A_45 : i32
    %add3A_47 = vector.broadcast %mul3A_46 : i32 to vector<2048x1xi32>
    %add3A_48 = arith.addi %iota3A, %add3A_47 : vector<2048x1xi32>
    %lt3A = arith.constant 10000 : i32
    %lt3A_49 = vector.broadcast %lt3A : i32 to vector<2048x1xi32>
    %lt3A_50 = arith.cmpi slt, %add3A_48, %lt3A_49 : vector<2048x1xi32>
    %jit3A = arith.constant 0.000000e+00 : f32
    %broadcast_in_dim3A_51 = vector.shape_cast %lt3A_50 : vector<2048x1xi1> to vector<2048x1xi1>
    %broadcast_in_dim3A_52 = vector.broadcast %broadcast_in_dim3A_51 : vector<2048x1xi1> to vector<2048x128xi1>
    %broadcast_in_dim3A_53 = vector.broadcast %jit3A : f32 to vector<2048x128xf32>
    %select_n3A = arith.select %broadcast_in_dim3A_52, %max3A_44, %broadcast_in_dim3A_53 : vector<2048x128xi1>, vector<2048x128xf32>
    %get3A_54 = arith.constant 0 : index
    %get3A_55 = arith.constant 0 : index
    %get3A_56 = vector.load %arg9[%get3A_54, %get3A_55] : memref<128x128xf32, #tpu.memory_space<vmem>>, vector<128x128xf32>
    %dot_general3A = arith.constant dense<0.000000e+00> : vector<2048x128xf32>
    %dot_general3A_57 = tpu.matmul %select_n3A, %get3A_56, %dot_general3A {dimension_numbers = #tpu.dot_dimension_numbers<[1], [0], [0], [1], [0, 0, 1, 1], [], []>, transpose_lhs_hint = false} : vector<2048x128xf32>, vector<128x128xf32>, vector<2048x128xf32> -> vector<2048x128xf32>
    %eq3A = arith.constant 0 : i32
    %eq3A_58 = arith.cmpi eq, %arg2, %eq3A : i32
    %convert_element_type3A = arith.extui %eq3A_58 : i1 to i32
    %cond3A = arith.constant 0 : i32
    %cond3A_59 = arith.cmpi ne, %convert_element_type3A, %cond3A : i32
    scf.if %cond3A_59 {
      %swap3A = arith.constant 0 : index
      %swap3A_71 = arith.constant 0 : index
      %swap3A_72 = vector.load %arg10[%swap3A, %swap3A_71] : memref<2048x128xf32, #tpu.memory_space<vmem>>, vector<2048x128xf32>
      tpu.vector_store %arg10[%swap3A, %swap3A_71], %dot_general3A_57 {strides = array<i32>} : memref<2048x128xf32, #tpu.memory_space<vmem>>, vector<2048x128xf32>,
    } else {
    }
    %gt3A = arith.constant 0 : i32
    %gt3A_60 = arith.cmpi sgt, %arg2, %gt3A : i32
    %lt3A_61 = arith.constant 3 : i32
    %lt3A_62 = arith.cmpi slt, %arg2, %lt3A_61 : i32
    %and3A = arith.andi %gt3A_60, %lt3A_62 : i1
    %convert_element_type3A_63 = arith.extui %and3A : i1 to i32
    %cond3A_64 = arith.constant 0 : i32
    %cond3A_65 = arith.cmpi ne, %convert_element_type3A_63, %cond3A_64 : i32
    scf.if %cond3A_65 {
      %get3A_71 = arith.constant 0 : index
      %get3A_72 = arith.constant 0 : index
      %get3A_73 = vector.load %arg10[%get3A_71, %get3A_72] : memref<2048x128xf32, #tpu.memory_space<vmem>>, vector<2048x128xf32>
      %add3A_74 = arith.addf %get3A_73, %dot_general3A_57 : vector<2048x128xf32>
      %swap3A = arith.constant 0 : index
      %swap3A_75 = arith.constant 0 : index
      %swap3A_76 = vector.load %arg10[%swap3A, %swap3A_75] : memref<2048x128xf32, #tpu.memory_space<vmem>>, vector<2048x128xf32>
      tpu.vector_store %arg10[%swap3A, %swap3A_75], %add3A_74 {strides = array<i32>} : memref<2048x128xf32, #tpu.memory_space<vmem>>, vector<2048x128xf32>,
    } else {
    }
    %eq3A_66 = arith.constant 3 : i32
    %eq3A_67 = arith.cmpi eq, %arg2, %eq3A_66 : i32
    %convert_element_type3A_68 = arith.extui %eq3A_67 : i1 to i32
    %cond3A_69 = arith.constant 0 : i32
    %cond3A_70 = arith.cmpi ne, %convert_element_type3A_68, %cond3A_69 : i32
    scf.if %cond3A_70 {
      %get3A_71 = arith.constant 0 : index
      %get3A_72 = arith.constant 0 : index
      %get3A_73 = vector.load %arg10[%get3A_71, %get3A_72] : memref<2048x128xf32, #tpu.memory_space<vmem>>, vector<2048x128xf32>
      %add3A_74 = arith.addf %get3A_73, %dot_general3A_57 : vector<2048x128xf32>
      %get3A_75 = arith.constant 0 : index
      %get3A_76 = arith.constant 0 : index
      %get3A_77 = vector.load %arg4[%get3A_75, %get3A_76] : memref<2048x128xf32, #tpu.memory_space<vmem>>, vector<2048x128xf32>
      %mul3A_78 = arith.mulf %add3A_74, %get3A_77 : vector<2048x128xf32>
      %swap3A = arith.constant 0 : index
      %swap3A_79 = arith.constant 0 : index
      %swap3A_80 = vector.load %arg10[%swap3A, %swap3A_79] : memref<2048x128xf32, #tpu.memory_space<vmem>>, vector<2048x128xf32>
      tpu.vector_store %arg10[%swap3A, %swap3A_79], %mul3A_78 {strides = array<i32>} : memref<2048x128xf32, #tpu.memory_space<vmem>>, vector<2048x128xf32>,
    } else {
    }
    return
  }
  func.func @transform_0(%arg0: i32, %arg1: i32, %arg2: i32) -> (i32, i32) {
    %mul3A = arith.constant 5 : i32
    %mul3A_0 = arith.muli %arg2, %mul3A : i32
    %add3A = arith.addi %mul3A_0, %arg1 : i32
    %c0_i32 = arith.constant 0 : i32
    %c0_i32_1 = arith.constant 0 : i32
    return %add3A, %c0_i32 : i32, i32
  }
  func.func @transform_1(%arg0: i32, %arg1: i32, %arg2: i32) -> (i32, i32) {
    %c0_i32 = arith.constant 0 : i32
    %c0_i32_0 = arith.constant 0 : i32
    return %arg1, %c0_i32 : i32, i32
  }
  func.func @transform_2(%arg0: i32, %arg1: i32, %arg2: i32) -> (i32, i32, i32) {
    %c0_i32 = arith.constant 0 : i32
    %c0_i32_0 = arith.constant 0 : i32
    %c0_i32_1 = arith.constant 0 : i32
    return %arg2, %c0_i32, %c0_i32_0 : i32, i32, i32
  }
  func.func @transform_3(%arg0: i32, %arg1: i32, %arg2: i32) -> (i32, i32, i32) {
    %c0_i32 = arith.constant 0 : i32
    %c0_i32_0 = arith.constant 0 : i32
    %c0_i32_1 = arith.constant 0 : i32
    return %arg2, %c0_i32, %c0_i32_0 : i32, i32, i32
  }
  func.func @transform_4(%arg0: i32, %arg1: i32, %arg2: i32) -> (i32, i32, i32) {
    %c0_i32 = arith.constant 0 : i32
    %c0_i32_0 = arith.constant 0 : i32
    %c0_i32_1 = arith.constant 0 : i32
    return %arg2, %c0_i32, %c0_i32_0 : i32, i32, i32
  }
  func.func @transform_5(%arg0: i32, %arg1: i32, %arg2: i32) -> (i32, i32, i32) {
    %c0_i32 = arith.constant 0 : i32
    %c0_i32_0 = arith.constant 0 : i32
    %c0_i32_1 = arith.constant 0 : i32
    return %arg2, %c0_i32, %c0_i32_0 : i32, i32, i32
  }
  func.func @transform_6(%arg0: i32, %arg1: i32, %arg2: i32) -> (i32, i32) {
    %c0_i32 = arith.constant 0 : i32
    return %arg2, %arg0 : i32, i32
  }
  func.func @transform_7(%arg0: i32, %arg1: i32, %arg2: i32) -> (i32, i32) {
    %mul3A = arith.constant 5 : i32
    %mul3A_0 = arith.muli %arg0, %mul3A : i32
    %add3A = arith.addi %mul3A_0, %arg1 : i32
    %c0_i32 = arith.constant 0 : i32
    %c0_i32_1 = arith.constant 0 : i32
    return %add3A, %c0_i32 : i32, i32
  }
}

module attributes {stable_mosaic.version = 14 : i64} {
  func.func @_stats_body(%arg0: i32, %arg1: i32, %arg2: memref<2048x128xf32, #tpu.memory_space<vmem>>, %arg3: memref<2048x128xf32, #tpu.memory_space<vmem>>, %arg4: memref<1x1x128xf32, #tpu.memory_space<vmem>>, %arg5: memref<1x1x128xf32, #tpu.memory_space<vmem>>) attributes {dimension_semantics = [#tpu.dimension_semantics<arbitrary>, #tpu.dimension_semantics<arbitrary>], iteration_bounds = array<i64: 2, 5>, scalar_prefetch = 0 : i64, scratch_operands = 0 : i64, tpu.core_type = #tpu.core_type<tc>, window_params = [{transform_indices = @transform_0, window_bounds = array<i64: 2048, 128>}, {transform_indices = @transform_1, window_bounds = array<i64: 2048, 128>}, {transform_indices = @transform_2, window_bounds = array<i64: 1, 1, 128>}, {transform_indices = @transform_3, window_bounds = array<i64: 1, 1, 128>}]} {
    %get3A = arith.constant 0 : index
    %get3A_0 = arith.constant 0 : index
    %get3A_1 = vector.load %arg2[%get3A, %get3A_0] : memref<2048x128xf32, #tpu.memory_space<vmem>>, vector<2048x128xf32>
    %get3A_2 = arith.constant 0 : index
    %get3A_3 = arith.constant 0 : index
    %get3A_4 = vector.load %arg3[%get3A_2, %get3A_3] : memref<2048x128xf32, #tpu.memory_space<vmem>>, vector<2048x128xf32>
    %mul3A = arith.mulf %get3A_1, %get3A_4 : vector<2048x128xf32>
    %reduce_sum3A = arith.constant dense<0.000000e+00> : vector<128xf32>
    %reduce_sum3A_5 = vector.multi_reduction <add>, %mul3A, %reduce_sum3A [0] : vector<2048x128xf32> to vector<128xf32>
    %broadcast_in_dim3A = vector.shape_cast %reduce_sum3A_5 : vector<128xf32> to vector<1x128xf32>
    %broadcast_in_dim3A_6 = vector.shape_cast %broadcast_in_dim3A : vector<1x128xf32> to vector<1x1x128xf32>
    %mul3A_7 = arith.mulf %mul3A, %mul3A : vector<2048x128xf32>
    %reduce_sum3A_8 = arith.constant dense<0.000000e+00> : vector<128xf32>
    %reduce_sum3A_9 = vector.multi_reduction <add>, %mul3A_7, %reduce_sum3A_8 [0] : vector<2048x128xf32> to vector<128xf32>
    %broadcast_in_dim3A_10 = vector.shape_cast %reduce_sum3A_9 : vector<128xf32> to vector<1x128xf32>
    %broadcast_in_dim3A_11 = vector.shape_cast %broadcast_in_dim3A_10 : vector<1x128xf32> to vector<1x1x128xf32>
    %eq3A = arith.constant 0 : i32
    %eq3A_12 = arith.cmpi eq, %arg1, %eq3A : i32
    %convert_element_type3A = arith.extui %eq3A_12 : i1 to i32
    %cond3A = arith.constant 0 : i32
    %cond3A_13 = arith.cmpi ne, %convert_element_type3A, %cond3A : i32
    scf.if %cond3A_13 {
      %broadcast_in_dim3A_30 = arith.constant 0.000000e+00 : f32
      %broadcast_in_dim3A_31 = vector.broadcast %broadcast_in_dim3A_30 : f32 to vector<1x1x128xf32>
      %swap3A_32 = arith.constant 0 : index
      %swap3A_33 = arith.constant 0 : index
      %swap3A_34 = arith.constant 0 : index
      %swap3A_35 = vector.load %arg4[%swap3A_32, %swap3A_33, %swap3A_34] : memref<1x1x128xf32, #tpu.memory_space<vmem>>, vector<1x1x128xf32>
      tpu.vector_store %arg4[%swap3A_32, %swap3A_33, %swap3A_34], %broadcast_in_dim3A_31 {strides = array<i32>} : memref<1x1x128xf32, #tpu.memory_space<vmem>>, vector<1x1x128xf32>,
      %broadcast_in_dim3A_36 = arith.constant 0.000000e+00 : f32
      %broadcast_in_dim3A_37 = vector.broadcast %broadcast_in_dim3A_36 : f32 to vector<1x1x128xf32>
      %swap3A_38 = arith.constant 0 : index
      %swap3A_39 = arith.constant 0 : index
      %swap3A_40 = arith.constant 0 : index
      %swap3A_41 = vector.load %arg5[%swap3A_38, %swap3A_39, %swap3A_40] : memref<1x1x128xf32, #tpu.memory_space<vmem>>, vector<1x1x128xf32>
      tpu.vector_store %arg5[%swap3A_38, %swap3A_39, %swap3A_40], %broadcast_in_dim3A_37 {strides = array<i32>} : memref<1x1x128xf32, #tpu.memory_space<vmem>>, vector<1x1x128xf32>,
    } else {
    }
    %get3A_14 = arith.constant 0 : index
    %get3A_15 = arith.constant 0 : index
    %get3A_16 = arith.constant 0 : index
    %get3A_17 = vector.load %arg4[%get3A_14, %get3A_15, %get3A_16] : memref<1x1x128xf32, #tpu.memory_space<vmem>>, vector<1x1x128xf32>
    %add3A = arith.addf %get3A_17, %broadcast_in_dim3A_6 : vector<1x1x128xf32>
    %swap3A = arith.constant 0 : index
    %swap3A_18 = arith.constant 0 : index
    %swap3A_19 = arith.constant 0 : index
    %swap3A_20 = vector.load %arg4[%swap3A, %swap3A_18, %swap3A_19] : memref<1x1x128xf32, #tpu.memory_space<vmem>>, vector<1x1x128xf32>
    tpu.vector_store %arg4[%swap3A, %swap3A_18, %swap3A_19], %add3A {strides = array<i32>} : memref<1x1x128xf32, #tpu.memory_space<vmem>>, vector<1x1x128xf32>,
    %get3A_21 = arith.constant 0 : index
    %get3A_22 = arith.constant 0 : index
    %get3A_23 = arith.constant 0 : index
    %get3A_24 = vector.load %arg5[%get3A_21, %get3A_22, %get3A_23] : memref<1x1x128xf32, #tpu.memory_space<vmem>>, vector<1x1x128xf32>
    %add3A_25 = arith.addf %get3A_24, %broadcast_in_dim3A_11 : vector<1x1x128xf32>
    %swap3A_26 = arith.constant 0 : index
    %swap3A_27 = arith.constant 0 : index
    %swap3A_28 = arith.constant 0 : index
    %swap3A_29 = vector.load %arg5[%swap3A_26, %swap3A_27, %swap3A_28] : memref<1x1x128xf32, #tpu.memory_space<vmem>>, vector<1x1x128xf32>
    tpu.vector_store %arg5[%swap3A_26, %swap3A_27, %swap3A_28], %add3A_25 {strides = array<i32>} : memref<1x1x128xf32, #tpu.memory_space<vmem>>, vector<1x1x128xf32>,
    return
  }
  func.func @transform_0(%arg0: i32, %arg1: i32) -> (i32, i32) {
    %mul3A = arith.constant 5 : i32
    %mul3A_0 = arith.muli %arg0, %mul3A : i32
    %add3A = arith.addi %mul3A_0, %arg1 : i32
    %c0_i32 = arith.constant 0 : i32
    %c0_i32_1 = arith.constant 0 : i32
    return %add3A, %c0_i32 : i32, i32
  }
  func.func @transform_1(%arg0: i32, %arg1: i32) -> (i32, i32) {
    %c0_i32 = arith.constant 0 : i32
    %c0_i32_0 = arith.constant 0 : i32
    return %arg1, %c0_i32 : i32, i32
  }
  func.func @transform_2(%arg0: i32, %arg1: i32) -> (i32, i32, i32) {
    %c0_i32 = arith.constant 0 : i32
    %c0_i32_0 = arith.constant 0 : i32
    %c0_i32_1 = arith.constant 0 : i32
    return %arg0, %c0_i32, %c0_i32_0 : i32, i32, i32
  }
  func.func @transform_3(%arg0: i32, %arg1: i32) -> (i32, i32, i32) {
    %c0_i32 = arith.constant 0 : i32
    %c0_i32_0 = arith.constant 0 : i32
    %c0_i32_1 = arith.constant 0 : i32
    return %arg0, %c0_i32, %c0_i32_0 : i32, i32, i32
  }
}

module attributes {stable_mosaic.version = 14 : i64} {
  func.func @_head_body(%arg0: i32, %arg1: i32, %arg2: memref<2048x128xf32, #tpu.memory_space<vmem>>, %arg3: memref<2048x128xf32, #tpu.memory_space<vmem>>, %arg4: memref<1x1x128xf32, #tpu.memory_space<vmem>>, %arg5: memref<1x1x128xf32, #tpu.memory_space<vmem>>, %arg6: memref<1x1x128xf32, #tpu.memory_space<vmem>>, %arg7: memref<1x1x128xf32, #tpu.memory_space<vmem>>, %arg8: memref<1x128x1xf32, #tpu.memory_space<vmem>>, %arg9: memref<1x1xf32, #tpu.memory_space<vmem>>, %arg10: memref<2048x1xf32, #tpu.memory_space<vmem>>) attributes {dimension_semantics = [#tpu.dimension_semantics<arbitrary>, #tpu.dimension_semantics<arbitrary>], iteration_bounds = array<i64: 5, 2>, scalar_prefetch = 0 : i64, scratch_operands = 0 : i64, tpu.core_type = #tpu.core_type<tc>, window_params = [{transform_indices = @transform_0, window_bounds = array<i64: 2048, 128>}, {transform_indices = @transform_1, window_bounds = array<i64: 2048, 128>}, {transform_indices = @transform_2, window_bounds = array<i64: 1, 1, 128>}, {transform_indices = @transform_3, window_bounds = array<i64: 1, 1, 128>}, {transform_indices = @transform_4, window_bounds = array<i64: 1, 1, 128>}, {transform_indices = @transform_5, window_bounds = array<i64: 1, 1, 128>}, {transform_indices = @transform_6, window_bounds = array<i64: 1, 128, 1>}, {pipeline_mode = #tpu.pipeline_mode<synchronous>, transform_indices = @transform_7, window_bounds = array<i64: 1, 1>}, {transform_indices = @transform_8, window_bounds = array<i64: 2048, 1>}]} {
    %get3A = arith.constant 0 : index
    %get3A_0 = arith.constant 0 : index
    %get3A_1 = vector.load %arg2[%get3A, %get3A_0] : memref<2048x128xf32, #tpu.memory_space<vmem>>, vector<2048x128xf32>
    %get3A_2 = arith.constant 0 : index
    %get3A_3 = arith.constant 0 : index
    %get3A_4 = vector.load %arg3[%get3A_2, %get3A_3] : memref<2048x128xf32, #tpu.memory_space<vmem>>, vector<2048x128xf32>
    %mul3A = arith.mulf %get3A_1, %get3A_4 : vector<2048x128xf32>
    %get3A_5 = arith.constant 0 : index
    %get3A_6 = arith.constant 0 : index
    %get3A_7 = arith.constant 0 : index
    %get3A_8 = vector.load %arg4[%get3A_5, %get3A_6, %get3A_7] : memref<1x1x128xf32, #tpu.memory_space<vmem>>, vector<1x1x128xf32>
    %get3A_9 = vector.shape_cast %get3A_8 : vector<1x1x128xf32> to vector<128xf32>
    %mul3A_10 = arith.constant 9.99999974E-5 : f32
    %mul3A_11 = vector.broadcast %mul3A_10 : f32 to vector<128xf32>
    %mul3A_12 = arith.mulf %get3A_9, %mul3A_11 : vector<128xf32>
    %get3A_13 = arith.constant 0 : index
    %get3A_14 = arith.constant 0 : index
    %get3A_15 = arith.constant 0 : index
    %get3A_16 = vector.load %arg5[%get3A_13, %get3A_14, %get3A_15] : memref<1x1x128xf32, #tpu.memory_space<vmem>>, vector<1x1x128xf32>
    %get3A_17 = vector.shape_cast %get3A_16 : vector<1x1x128xf32> to vector<128xf32>
    %mul3A_18 = arith.constant 9.99999974E-5 : f32
    %mul3A_19 = vector.broadcast %mul3A_18 : f32 to vector<128xf32>
    %mul3A_20 = arith.mulf %get3A_17, %mul3A_19 : vector<128xf32>
    %mul3A_21 = arith.mulf %mul3A_12, %mul3A_12 : vector<128xf32>
    %sub3A = arith.subf %mul3A_20, %mul3A_21 : vector<128xf32>
    %broadcast_in_dim3A = vector.shape_cast %mul3A_12 : vector<128xf32> to vector<1x128xf32>
    %sub3A_22 = vector.broadcast %broadcast_in_dim3A : vector<1x128xf32> to vector<2048x128xf32>
    %sub3A_23 = arith.subf %mul3A, %sub3A_22 : vector<2048x128xf32>
    %get3A_24 = arith.constant 0 : index
    %get3A_25 = arith.constant 0 : index
    %get3A_26 = arith.constant 0 : index
    %get3A_27 = vector.load %arg6[%get3A_24, %get3A_25, %get3A_26] : memref<1x1x128xf32, #tpu.memory_space<vmem>>, vector<1x1x128xf32>
    %get3A_28 = vector.shape_cast %get3A_27 : vector<1x1x128xf32> to vector<128xf32>
    %add3A = arith.constant 9.99999974E-6 : f32
    %add3A_29 = vector.broadcast %add3A : f32 to vector<128xf32>
    %add3A_30 = arith.addf %sub3A, %add3A_29 : vector<128xf32>
    %rsqrt3A = math.rsqrt %add3A_30 : vector<128xf32>
    %mul3A_31 = arith.mulf %get3A_28, %rsqrt3A : vector<128xf32>
    %broadcast_in_dim3A_32 = vector.shape_cast %mul3A_31 : vector<128xf32> to vector<1x128xf32>
    %mul3A_33 = vector.broadcast %broadcast_in_dim3A_32 : vector<1x128xf32> to vector<2048x128xf32>
    %mul3A_34 = arith.mulf %sub3A_23, %mul3A_33 : vector<2048x128xf32>
    %get3A_35 = arith.constant 0 : index
    %get3A_36 = arith.constant 0 : index
    %get3A_37 = arith.constant 0 : index
    %get3A_38 = vector.load %arg7[%get3A_35, %get3A_36, %get3A_37] : memref<1x1x128xf32, #tpu.memory_space<vmem>>, vector<1x1x128xf32>
    %get3A_39 = vector.shape_cast %get3A_38 : vector<1x1x128xf32> to vector<128xf32>
    %broadcast_in_dim3A_40 = vector.shape_cast %get3A_39 : vector<128xf32> to vector<1x128xf32>
    %add3A_41 = vector.broadcast %broadcast_in_dim3A_40 : vector<1x128xf32> to vector<2048x128xf32>
    %add3A_42 = arith.addf %mul3A_34, %add3A_41 : vector<2048x128xf32>
    %max3A = arith.constant 0.000000e+00 : f32
    %max3A_43 = vector.broadcast %max3A : f32 to vector<2048x128xf32>
    %max3A_44 = arith.maximumf %add3A_42, %max3A_43 : vector<2048x128xf32>
    %iota3A = tpu.iota {dimensions = array<i32: 0>} : vector<2048x1xi32>
    %mul3A_45 = arith.constant 2048 : i32
    %mul3A_46 = arith.muli %arg0, %mul3A_45 : i32
    %add3A_47 = vector.broadcast %mul3A_46 : i32 to vector<2048x1xi32>
    %add3A_48 = arith.addi %iota3A, %add3A_47 : vector<2048x1xi32>
    %lt3A = arith.constant 10000 : i32
    %lt3A_49 = vector.broadcast %lt3A : i32 to vector<2048x1xi32>
    %lt3A_50 = arith.cmpi slt, %add3A_48, %lt3A_49 : vector<2048x1xi32>
    %jit3A = arith.constant 0.000000e+00 : f32
    %broadcast_in_dim3A_51 = vector.shape_cast %lt3A_50 : vector<2048x1xi1> to vector<2048x1xi1>
    %broadcast_in_dim3A_52 = vector.broadcast %broadcast_in_dim3A_51 : vector<2048x1xi1> to vector<2048x128xi1>
    %broadcast_in_dim3A_53 = vector.broadcast %jit3A : f32 to vector<2048x128xf32>
    %select_n3A = arith.select %broadcast_in_dim3A_52, %max3A_44, %broadcast_in_dim3A_53 : vector<2048x128xi1>, vector<2048x128xf32>
    %get3A_54 = arith.constant 0 : index
    %get3A_55 = arith.constant 0 : index
    %get3A_56 = arith.constant 0 : index
    %get3A_57 = vector.load %arg8[%get3A_54, %get3A_55, %get3A_56] : memref<1x128x1xf32, #tpu.memory_space<vmem>>, vector<1x128x1xf32>
    %get3A_58 = vector.shape_cast %get3A_57 : vector<1x128x1xf32> to vector<128xf32>
    %broadcast_in_dim3A_59 = vector.shape_cast %get3A_58 : vector<128xf32> to vector<1x128xf32>
    %mul3A_60 = vector.broadcast %broadcast_in_dim3A_59 : vector<1x128xf32> to vector<2048x128xf32>
    %mul3A_61 = arith.mulf %select_n3A, %mul3A_60 : vector<2048x128xf32>
    %reduce_sum3A = arith.constant dense<0.000000e+00> : vector<2048xf32>
    %reduce_sum3A_62 = vector.multi_reduction <add>, %mul3A_61, %reduce_sum3A [1] : vector<2048x128xf32> to vector<2048xf32>
    %broadcast_in_dim3A_63 = vector.shape_cast %reduce_sum3A_62 : vector<2048xf32> to vector<2048x1xf32>
    %eq3A = arith.constant 0 : i32
    %eq3A_64 = arith.cmpi eq, %arg1, %eq3A : i32
    %convert_element_type3A = arith.extui %eq3A_64 : i1 to i32
    %cond3A = arith.constant 0 : i32
    %cond3A_65 = arith.cmpi ne, %convert_element_type3A, %cond3A : i32
    scf.if %cond3A_65 {
      %swap3A = arith.constant 0 : index
      %swap3A_77 = arith.constant 0 : index
      %swap3A_78 = vector.load %arg10[%swap3A, %swap3A_77] : memref<2048x1xf32, #tpu.memory_space<vmem>>, vector<2048x1xf32>
      tpu.vector_store %arg10[%swap3A, %swap3A_77], %broadcast_in_dim3A_63 {strides = array<i32>} : memref<2048x1xf32, #tpu.memory_space<vmem>>, vector<2048x1xf32>,
    } else {
    }
    %gt3A = arith.constant 0 : i32
    %gt3A_66 = arith.cmpi sgt, %arg1, %gt3A : i32
    %lt3A_67 = arith.constant 1 : i32
    %lt3A_68 = arith.cmpi slt, %arg1, %lt3A_67 : i32
    %and3A = arith.andi %gt3A_66, %lt3A_68 : i1
    %convert_element_type3A_69 = arith.extui %and3A : i1 to i32
    %cond3A_70 = arith.constant 0 : i32
    %cond3A_71 = arith.cmpi ne, %convert_element_type3A_69, %cond3A_70 : i32
    scf.if %cond3A_71 {
      %get3A_77 = arith.constant 0 : index
      %get3A_78 = arith.constant 0 : index
      %get3A_79 = vector.load %arg10[%get3A_77, %get3A_78] : memref<2048x1xf32, #tpu.memory_space<vmem>>, vector<2048x1xf32>
      %add3A_80 = arith.addf %get3A_79, %broadcast_in_dim3A_63 : vector<2048x1xf32>
      %swap3A = arith.constant 0 : index
      %swap3A_81 = arith.constant 0 : index
      %swap3A_82 = vector.load %arg10[%swap3A, %swap3A_81] : memref<2048x1xf32, #tpu.memory_space<vmem>>, vector<2048x1xf32>
      tpu.vector_store %arg10[%swap3A, %swap3A_81], %add3A_80 {strides = array<i32>} : memref<2048x1xf32, #tpu.memory_space<vmem>>, vector<2048x1xf32>,
    } else {
    }
    %eq3A_72 = arith.constant 1 : i32
    %eq3A_73 = arith.cmpi eq, %arg1, %eq3A_72 : i32
    %convert_element_type3A_74 = arith.extui %eq3A_73 : i1 to i32
    %cond3A_75 = arith.constant 0 : i32
    %cond3A_76 = arith.cmpi ne, %convert_element_type3A_74, %cond3A_75 : i32
    scf.if %cond3A_76 {
      %get3A_77 = arith.constant 0 : index
      %get3A_78 = arith.constant 0 : index
      %get3A_79 = vector.load %arg10[%get3A_77, %get3A_78] : memref<2048x1xf32, #tpu.memory_space<vmem>>, vector<2048x1xf32>
      %add3A_80 = arith.addf %get3A_79, %broadcast_in_dim3A_63 : vector<2048x1xf32>
      %get3A_81 = arith.constant 0 : index
      %get3A_82 = arith.constant 0 : index
      %get3A_83 = vector.load %arg9[%get3A_81, %get3A_82] : memref<1x1xf32, #tpu.memory_space<vmem>>, vector<1x1xf32>
      %get3A_84 = vector.extract %get3A_83[0, 0] : f32 from vector<1x1xf32>
      %add3A_85 = vector.broadcast %get3A_84 : f32 to vector<2048x1xf32>
      %add3A_86 = arith.addf %add3A_80, %add3A_85 : vector<2048x1xf32>
      %swap3A = arith.constant 0 : index
      %swap3A_87 = arith.constant 0 : index
      %swap3A_88 = vector.load %arg10[%swap3A, %swap3A_87] : memref<2048x1xf32, #tpu.memory_space<vmem>>, vector<2048x1xf32>
      tpu.vector_store %arg10[%swap3A, %swap3A_87], %add3A_86 {strides = array<i32>} : memref<2048x1xf32, #tpu.memory_space<vmem>>, vector<2048x1xf32>,
    } else {
    }
    return
  }
  func.func @transform_0(%arg0: i32, %arg1: i32) -> (i32, i32) {
    %mul3A = arith.constant 5 : i32
    %mul3A_0 = arith.muli %arg1, %mul3A : i32
    %add3A = arith.addi %mul3A_0, %arg0 : i32
    %c0_i32 = arith.constant 0 : i32
    %c0_i32_1 = arith.constant 0 : i32
    return %add3A, %c0_i32 : i32, i32
  }
  func.func @transform_1(%arg0: i32, %arg1: i32) -> (i32, i32) {
    %c0_i32 = arith.constant 0 : i32
    %c0_i32_0 = arith.constant 0 : i32
    return %arg0, %c0_i32 : i32, i32
  }
  func.func @transform_2(%arg0: i32, %arg1: i32) -> (i32, i32, i32) {
    %c0_i32 = arith.constant 0 : i32
    %c0_i32_0 = arith.constant 0 : i32
    %c0_i32_1 = arith.constant 0 : i32
    return %arg1, %c0_i32, %c0_i32_0 : i32, i32, i32
  }
  func.func @transform_3(%arg0: i32, %arg1: i32) -> (i32, i32, i32) {
    %c0_i32 = arith.constant 0 : i32
    %c0_i32_0 = arith.constant 0 : i32
    %c0_i32_1 = arith.constant 0 : i32
    return %arg1, %c0_i32, %c0_i32_0 : i32, i32, i32
  }
  func.func @transform_4(%arg0: i32, %arg1: i32) -> (i32, i32, i32) {
    %c0_i32 = arith.constant 0 : i32
    %c0_i32_0 = arith.constant 0 : i32
    %c0_i32_1 = arith.constant 0 : i32
    return %arg1, %c0_i32, %c0_i32_0 : i32, i32, i32
  }
  func.func @transform_5(%arg0: i32, %arg1: i32) -> (i32, i32, i32) {
    %c0_i32 = arith.constant 0 : i32
    %c0_i32_0 = arith.constant 0 : i32
    %c0_i32_1 = arith.constant 0 : i32
    return %arg1, %c0_i32, %c0_i32_0 : i32, i32, i32
  }
  func.func @transform_6(%arg0: i32, %arg1: i32) -> (i32, i32, i32) {
    %c0_i32 = arith.constant 0 : i32
    %c0_i32_0 = arith.constant 0 : i32
    %c0_i32_1 = arith.constant 0 : i32
    return %arg1, %c0_i32, %c0_i32_0 : i32, i32, i32
  }
  func.func @transform_7(%arg0: i32, %arg1: i32) -> (i32, i32) {
    %c0_i32 = arith.constant 0 : i32
    %c0_i32_0 = arith.constant 0 : i32
    %c0_i32_1 = arith.constant 0 : i32
    return %c0_i32, %c0_i32_0 : i32, i32
  }
  func.func @transform_8(%arg0: i32, %arg1: i32) -> (i32, i32) {
    %c0_i32 = arith.constant 0 : i32
    %c0_i32_0 = arith.constant 0 : i32
    return %arg0, %c0_i32 : i32, i32
  }
}

</mosaic_0001>

<sc_bundles>
// kernel: kernel.10.cloned.1.call-start
scs
__scs_entry_jumppad:
0x0: {  	(pc) =	sbr.rel $0x88, $3  }
0x1: {  	(tag) =	ssettag $0x0;
	lr =	simm.s32 $0x1  }
0x2: {  	[smem:$0x3F97] =	sst lr;
	_ =	strace $0xD0000000  }
0x3: {  	_ = 	snop  }
0x4: {  	_ = 	snop  }
0x5: {  	_ = 	snop  }
0x6: {  	_ = 	snop  }
0x7: {  	_ = 	snop  }
__scs_overlays_trampoline_lowered:
0x8: {  	[smem:$0x3FA6] =	sst s0  }
0x9: {  	[smem:$0x3FA7] =	sst s1  }
0xa: {  	[smem:$0x3FA8] =	sst s2  }
0xb: {  	[smem:$0x3FA9] =	sst s3  }
0xc: {  	[smem:$0x3FAA] =	sst s4  }
0xd: {  	[smem:$0x3FAB] =	sst s5  }
0xe: {  	[smem:$0x3FAC] =	sst s6  }
0xf: {  	[smem:$0x3FAD] =	sst s7  }
0x10: {  	[smem:$0x3FAE] =	sst s8  }
0x11: {  	[smem:$0x3FAF] =	sst s9;
	s0 =	simm.s32 @!p0 $0x0  }
0x12: {  	s1 =	sld [smem:$0x3F95];
	s0 =	simm.s32 @p0 $0x1  }
0x13: {  	[smem:$0x3FB0] =	sst s0;
	s0 =	simm.s32 @!p1 $0x0  }
0x14: {  	s2 =	sld [smem:$0x3F94];
	s0 =	simm.s32 @p1 $0x1  }
0x15: {  	[smem:$0x3FB1] =	sst s0;
	s0 =	simm.s32 @!p2 $0x0  }
0x16: {  	s3 =	sld [smem:$0x3FDB];
	s0 =	simm.s32 @p2 $0x1  }
0x17: {  	s4 =	simm.s32 $0x1BF5;
	[smem:$0x3FB3] =	sst s0  }
0x18: {  	s0 =	sld [smem:$0x3F96];
	_ =	swait.ge [sflag:s4], $0x0  }
0x19: {  	s7 =	sld [smem:$0x3F97]  }
0x1a: {  	s8 =	sadd.s32 $0xFFFFE003, lr  }
0x1b: {  	s9 =	sadd.s32 $0xFFFFFEF7, lr;
	s5 =	simm.s32 $0xFFFFFFFF;
	p2 =	slt.u32 s8, $0xFFFFF086  }
0x1c: {  	p1 =	slt.u32 s9, $0xF7A;
	s5 =	simm.s32 @!p2 $0x0  }
0x1d: {  	s5 =	simm.s32 @p1 $0x1;
	p0 =	seq.s32 s7, s2  }
0x1e: {  	s7 =	smul.u32 @!p0 $0xF7A, s2;
	p2 =	seq.s32 @!p0 s5, $0x0  }
0x1f: {  	s9 =	smul.u32 $0xF7A, s1;
	s8 =	simm.s32 @!p0 $0x1BF5;
	p2 =	por !p2, p0  }
0x20: {  	[sflag:s8] =	ssyncset.s32 @!p0 $0xFFFFF086;
	s6 =	sadd.s32 @!p0 s3, s7;
	s7 =	simm.s32 @!p0 $0x108  }
0x21: {  	s3 =	sadd.s32 s3, s9;
	s6 =	sadd.s32 @!p0 $0x88, s6;
	s7 =	simm.s32 @p2 $0x1082  }
0x22: {  	[simem:s7], [sflag:s8] =	dma.local @!p0 [hbm:s6], $0xF7A  }
0x23: {  	s9 =	sor.u32 $0xD0000000, s2;
	s6 =	simm.s32 $0x108;
	_ =	swait.ge @!p0 [sflag:s8], $0x0  }
0x24: {  	s3 =	sadd.s32 $0x88, s3;
	s6 =	simm.s32 @!p1 $0x1082;
	[sflag:s4] =	ssyncset.s32 $0xFFFFF086  }
0x25: {  	[simem:s6], [sflag:s4] =	dma.local [hbm:s3], $0xF7A  }
0x26: {  	[smem:$0x3F97] =	sst s1;
	(tag) =	ssettag s2;
	_ =	strace s9  }
0x27: {  	s1 =	sld [smem:$0x3FA7]  }
0x28: {  	s2 =	sld [smem:$0x3FA8]  }
0x29: {  	s4 =	sld [smem:$0x3FAA]  }
0x2a: {  	p0 =	seq.s32 s5, $0x0;
	s5 =	sld [smem:$0x3FAB]  }
0x2b: {  	s6 =	sld [smem:$0x3FAC]  }
0x2c: {  	s7 =	sld [smem:$0x3FAD]  }
0x2d: {  	s3 =	simm.s32 $0x108;
	s8 =	sld [smem:$0x3FAE]  }
0x2e: {  	s3 =	simm.s32 @!p0 $0x1082;
	s9 =	sld [smem:$0x3FAF]  }
0x2f: {  	lr =	sadd.s32 s0, s3;
	s0 =	sld [smem:$0x3FA6]  }
0x30: {  	s3 =	sld [smem:$0x3FA9]  }
0x31: {  	[smem:$0x3FB2] =	sst s10  }
0x32: {  	s10 =	sld [smem:$0x3FB0];
	_ =	sdelay $0x3  }
0x33: {  	p0 =	seq.s32 s10, $0x1;
	s10 =	sld [smem:$0x3FB2];
	_ =	sdelay $0x3  }
0x34: {  	[smem:$0x3FB2] =	sst s10  }
0x35: {  	s10 =	sld [smem:$0x3FB1];
	_ =	sdelay $0x3  }
0x36: {  	p1 =	seq.s32 s10, $0x1;
	s10 =	sld [smem:$0x3FB2];
	_ =	sdelay $0x3  }
0x37: {  	[smem:$0x3FB2] =	sst s10  }
0x38: {  	s10 =	sld [smem:$0x3FB3]  }
0x39: {  	_ = 	snop;
	(pc) =	sbr.ind lr, $3  }
0x3a: {  	_ = 	snop  }
0x3b: {  	_ = 	snop  }
0x3c: {  	p2 =	seq.s32 s10, $0x1;
	s10 =	sld [smem:$0x3FB2]  }
0x3d: {  	_ =	shalt  }
0x3e: {  	_ =	shalt  }
0x3f: {  	_ =	shalt  }
0x40: {  	_ =	shalt  }
0x41: {  	_ =	shalt  }
0x42: {  	_ =	shalt  }
0x43: {  	_ =	shalt  }
0x44: {  	_ =	shalt  }
0x45: {  	_ =	shalt  }
0x46: {  	_ =	shalt  }
0x47: {  	_ =	shalt  }
0x48: {  	_ =	shalt  }
0x49: {  	_ =	shalt  }
0x4a: {  	_ =	shalt  }
0x4b: {  	_ =	shalt  }
0x4c: {  	_ =	shalt  }
0x4d: {  	_ =	shalt  }
0x4e: {  	_ =	shalt  }
0x4f: {  	_ =	shalt  }
0x50: {  	_ =	shalt  }
0x51: {  	_ =	shalt  }
0x52: {  	_ =	shalt  }
0x53: {  	_ =	shalt  }
0x54: {  	_ =	shalt  }
0x55: {  	_ =	shalt  }
0x56: {  	_ =	shalt  }
0x57: {  	_ =	shalt  }
0x58: {  	_ =	shalt  }
0x59: {  	_ =	shalt  }
0x5a: {  	_ =	shalt  }
0x5b: {  	_ =	shalt  }
0x5c: {  	_ =	shalt  }
0x5d: {  	_ =	shalt  }
0x5e: {  	_ =	shalt  }
0x5f: {  	_ =	shalt  }
0x60: {  	_ =	shalt  }
0x61: {  	_ =	shalt  }
0x62: {  	_ =	shalt  }
0x63: {  	_ =	shalt  }
0x64: {  	_ =	shalt  }
0x65: {  	_ =	shalt  }
0x66: {  	_ =	shalt  }
0x67: {  	_ =	shalt  }
0x68: {  	_ =	shalt  }
0x69: {  	_ =	shalt  }
0x6a: {  	_ =	shalt  }
0x6b: {  	_ =	shalt  }
0x6c: {  	_ =	shalt  }
0x6d: {  	_ =	shalt  }
0x6e: {  	_ =	shalt  }
0x6f: {  	_ =	shalt  }
0x70: {  	_ =	shalt  }
0x71: {  	_ =	shalt  }
0x72: {  	_ =	shalt  }
0x73: {  	_ =	shalt  }
0x74: {  	_ =	shalt  }
0x75: {  	_ =	shalt  }
0x76: {  	_ =	shalt  }
0x77: {  	_ =	shalt  }
0x78: {  	_ =	shalt  }
0x79: {  	_ =	shalt  }
0x7a: {  	_ =	shalt  }
0x7b: {  	_ =	shalt  }
0x7c: {  	_ =	shalt  }
0x7d: {  	_ =	shalt  }
0x7e: {  	_ =	shalt  }
0x7f: {  	_ =	shalt  }
0x80: {  	_ =	shalt  }
0x81: {  	_ =	shalt  }
0x82: {  	_ =	shalt  }
0x83: {  	_ =	shalt  }
0x84: {  	_ =	shalt  }
0x85: {  	_ =	shalt  }
0x86: {  	_ =	shalt  }
0x87: {  	_ =	shalt  }
.Lfunc_end0:
.L_simem_size_0:
called_computation_lowered:
.L_overlay_start_0:
0x88: {  	s2 =	sld [smem:$0x3FD9]  }
0x89: {  	s3 =	sld [smem:$0x3FFE];
	_ =	sdelay $0x1  }
0x8a: {  	s1 =	srdreg.scid  }
0x8b: {  	s0 =	sand.u32 $0x1, s1  }
0x8c: {  	s17 =	sshll.u32 s0, $0xA;
	s2 =	sadd.s32 s3, s2  }
0x8d: {  	s2 =	sadd.s32 s2, s17  }
0x8e: {  	[smem:$0x3FBE] =	sst s2  }
0x8f: {  	_ = 	snop  }
0x90: {  	s2 =	sld [smem:$0x3FD0];
	(tm) =	ssettm $0x1  }
0x91: {  	s18 =	sld [smem:$0x3FFB];
	_ =	sdelay $0x3  }
0x92: {  	_ =	strace s18  }
0x93: {  	s3 =	sld [smem:$0x3FFC];
	_ =	sdelay $0x3  }
0x94: {  	_ =	strace s3  }
0x95: {  	s3 =	sld [smem:$0x3FFD];
	_ =	sdelay $0x3  }
0x96: {  	_ =	strace s3  }
0x97: {  	_ =	strace $0x8FFFFFFF  }
0x98: {  	s19 =	sld [smem:$0x3FDB];
	_ =	sdelay $0x1  }
0x99: {  	s4 =	simm.s32 $_scs_section_size  }
0x9a: {  	s5 =	simm.s32 $_size__tile_overlayer_lowered;
	s6 =	simm.s32 $_tile_overlayer_lowered  }
0x9b: {  	s22 =	simm.s32 $0x1BFF;
	s21 =	sshll.u32 s6, $0x1;
	s3 =	sadd.s32 s4, s19  }
0x9c: {  	s7 =	simm.s32 $0x0;
	s20 =	sshll.u32 s5, $0x1;
	s5 =	sadd.s32 s21, s3  }
0x9d: {  	[timem:s7], [sflag:s22] =	dma.local [hbm:s5], s20  }
0x9e: {  	_ =	swait.ge [sflag:s22], s20  }
0x9f: {  	s4 =	ssub.s32 $0x0, s20;
	[sflag:s22] =	ssyncset.done $0x0  }
0xa0: {  	[sflag:s22] =	ssyncadd.s32 s4;
	_ =	sdelay $0x1  }
0xa1: {  	s23 =	simm.s32 $0x1B8B  }
0xa2: {  	_ =	swait.ge [sflag:s23], $0x1  }
0xa3: {  	[sflag:s23] =	ssyncset.done $0x0  }
0xa4: {  	s25 =	simm.s32 $0x1B8E;
	s24 =	sld [smem:$0x3FFE];
	[sflag:s23] =	ssyncadd.s32 $0xFFFFFFFF  }
0xa5: {  	s26 =	simm.s32 $execute0_lowered;
	[smem:$0x3FD2] =	sst s25  }
0xa6: {  	s5 =	sshll.u32 s26, $0x1;
	_ =	strace $0x80000046;
	[dreg:$0x1] =	wrdreg $0xFFFFFFFF  }
0xa7: {  	s28 =	simm.s32 $_size_execute0_lowered;
	s3 =	sadd.s32 s3, s5;
	[dreg:$0x0] =	wrdreg $0x0  }
0xa8: {  	s5 =	sshll.u32 s28, $0x1;
	[dreg:$0x2] =	wrdreg s3  }
0xa9: {  	[dreg:$0x3] =	wrdreg s5  }
0xaa: {  	[dreg:$0x4] =	wrdreg $0xC0  }
0xab: {  	_ =	task [dreg:s7], $0x5FFFF  }
0xac: {  	[dreg:$0x1] =	wrdreg $0xFFFFFFFF  }
0xad: {  	[dreg:$0x0] =	wrdreg $0x60  }
0xae: {  	[dreg:$0x2] =	wrdreg s24  }
0xaf: {  	[dreg:$0x3] =	wrdreg s2  }
0xb0: {  	[dreg:$0x4] =	wrdreg $0x0  }
0xb1: {  	[dreg:$0x5] =	wrdreg $0x9  }
0xb2: {  	_ =	task.clear_ibuf [dreg:s7], $0x6FFFF;
	_ =	strace $0x90000046  }
0xb3: {  	s29 =	simm.s32 $0x9;
	_ =	strace $0x80000048  }
0xb4: {  	_ =	swait.ge [sflag:s29], $0x1  }
0xb5: {  	[sflag:s29] =	ssyncadd.s32 $0xFFFFFFFF  }
0xb6: {  	_ =	strace $0x90000048  }
0xb7: {  	_ =	sfence  }
0xb8: {  	s30 =	sld [smem:$0x0];
	_ =	sdelay $0x2  }
0xb9: {  	s31 =	sshll.u32 s1, $0xD;
	s1 =	sshrl.u32 s1, $0x2  }
0xba: {  	s3 =	sand.u32 $0x4000, s31;
	s1 =	sadd.s32 s1, s30  }
0xbb: {  	s0 =	sor.u32 s3, s0;
	s1 =	sshll.u32 s1, $0x11  }
0xbc: {  	s0 =	sor.u32 s1, s0  }
0xbd: {  	s0 =	sadd.s32 $0x8F2B, s0  }
0xbe: {  	[sflag:s0] =	ssyncadd.remote.s32 $0x1  }
0xbf: {  	_ =	sfence.sel $0xFFFF  }
0xc0: {  	[dreg:$0x0] =	wrdreg $0xFFFFFFFF;
	(pc) =	sbr.abs _section_cstart, $3  }
0xc1: {  	[dreg:$0x1] =	wrdreg $0xFFFFFFFF  }
0xc2: {  	_ =	task.clear_ibuf [dreg:s7], $0x2FFFF;
	_ =	strace $0x9FFFFFFF  }
0xc3: {  	(tm) =	ssettm $0x7FFFFFFF  }
tec
execute0_lowered:
.L_overlay_start_1:
0x0: {  	(tag) =	ssettag $0x1  }
0x1: {  	s1 =	rddreg [dreg:$0x0];
	s0 =	stileid.u32  }
0x2: {  	s3 =	srdreg.scid;
	s5 =	smul.u32 $0x3800, s0  }
0x3: {  	s4 =	simm.s32 $0x0;
	s28 =	simm.s32 $0x19000;
	s8 =	smul.u32 $0x14000, s0  }
0x4: {  	s29 =	simm.s32 $0x14000;
	s6 =	sand.u32 $0x1, s3;
	s9 =	smul.u32 $0x50000, s0  }
0x5: {  	s30 =	simm.s32 $0x64;
	s31 =	simm.s32 $0x0;
	s7 =	smul.u32 $0x1C00, s6  }
0x6: {  	[smem:$0x7FF] =	sst s4;
	s25 =	smul.u32 $0x140000, s6;
	s6 =	ssub.s32 $0x2, s6  }
0x7: {  	s3 =	rddreg [dreg:$0x2];
	_ =	strace $0x80000047;
	s26 =	sshrl.u32 s6, $0x1  }
0x8: {  	s9 =	sshrl.u32 s9, $0x2;
	s5 =	sadd.s32 s7, s5;
	s7 =	sadd.s32 s8, s25  }
0x9: {  	s24 =	ssub.s32 s6, s26;
	s6 =	sadd.s32 s9, s3;
	s25 =	simm.s32 $0x15C00  }
0xa: {  	s26 =	simm.s32 $0x1;
	s5 =	sshrl.u32 s5, $0x3;
	s7 =	sshrl.u32 s7, $0x3  }
0xb: {  	s8 =	sadd.s32 $0x2800, s6;
	s9 =	sadd.s32 $0x3C00, s6;
	s10 =	sadd.s32 $0x5000, s6  }
0xc: {  	s11 =	sadd.s32 $0x6400, s6;
	s12 =	sadd.s32 $0x7800, s6;
	s13 =	sadd.s32 $0x8C00, s6  }
0xd: {  	s14 =	sadd.s32 $0xA000, s6;
	s15 =	sadd.s32 $0xB400, s6;
	s16 =	sadd.s32 $0xC800, s6  }
0xe: {  	s17 =	sadd.s32 $0xDC00, s6;
	s18 =	sadd.s32 $0xF000, s6;
	s19 =	sadd.s32 $0x10400, s6  }
0xf: {  	s20 =	sadd.s32 $0x11800, s6;
	s21 =	sadd.s32 $0x12C00, s6;
	s24 =	smax.u32 s24, $0x1  }
0x10: {  	s22 =	sadd.s32 s5, s1;
	s5 =	sadd.s32 $0x9800, s1;
	s1 =	sadd.s32 s7, s1  }
0x11: {  	s7 =	sadd.s32 $0x1400, s6;
	s22 =	sadd.s32 $0x2800, s22;
	s23 =	sadd.s32 $0xA000, s1  }
.LBB2_1:
0x12: {  	[tilespmem:s25], [sflag:$0x1] =	stream.linear.gather [hbm4b:s5+s4], $0x3200, $0x38;
	[tilespmem:$0x1A400] =	vst v63  }
0x13: {  	_ =	swait.ge [sflag:s26], $0x3200  }
0x14: {  	[sflag:s26] =	ssyncset.done $0x0  }
0x15: {  	[sflag:s26] =	ssyncadd.s32 $0xFFFFCE00  }
0x16: {  	s1 =	rddreg [dreg:$0x1]  }
0x17: {  	[tilespmem:s28], [sflag:$0x1] =	stream.linear.gather [hbm4b:s1+s4], $0x1400, $0x38;
	[tilespmem:$0x1A400] =	vst v63  }
0x18: {  	_ =	swait.ge [sflag:s26], $0x1400  }
0x19: {  	[sflag:s26] =	ssyncset.done $0x0  }
0x1a: {  	[sflag:s26] =	ssyncadd.s32 $0xFFFFEC00  }
0x1b: {  	[spmem:s6] =	stream.linear.scatter [tilespmem:s28], [sflag:$0x1], $0x1400, $0x38;
	[tilespmem:$0x1A400] =	vst v63  }
0x1c: {  	_ =	swait.ge [sflag:s26], $0x1400  }
0x1d: {  	[sflag:s26] =	ssyncset.done $0x0  }
0x1e: {  	[sflag:s26] =	ssyncadd.s32 $0xFFFFEC00  }
0x1f: {  	[spmem:s7] =	stream.linear.scatter [tilespmem:s28], [sflag:$0x1], $0x1400, $0x38;
	[tilespmem:$0x1A400] =	vst v63  }
0x20: {  	_ =	swait.ge [sflag:s26], $0x1400  }
0x21: {  	[sflag:s26] =	ssyncset.done $0x0  }
0x22: {  	[sflag:s26] =	ssyncadd.s32 $0xFFFFEC00  }
0x23: {  	[spmem:s8] =	stream.linear.scatter [tilespmem:s28], [sflag:$0x1], $0x1400, $0x38;
	[tilespmem:$0x1A400] =	vst v63  }
0x24: {  	_ =	swait.ge [sflag:s26], $0x1400  }
0x25: {  	[sflag:s26] =	ssyncset.done $0x0  }
0x26: {  	[sflag:s26] =	ssyncadd.s32 $0xFFFFEC00  }
0x27: {  	[spmem:s9] =	stream.linear.scatter [tilespmem:s28], [sflag:$0x1], $0x1400, $0x38;
	[tilespmem:$0x1A400] =	vst v63  }
0x28: {  	_ =	swait.ge [sflag:s26], $0x1400  }
0x29: {  	[sflag:s26] =	ssyncset.done $0x0  }
0x2a: {  	[sflag:s26] =	ssyncadd.s32 $0xFFFFEC00  }
0x2b: {  	[spmem:s10] =	stream.linear.scatter [tilespmem:s28], [sflag:$0x1], $0x1400, $0x38;
	[tilespmem:$0x1A400] =	vst v63  }
0x2c: {  	_ =	swait.ge [sflag:s26], $0x1400  }
0x2d: {  	[sflag:s26] =	ssyncset.done $0x0  }
0x2e: {  	[sflag:s26] =	ssyncadd.s32 $0xFFFFEC00  }
0x2f: {  	[spmem:s11] =	stream.linear.scatter [tilespmem:s28], [sflag:$0x1], $0x1400, $0x38;
	[tilespmem:$0x1A400] =	vst v63  }
0x30: {  	_ =	swait.ge [sflag:s26], $0x1400  }
0x31: {  	[sflag:s26] =	ssyncset.done $0x0  }
0x32: {  	[sflag:s26] =	ssyncadd.s32 $0xFFFFEC00  }
0x33: {  	[spmem:s12] =	stream.linear.scatter [tilespmem:s28], [sflag:$0x1], $0x1400, $0x38;
	[tilespmem:$0x1A400] =	vst v63  }
0x34: {  	_ =	swait.ge [sflag:s26], $0x1400  }
0x35: {  	[sflag:s26] =	ssyncset.done $0x0  }
0x36: {  	[sflag:s26] =	ssyncadd.s32 $0xFFFFEC00  }
0x37: {  	[spmem:s13] =	stream.linear.scatter [tilespmem:s28], [sflag:$0x1], $0x1400, $0x38;
	[tilespmem:$0x1A400] =	vst v63  }
0x38: {  	_ =	swait.ge [sflag:s26], $0x1400  }
0x39: {  	[sflag:s26] =	ssyncset.done $0x0  }
0x3a: {  	[sflag:s26] =	ssyncadd.s32 $0xFFFFEC00  }
0x3b: {  	[spmem:s14] =	stream.linear.scatter [tilespmem:s28], [sflag:$0x1], $0x1400, $0x38;
	[tilespmem:$0x1A400] =	vst v63  }
0x3c: {  	_ =	swait.ge [sflag:s26], $0x1400  }
0x3d: {  	[sflag:s26] =	ssyncset.done $0x0  }
0x3e: {  	[sflag:s26] =	ssyncadd.s32 $0xFFFFEC00  }
0x3f: {  	[spmem:s15] =	stream.linear.scatter [tilespmem:s28], [sflag:$0x1], $0x1400, $0x38;
	[tilespmem:$0x1A400] =	vst v63  }
0x40: {  	_ =	swait.ge [sflag:s26], $0x1400  }
0x41: {  	[sflag:s26] =	ssyncset.done $0x0  }
0x42: {  	[sflag:s26] =	ssyncadd.s32 $0xFFFFEC00  }
0x43: {  	[spmem:s16] =	stream.linear.scatter [tilespmem:s28], [sflag:$0x1], $0x1400, $0x38;
	[tilespmem:$0x1A400] =	vst v63  }
0x44: {  	_ =	swait.ge [sflag:s26], $0x1400  }
0x45: {  	[sflag:s26] =	ssyncset.done $0x0  }
0x46: {  	[sflag:s26] =	ssyncadd.s32 $0xFFFFEC00  }
0x47: {  	[spmem:s17] =	stream.linear.scatter [tilespmem:s28], [sflag:$0x1], $0x1400, $0x38;
	[tilespmem:$0x1A400] =	vst v63  }
0x48: {  	_ =	swait.ge [sflag:s26], $0x1400  }
0x49: {  	[sflag:s26] =	ssyncset.done $0x0  }
0x4a: {  	[sflag:s26] =	ssyncadd.s32 $0xFFFFEC00  }
0x4b: {  	[spmem:s18] =	stream.linear.scatter [tilespmem:s28], [sflag:$0x1], $0x1400, $0x38;
	[tilespmem:$0x1A400] =	vst v63  }
0x4c: {  	_ =	swait.ge [sflag:s26], $0x1400  }
0x4d: {  	[sflag:s26] =	ssyncset.done $0x0  }
0x4e: {  	[sflag:s26] =	ssyncadd.s32 $0xFFFFEC00  }
0x4f: {  	[spmem:s19] =	stream.linear.scatter [tilespmem:s28], [sflag:$0x1], $0x1400, $0x38;
	[tilespmem:$0x1A400] =	vst v63  }
0x50: {  	_ =	swait.ge [sflag:s26], $0x1400  }
0x51: {  	[sflag:s26] =	ssyncset.done $0x0  }
0x52: {  	[sflag:s26] =	ssyncadd.s32 $0xFFFFEC00  }
0x53: {  	[spmem:s20] =	stream.linear.scatter [tilespmem:s28], [sflag:$0x1], $0x1400, $0x38;
	[tilespmem:$0x1A400] =	vst v63  }
0x54: {  	_ =	swait.ge [sflag:s26], $0x1400  }
0x55: {  	[sflag:s26] =	ssyncset.done $0x0  }
0x56: {  	[sflag:s26] =	ssyncadd.s32 $0xFFFFEC00  }
0x57: {  	[spmem:s21] =	stream.linear.scatter [tilespmem:s28], [sflag:$0x1], $0x1400, $0x38;
	[tilespmem:$0x1A400] =	vst v63  }
0x58: {  	_ =	swait.ge [sflag:s26], $0x1400  }
0x59: {  	[sflag:s26] =	ssyncset.done $0x0  }
0x5a: {  	[sflag:s26] =	ssyncadd.s32 $0xFFFFEC00  }
0x5b: {  	[tilespmem:s29], [sflag:$0x1] =	stream.linear.gather [hbm4b:s22+s4], $0x1900, $0x38;
	[tilespmem:$0x1A400] =	vst v63  }
0x5c: {  	_ =	swait.ge [sflag:s26], $0x1900  }
0x5d: {  	[sflag:s26] =	ssyncset.done $0x0  }
0x5e: {  	[sflag:s26] =	ssyncadd.s32 $0xFFFFE700  }
0x5f: {  	s2 =	simm.s32 $0x14000;
	[bflag:$0x0] =	sbarrier.arrive $0xFFFF  }
0x60: {  	[spmem:s3] =	stream.indirect.scatter.add.f32 [tilespmem:s25], [sflag:$0x1], $0x80, s2, s30, $0xb8;
	[tilespmem:$0x1A400] =	vst v63  }
0x61: {  	s1 =	simm.s32 $0x200;
	_ =	swait.ge [sflag:s26], $0x3200  }
.LBB2_2:
0x62: {  	s2 =	sshra.s32 s1, $0x2;
	[sflag:s26] =	ssyncset.done $0x0;
	p0 =	sne.s32 s1, $0x6200  }
.Ltmp0:
0x63: {  	s2 =	sadd.s32 $0x14000, s2;
	[sflag:s26] =	ssyncadd.s32 $0xFFFFCE00;
	(pc) =	sbr.rel @p0 .LBB2_2-.Ltmp0, $3  }
0x64: {  	[spmem:s3] =	stream.indirect.scatter.add.f32 [tilespmem:s25], [sflag:$0x1], $0x80, s2, s30, $0xb8;
	[tilespmem:$0x1A400] =	vst v63  }
0x65: {  	s1 =	sadd.s32 $0x200, s1;
	_ =	sdelay $0x1  }
0x66: {  	_ =	swait.ge [sflag:s26], $0x3200  }
0x67: {  	[sflag:s26] =	ssyncset.done $0x0;
	s1 =	sshll.u32 s0, $0x6;
	s31 =	sadd.s32 $0x1, s31  }
0x68: {  	s2 =	sshrl.u32 s6, $0x3;
	[sflag:s26] =	ssyncadd.s32 $0xFFFFCE00;
	p0 =	sne.s32 s31, s24  }
.Ltmp1:
0x69: {  	s1 =	sor.u32 $0x1C01, s1;
	[bflag:$0x0] =	sbarrier.arrive $0xFFFF;
	(pc) =	sbr.rel @p0 .LBB2_1-.Ltmp1, $4  }
0x6a: {  	[hbm:s23], [sflag:s1] =	dma.local [spmem:s2], $0x2800  }
0x6b: {  	_ =	swait.ge [sflag:s26], $0x2800  }
0x6c: {  	[sflag:s26] =	ssyncset.done $0x0  }
0x6d: {  	[sflag:s26] =	ssyncadd.s32 $0xFFFFD800  }
0x6e: {  	_ =	sfence.sel $0x180000  }
0x6f: {  	[bflag:$0x0] =	sbarrier.arrive $0xFFFF  }
0x70: {  	_ =	strace $0x90000047  }
0x71: {  	[bflag:$0x2] =	sbarrier.arrive $0xFFFF  }
0x72: {  	p0 =	sne.s32 s0, $0x0;
	s0 =	rddreg [dreg:$0x3]  }
0x73: {  	s0 =	sadd.s32 @!p0 $0x100000, s0  }
0x74: {  	[sflag:s0] =	ssyncadd.tile.s32 @!p0 $0x1;
	_ =	shalt  }
.Lfunc_end2:
_tile_overlayer_lowered:
.L_overlay_start_2:
0x75: {  	(tag) =	ssettag $0x2  }
0x76: {  	s0 =	rddreg [dreg:$0x0];
	s2 =	stileid.u32  }
0x77: {  	s1 =	rddreg [dreg:$0x1];
	p0 =	sne.s32 s2, $0x0  }
0x78: {  	s3 =	rddreg [dreg:$0x2];
	[bflag:$0x3] =	sbarrier.arrive $0xFFFF;
	s2 =	simm.s32 @!p0 $0x1C01  }
0x79: {  	[timem:s3], [sflag:s2] =	dma.local @!p0 [hbm:s0], s1  }
0x7a: {  	s0 =	simm.s32 @!p0 $0x1  }
0x7b: {  	_ =	swait.ge @!p0 [sflag:s0], s1  }
0x7c: {  	s1 =	ssub.s32 @!p0 $0x0, s1;
	[sflag:s0] =	ssyncset.done @!p0 $0x0  }
0x7d: {  	[sflag:s0] =	ssyncadd.s32 @!p0 s1  }
0x7e: {  	[bflag:$0x3] =	sbarrier.arrive $0xFFFF  }
0x7f: {  	_ =	shalt  }

// kernel: kernel.13.cloned.1.call-start
scs
__scs_entry_jumppad:
0x0: {  	(pc) =	sbr.rel $0x88, $3  }
0x1: {  	(tag) =	ssettag $0x0;
	lr =	simm.s32 $0x1  }
0x2: {  	[smem:$0x3F97] =	sst lr;
	_ =	strace $0xD0000000  }
0x3: {  	_ = 	snop  }
0x4: {  	_ = 	snop  }
0x5: {  	_ = 	snop  }
0x6: {  	_ = 	snop  }
0x7: {  	_ = 	snop  }
__scs_overlays_trampoline_lowered:
0x8: {  	[smem:$0x3FA6] =	sst s0  }
0x9: {  	[smem:$0x3FA7] =	sst s1  }
0xa: {  	[smem:$0x3FA8] =	sst s2  }
0xb: {  	[smem:$0x3FA9] =	sst s3  }
0xc: {  	[smem:$0x3FAA] =	sst s4  }
0xd: {  	[smem:$0x3FAB] =	sst s5  }
0xe: {  	[smem:$0x3FAC] =	sst s6  }
0xf: {  	[smem:$0x3FAD] =	sst s7  }
0x10: {  	[smem:$0x3FAE] =	sst s8  }
0x11: {  	[smem:$0x3FAF] =	sst s9;
	s0 =	simm.s32 @!p0 $0x0  }
0x12: {  	s1 =	sld [smem:$0x3F95];
	s0 =	simm.s32 @p0 $0x1  }
0x13: {  	[smem:$0x3FB0] =	sst s0;
	s0 =	simm.s32 @!p1 $0x0  }
0x14: {  	s2 =	sld [smem:$0x3F94];
	s0 =	simm.s32 @p1 $0x1  }
0x15: {  	[smem:$0x3FB1] =	sst s0;
	s0 =	simm.s32 @!p2 $0x0  }
0x16: {  	s3 =	sld [smem:$0x3FDB];
	s0 =	simm.s32 @p2 $0x1  }
0x17: {  	s4 =	simm.s32 $0x1BF5;
	[smem:$0x3FB3] =	sst s0  }
0x18: {  	s0 =	sld [smem:$0x3F96];
	_ =	swait.ge [sflag:s4], $0x0  }
0x19: {  	s7 =	sld [smem:$0x3F97]  }
0x1a: {  	s8 =	sadd.s32 $0xFFFFE003, lr  }
0x1b: {  	s9 =	sadd.s32 $0xFFFFFEF7, lr;
	s5 =	simm.s32 $0xFFFFFFFF;
	p2 =	slt.u32 s8, $0xFFFFF086  }
0x1c: {  	p1 =	slt.u32 s9, $0xF7A;
	s5 =	simm.s32 @!p2 $0x0  }
0x1d: {  	s5 =	simm.s32 @p1 $0x1;
	p0 =	seq.s32 s7, s2  }
0x1e: {  	s7 =	smul.u32 @!p0 $0xF7A, s2;
	p2 =	seq.s32 @!p0 s5, $0x0  }
0x1f: {  	s9 =	smul.u32 $0xF7A, s1;
	s8 =	simm.s32 @!p0 $0x1BF5;
	p2 =	por !p2, p0  }
0x20: {  	[sflag:s8] =	ssyncset.s32 @!p0 $0xFFFFF086;
	s6 =	sadd.s32 @!p0 s3, s7;
	s7 =	simm.s32 @!p0 $0x108  }
0x21: {  	s3 =	sadd.s32 s3, s9;
	s6 =	sadd.s32 @!p0 $0x88, s6;
	s7 =	simm.s32 @p2 $0x1082  }
0x22: {  	[simem:s7], [sflag:s8] =	dma.local @!p0 [hbm:s6], $0xF7A  }
0x23: {  	s9 =	sor.u32 $0xD0000000, s2;
	s6 =	simm.s32 $0x108;
	_ =	swait.ge @!p0 [sflag:s8], $0x0  }
0x24: {  	s3 =	sadd.s32 $0x88, s3;
	s6 =	simm.s32 @!p1 $0x1082;
	[sflag:s4] =	ssyncset.s32 $0xFFFFF086  }
0x25: {  	[simem:s6], [sflag:s4] =	dma.local [hbm:s3], $0xF7A  }
0x26: {  	[smem:$0x3F97] =	sst s1;
	(tag) =	ssettag s2;
	_ =	strace s9  }
0x27: {  	s1 =	sld [smem:$0x3FA7]  }
0x28: {  	s2 =	sld [smem:$0x3FA8]  }
0x29: {  	s4 =	sld [smem:$0x3FAA]  }
0x2a: {  	p0 =	seq.s32 s5, $0x0;
	s5 =	sld [smem:$0x3FAB]  }
0x2b: {  	s6 =	sld [smem:$0x3FAC]  }
0x2c: {  	s7 =	sld [smem:$0x3FAD]  }
0x2d: {  	s3 =	simm.s32 $0x108;
	s8 =	sld [smem:$0x3FAE]  }
0x2e: {  	s3 =	simm.s32 @!p0 $0x1082;
	s9 =	sld [smem:$0x3FAF]  }
0x2f: {  	lr =	sadd.s32 s0, s3;
	s0 =	sld [smem:$0x3FA6]  }
0x30: {  	s3 =	sld [smem:$0x3FA9]  }
0x31: {  	[smem:$0x3FB2] =	sst s10  }
0x32: {  	s10 =	sld [smem:$0x3FB0];
	_ =	sdelay $0x3  }
0x33: {  	p0 =	seq.s32 s10, $0x1;
	s10 =	sld [smem:$0x3FB2];
	_ =	sdelay $0x3  }
0x34: {  	[smem:$0x3FB2] =	sst s10  }
0x35: {  	s10 =	sld [smem:$0x3FB1];
	_ =	sdelay $0x3  }
0x36: {  	p1 =	seq.s32 s10, $0x1;
	s10 =	sld [smem:$0x3FB2];
	_ =	sdelay $0x3  }
0x37: {  	[smem:$0x3FB2] =	sst s10  }
0x38: {  	s10 =	sld [smem:$0x3FB3]  }
0x39: {  	_ = 	snop;
	(pc) =	sbr.ind lr, $3  }
0x3a: {  	_ = 	snop  }
0x3b: {  	_ = 	snop  }
0x3c: {  	p2 =	seq.s32 s10, $0x1;
	s10 =	sld [smem:$0x3FB2]  }
0x3d: {  	_ =	shalt  }
0x3e: {  	_ =	shalt  }
0x3f: {  	_ =	shalt  }
0x40: {  	_ =	shalt  }
0x41: {  	_ =	shalt  }
0x42: {  	_ =	shalt  }
0x43: {  	_ =	shalt  }
0x44: {  	_ =	shalt  }
0x45: {  	_ =	shalt  }
0x46: {  	_ =	shalt  }
0x47: {  	_ =	shalt  }
0x48: {  	_ =	shalt  }
0x49: {  	_ =	shalt  }
0x4a: {  	_ =	shalt  }
0x4b: {  	_ =	shalt  }
0x4c: {  	_ =	shalt  }
0x4d: {  	_ =	shalt  }
0x4e: {  	_ =	shalt  }
0x4f: {  	_ =	shalt  }
0x50: {  	_ =	shalt  }
0x51: {  	_ =	shalt  }
0x52: {  	_ =	shalt  }
0x53: {  	_ =	shalt  }
0x54: {  	_ =	shalt  }
0x55: {  	_ =	shalt  }
0x56: {  	_ =	shalt  }
0x57: {  	_ =	shalt  }
0x58: {  	_ =	shalt  }
0x59: {  	_ =	shalt  }
0x5a: {  	_ =	shalt  }
0x5b: {  	_ =	shalt  }
0x5c: {  	_ =	shalt  }
0x5d: {  	_ =	shalt  }
0x5e: {  	_ =	shalt  }
0x5f: {  	_ =	shalt  }
0x60: {  	_ =	shalt  }
0x61: {  	_ =	shalt  }
0x62: {  	_ =	shalt  }
0x63: {  	_ =	shalt  }
0x64: {  	_ =	shalt  }
0x65: {  	_ =	shalt  }
0x66: {  	_ =	shalt  }
0x67: {  	_ =	shalt  }
0x68: {  	_ =	shalt  }
0x69: {  	_ =	shalt  }
0x6a: {  	_ =	shalt  }
0x6b: {  	_ =	shalt  }
0x6c: {  	_ =	shalt  }
0x6d: {  	_ =	shalt  }
0x6e: {  	_ =	shalt  }
0x6f: {  	_ =	shalt  }
0x70: {  	_ =	shalt  }
0x71: {  	_ =	shalt  }
0x72: {  	_ =	shalt  }
0x73: {  	_ =	shalt  }
0x74: {  	_ =	shalt  }
0x75: {  	_ =	shalt  }
0x76: {  	_ =	shalt  }
0x77: {  	_ =	shalt  }
0x78: {  	_ =	shalt  }
0x79: {  	_ =	shalt  }
0x7a: {  	_ =	shalt  }
0x7b: {  	_ =	shalt  }
0x7c: {  	_ =	shalt  }
0x7d: {  	_ =	shalt  }
0x7e: {  	_ =	shalt  }
0x7f: {  	_ =	shalt  }
0x80: {  	_ =	shalt  }
0x81: {  	_ =	shalt  }
0x82: {  	_ =	shalt  }
0x83: {  	_ =	shalt  }
0x84: {  	_ =	shalt  }
0x85: {  	_ =	shalt  }
0x86: {  	_ =	shalt  }
0x87: {  	_ =	shalt  }
.Lfunc_end0:
.L_simem_size_0:
called_computation.1_lowered:
.L_overlay_start_0:
0x88: {  	s2 =	sld [smem:$0x3FD9]  }
0x89: {  	s3 =	sld [smem:$0x3FFE];
	_ =	sdelay $0x1  }
0x8a: {  	s1 =	srdreg.scid  }
0x8b: {  	s0 =	sand.u32 $0x1, s1  }
0x8c: {  	s16 =	sshll.u32 s0, $0xA;
	s2 =	sadd.s32 s3, s2  }
0x8d: {  	s2 =	sadd.s32 s2, s16  }
0x8e: {  	[smem:$0x3FBE] =	sst s2  }
0x8f: {  	_ = 	snop  }
0x90: {  	(tm) =	ssettm $0x1  }
0x91: {  	s17 =	sld [smem:$0x3FFB];
	_ =	sdelay $0x3  }
0x92: {  	_ =	strace s17  }
0x93: {  	s2 =	sld [smem:$0x3FFC];
	_ =	sdelay $0x3  }
0x94: {  	_ =	strace s2  }
0x95: {  	s2 =	sld [smem:$0x3FFD];
	_ =	sdelay $0x3  }
0x96: {  	_ =	strace s2  }
0x97: {  	_ =	strace $0x8FFFFFFF  }
0x98: {  	s18 =	sld [smem:$0x3FDB];
	_ =	sdelay $0x1  }
0x99: {  	s19 =	simm.s32 $_scs_section_size  }
0x9a: {  	s4 =	simm.s32 $_size__tile_overlayer_lowered;
	s5 =	simm.s32 $_tile_overlayer_lowered  }
0x9b: {  	s22 =	simm.s32 $0x1BFF;
	s21 =	sshll.u32 s5, $0x1;
	s2 =	sadd.s32 s19, s18  }
0x9c: {  	s6 =	simm.s32 $0x0;
	s20 =	sshll.u32 s4, $0x1;
	s4 =	sadd.s32 s21, s2  }
0x9d: {  	[timem:s6], [sflag:s22] =	dma.local [hbm:s4], s20  }
0x9e: {  	_ =	swait.ge [sflag:s22], s20  }
0x9f: {  	s3 =	ssub.s32 $0x0, s20;
	[sflag:s22] =	ssyncset.done $0x0  }
0xa0: {  	[sflag:s22] =	ssyncadd.s32 s3;
	_ =	sdelay $0x1  }
0xa1: {  	s23 =	simm.s32 $0x1B8B  }
0xa2: {  	_ =	swait.ge [sflag:s23], $0x1  }
0xa3: {  	[sflag:s23] =	ssyncset.done $0x0  }
0xa4: {  	s25 =	simm.s32 $0x1B8E;
	s24 =	sld [smem:$0x3FFE];
	[sflag:s23] =	ssyncadd.s32 $0xFFFFFFFF  }
0xa5: {  	s26 =	simm.s32 $execute0_lowered;
	[smem:$0x3FD2] =	sst s25  }
0xa6: {  	s4 =	sshll.u32 s26, $0x1;
	_ =	strace $0x80000049;
	[dreg:$0x1] =	wrdreg $0xFFFFFFFF  }
0xa7: {  	s28 =	simm.s32 $_size_execute0_lowered;
	s2 =	sadd.s32 s2, s4;
	[dreg:$0x0] =	wrdreg $0x0  }
0xa8: {  	s4 =	sshll.u32 s28, $0x1;
	[dreg:$0x2] =	wrdreg s2  }
0xa9: {  	[dreg:$0x3] =	wrdreg s4  }
0xaa: {  	[dreg:$0x4] =	wrdreg $0xC0  }
0xab: {  	_ =	task [dreg:s6], $0x5FFFF  }
0xac: {  	[dreg:$0x1] =	wrdreg $0xFFFFFFFF  }
0xad: {  	[dreg:$0x0] =	wrdreg $0x60  }
0xae: {  	[dreg:$0x2] =	wrdreg s24  }
0xaf: {  	[dreg:$0x3] =	wrdreg $0x0  }
0xb0: {  	[dreg:$0x4] =	wrdreg $0x9  }
0xb1: {  	_ =	task.clear_ibuf [dreg:s6], $0x5FFFF;
	_ =	strace $0x90000049  }
0xb2: {  	s29 =	simm.s32 $0x9;
	_ =	strace $0x8000004B  }
0xb3: {  	_ =	swait.ge [sflag:s29], $0x1  }
0xb4: {  	[sflag:s29] =	ssyncadd.s32 $0xFFFFFFFF  }
0xb5: {  	_ =	strace $0x9000004B  }
0xb6: {  	_ =	sfence  }
0xb7: {  	s30 =	sld [smem:$0x0];
	_ =	sdelay $0x2  }
0xb8: {  	s31 =	sshll.u32 s1, $0xD;
	s1 =	sshrl.u32 s1, $0x2  }
0xb9: {  	s3 =	sand.u32 $0x4000, s31;
	s1 =	sadd.s32 s1, s30  }
0xba: {  	s0 =	sor.u32 s3, s0;
	s1 =	sshll.u32 s1, $0x11  }
0xbb: {  	s0 =	sor.u32 s1, s0  }
0xbc: {  	s0 =	sadd.s32 $0x8F2B, s0  }
0xbd: {  	[sflag:s0] =	ssyncadd.remote.s32 $0x1  }
0xbe: {  	_ =	sfence.sel $0xFFFF  }
0xbf: {  	[dreg:$0x0] =	wrdreg $0xFFFFFFFF;
	(pc) =	sbr.abs _section_cstart, $3  }
0xc0: {  	[dreg:$0x1] =	wrdreg $0xFFFFFFFF  }
0xc1: {  	_ =	task.clear_ibuf [dreg:s6], $0x2FFFF;
	_ =	strace $0x9FFFFFFF  }
0xc2: {  	(tm) =	ssettm $0x7FFFFFFF  }
0xc3: {  	_ =	shalt  }
tec
execute0_lowered:
.L_overlay_start_1:
0x0: {  	(tag) =	ssettag $0x1  }
0x1: {  	s0 =	rddreg [dreg:$0x0]  }
0x2: {  	s1 =	rddreg [dreg:$0x1];
	s2 =	simm.s32 $0x0  }
0x3: {  	s18 =	srdreg.scid;
	s14 =	stileid.u32;
	s17 =	simm.s32 $0x80  }
0x4: {  	s28 =	simm.s32 $0x166C0;
	s29 =	simm.s32 $0x1A500;
	s30 =	simm.s32 $0x1A580  }
0x5: {  	s31 =	simm.s32 $0x0;
	[smem:$0x7FF] =	sst s2;
	s4 =	sadd.s32 $0x75C00, s0  }
0x6: {  	s2 =	sand.u32 $0x1, s18;
	s3 =	sadd.s32 $0x62000, s0;
	s8 =	smul.u32 $0x50000, s14  }
0x7: {  	s5 =	sshll.u32 s14, $0xB;
	s19 =	smul.u32 $0x280, s14;
	s9 =	sshrl.u32 s14, $0x3  }
0x8: {  	s24 =	sshll.u32 s14, $0x7;
	s26 =	sshll.u32 s14, $0x6;
	s14 =	simm.s32 $0x3  }
0x9: {  	s18 =	simm.s32 $0x400;
	_ =	strace $0x8000004A;
	s21 =	smul.u32 $0x2800, s2  }
0xa: {  	s6 =	ssub.s32 $0x2, s2;
	s5 =	sadd.s32 s5, s0;
	s9 =	smul.u32 $0x13C00, s9  }
0xb: {  	s0 =	sadd.s32 $0x115C00, s0;
	s23 =	smul.u32 $0x27800, s2;
	s2 =	sor.u32 $0x2, s2  }
0xc: {  	s13 =	sand.u32 $0x380, s24;
	s15 =	sor.u32 $0x1C03, s26;
	s24 =	simm.s32 $0x1  }
0xd: {  	s26 =	simm.s32 $0x1A480;
	s7 =	sshrl.u32 s6, $0x1;
	s11 =	smul.u32 $0x27800, s2  }
0xe: {  	s20 =	sshrl.u32 s8, $0x2;
	s5 =	sadd.s32 $0x5A000, s5;
	s2 =	smul.u32 $0x2800, s2  }
0xf: {  	s12 =	ssub.s32 s6, s7;
	[dreg:$0x3] =	wrdreg s5;
	s16 =	sadd.s32 s20, s1  }
0x10: {  	s22 =	sadd.s32 s19, s21;
	s8 =	sadd.s32 s23, s9;
	s20 =	simm.s32 $0x50  }
0x11: {  	s21 =	simm.s32 $0x1A780;
	s23 =	simm.s32 $0x1CF80;
	s10 =	sshll.u32 s22, $0x4  }
0x12: {  	s8 =	sor.u32 s13, s8;
	s9 =	sadd.s32 s9, s11;
	s2 =	sadd.s32 s19, s2  }
0x13: {  	s12 =	smax.u32 s12, $0x1;
	s16 =	sshrl.u32 s16, $0x3;
	s19 =	simm.s32 $0x14000  }
0x14: {  	s22 =	simm.s32 $0x14050;
	s6 =	sadd.s32 s4, s10;
	s8 =	sshrl.u32 s8, $0x3  }
0x15: {  	s9 =	sor.u32 s13, s9;
	s2 =	sshll.u32 s2, $0x4;
	s7 =	sadd.s32 s3, s8  }
0x16: {  	s25 =	sshrl.u32 s9, $0x3;
	s8 =	sadd.s32 s0, s10;
	s9 =	sadd.s32 s4, s2  }
0x17: {  	s11 =	sadd.s32 s0, s2;
	s10 =	sadd.s32 s3, s25;
	s25 =	simm.s32 $0x2  }
.LBB2_1:
0x18: {  	s0 =	simm.s32 $0x0;
	s2 =	rddreg [dreg:$0x3];
	s3 =	simm.s32 $0x16780  }
0x19: {  	[tilespmem:s3], [sflag:$0x3] =	stream.linear.gather [hbm4b:s2+s0], $0x3E80, $0x38;
	[tilespmem:$0x1F780] =	vst v63  }
0x1a: {  	_ =	swait.ge [sflag:s14], $0x3E80  }
0x1b: {  	[sflag:s14] =	ssyncset.done $0x0  }
0x1c: {  	[sflag:s14] =	ssyncadd.s32 $0xFFFFC180  }
0x1d: {  	[spmem:s16], [sflag:s15] =	dma.local [hbm:s6], $0x2800  }
0x1e: {  	_ =	swait.ge [sflag:s14], $0x2800  }
0x1f: {  	[sflag:s14] =	ssyncset.done $0x0  }
0x20: {  	[sflag:s14] =	ssyncadd.s32 $0xFFFFD800  }
0x21: {  	[tilespmem:s19], [sflag:$0x3] =	stream.strided.gather [hbm4b:s7+s17], $0x2780, s18, s17, $0x38;
	[tilespmem:$0x1F780] =	vst v63  }
0x22: {  	_ =	swait.ge [sflag:s14], $0x2780  }
0x23: {  	[sflag:s14] =	ssyncset.done $0x0  }
0x24: {  	[sflag:s14] =	ssyncadd.s32 $0xFFFFD880  }
0x25: {  	[bflag:$0x0] =	sbarrier.arrive $0xFFFF  }
0x26: {  	[tilespmem:s21], [sflag:$0x1] =	stream.indirect.gather [hbm4b:s4+s20], $0x80, s19, s20, $0xb8;
	[tilespmem:$0x1F780] =	vst v63  }
0x27: {  	_ = 	snop  }
0x28: {  	[tilespmem:s23], [sflag:$0x2] =	stream.indirect.gather [hbm4b:s4+s20], $0x80, s22, s20, $0xb8;
	[tilespmem:$0x1F780] =	vst v63  }
0x29: {  	_ =	swait.ge [sflag:s24], $0x2800  }
0x2a: {  	[sflag:s24] =	ssyncset.done $0x0  }
0x2b: {  	s3 =	simm.s32 $0x16780;
	[sflag:s24] =	ssyncadd.s32 $0xFFFFD800  }
0x2c: {  	[spmem:s1] =	stream.indirect.scatter.add.f32 [tilespmem:s21], [sflag:$0x3], $0x80, s3, s20, $0xb8;
	[tilespmem:$0x1F780] =	vst v63  }
0x2d: {  	_ =	swait.ge [sflag:s14], $0x2800  }
0x2e: {  	[sflag:s14] =	ssyncset.done $0x0  }
0x2f: {  	s5 =	simm.s32 $0x140A0;
	[sflag:s14] =	ssyncadd.s32 $0xFFFFD800  }
0x30: {  	[tilespmem:s21], [sflag:$0x1] =	stream.indirect.gather [hbm4b:s4+s20], $0x80, s5, s20, $0xb8;
	[tilespmem:$0x1F780] =	vst v63  }
0x31: {  	_ =	swait.ge [sflag:s25], $0x2800  }
0x32: {  	[sflag:s25] =	ssyncset.done $0x0  }
0x33: {  	s13 =	simm.s32 $0x16800;
	[sflag:s25] =	ssyncadd.s32 $0xFFFFD800  }
0x34: {  	[spmem:s1] =	stream.indirect.scatter.add.f32 [tilespmem:s23], [sflag:$0x3], $0x80, s13, s20, $0xb8;
	[tilespmem:$0x1F780] =	vst v63  }
0x35: {  	_ =	swait.ge [sflag:s14], $0x2800  }
0x36: {  	s0 =	simm.s32 $0x140F0;
	[sflag:s14] =	ssyncset.done $0x0  }
0x37: {  	s2 =	simm.s32 $0x14190;
	s3 =	simm.s32 $0x400;
	[sflag:s14] =	ssyncadd.s32 $0xFFFFD800  }
.LBB2_2:
0x38: {  	[tilespmem:s23], [sflag:$0x2] =	stream.indirect.gather [hbm4b:s4+s20], $0x80, s0, s20, $0xb8;
	[tilespmem:$0x1F780] =	vst v63  }
0x39: {  	s13 =	smov.u32 s3;
	s0 =	smov.u32 s2  }
0x3a: {  	p0 =	sne.s32 s3, $0xF000;
	s3 =	sadd.s32 $0x400, s3;
	_ =	swait.ge [sflag:s24], $0x2800  }
0x3b: {  	s13 =	sshra.s32 s13, $0x2;
	[sflag:s24] =	ssyncset.done $0x0  }
0x3c: {  	s5 =	sadd.s32 $0x16780, s13;
	[sflag:s24] =	ssyncadd.s32 $0xFFFFD800  }
0x3d: {  	[spmem:s1] =	stream.indirect.scatter.add.f32 [tilespmem:s21], [sflag:$0x3], $0x80, s5, s20, $0xb8;
	[tilespmem:$0x1F780] =	vst v63  }
0x3e: {  	_ =	swait.ge [sflag:s14], $0x2800  }
0x3f: {  	[sflag:s14] =	ssyncset.done $0x0  }
0x40: {  	s5 =	sadd.s32 $0xFFFFFFB0, s2;
	[sflag:s14] =	ssyncadd.s32 $0xFFFFD800  }
0x41: {  	[tilespmem:s21], [sflag:$0x1] =	stream.indirect.gather [hbm4b:s4+s20], $0x80, s5, s20, $0xb8;
	[tilespmem:$0x1F780] =	vst v63  }
0x42: {  	_ =	swait.ge [sflag:s25], $0x2800  }
0x43: {  	[sflag:s25] =	ssyncset.done $0x0  }
.Ltmp0:
0x44: {  	s5 =	sadd.s32 $0x16800, s13;
	[sflag:s25] =	ssyncadd.s32 $0xFFFFD800;
	(pc) =	sbr.rel @p0 .LBB2_2-.Ltmp0, $4  }
0x45: {  	[spmem:s1] =	stream.indirect.scatter.add.f32 [tilespmem:s23], [sflag:$0x3], $0x80, s5, s20, $0xb8;
	[tilespmem:$0x1F780] =	vst v63  }
0x46: {  	_ =	swait.ge [sflag:s14], $0x2800  }
0x47: {  	[sflag:s14] =	ssyncset.done $0x0  }
0x48: {  	s2 =	sadd.s32 $0xA0, s2;
	[sflag:s14] =	ssyncadd.s32 $0xFFFFD800  }
0x49: {  	[tilespmem:s23], [sflag:$0x2] =	stream.indirect.gather [hbm4b:s4+s20], $0x80, s0, s20, $0xb8;
	[tilespmem:$0x1F780] =	vst v63  }
0x4a: {  	_ =	swait.ge [sflag:s24], $0x2800  }
0x4b: {  	[sflag:s24] =	ssyncset.done $0x0  }
0x4c: {  	[sflag:s24] =	ssyncadd.s32 $0xFFFFD800  }
0x4d: {  	[spmem:s1] =	stream.indirect.scatter.add.f32 [tilespmem:s21], [sflag:$0x3], $0x80, s26, s20, $0xb8;
	[tilespmem:$0x1F780] =	vst v63  }
0x4e: {  	_ =	swait.ge [sflag:s14], $0x2800  }
0x4f: {  	[sflag:s14] =	ssyncset.done $0x0  }
0x50: {  	[sflag:s14] =	ssyncadd.s32 $0xFFFFD800  }
0x51: {  	[tilespmem:s21], [sflag:$0x1] =	stream.indirect.gather [hbm4b:s4+s20], $0x80, s28, s20, $0xb8;
	[tilespmem:$0x1F780] =	vst v63  }
0x52: {  	_ =	swait.ge [sflag:s25], $0x2800  }
0x53: {  	[sflag:s25] =	ssyncset.done $0x0  }
0x54: {  	[sflag:s25] =	ssyncadd.s32 $0xFFFFD800  }
0x55: {  	[spmem:s1] =	stream.indirect.scatter.add.f32 [tilespmem:s23], [sflag:$0x3], $0x80, s29, s20, $0xb8;
	[tilespmem:$0x1F780] =	vst v63  }
0x56: {  	_ =	swait.ge [sflag:s14], $0x2800  }
0x57: {  	[sflag:s14] =	ssyncset.done $0x0  }
0x58: {  	[sflag:s14] =	ssyncadd.s32 $0xFFFFD800  }
0x59: {  	_ =	swait.ge [sflag:s24], $0x2800  }
0x5a: {  	[sflag:s24] =	ssyncset.done $0x0  }
0x5b: {  	[sflag:s24] =	ssyncadd.s32 $0xFFFFD800  }
0x5c: {  	[spmem:s1] =	stream.indirect.scatter.add.f32 [tilespmem:s21], [sflag:$0x3], $0x80, s30, s20, $0xb8;
	[tilespmem:$0x1F780] =	vst v63  }
0x5d: {  	_ =	swait.ge [sflag:s14], $0x2800  }
0x5e: {  	[sflag:s14] =	ssyncset.done $0x0  }
0x5f: {  	[sflag:s14] =	ssyncadd.s32 $0xFFFFD800  }
0x60: {  	[bflag:$0x0] =	sbarrier.arrive $0xFFFF  }
0x61: {  	[hbm:s8], [sflag:s15] =	dma.local [spmem:s16], $0x2800  }
0x62: {  	_ =	swait.ge [sflag:s14], $0x2800  }
0x63: {  	[sflag:s14] =	ssyncset.done $0x0  }
0x64: {  	[sflag:s14] =	ssyncadd.s32 $0xFFFFD800  }
0x65: {  	[spmem:s16], [sflag:s15] =	dma.local [hbm:s9], $0x2800  }
0x66: {  	_ =	swait.ge [sflag:s14], $0x2800  }
0x67: {  	[sflag:s14] =	ssyncset.done $0x0  }
0x68: {  	[sflag:s14] =	ssyncadd.s32 $0xFFFFD800  }
0x69: {  	[tilespmem:s19], [sflag:$0x3] =	stream.strided.gather [hbm4b:s10+s17], $0x2780, s18, s17, $0x38;
	[tilespmem:$0x1F780] =	vst v63  }
0x6a: {  	_ =	swait.ge [sflag:s14], $0x2780  }
0x6b: {  	[sflag:s14] =	ssyncset.done $0x0  }
0x6c: {  	[sflag:s14] =	ssyncadd.s32 $0xFFFFD880  }
0x6d: {  	[bflag:$0x0] =	sbarrier.arrive $0xFFFF  }
0x6e: {  	[tilespmem:s21], [sflag:$0x1] =	stream.indirect.gather [hbm4b:s4+s20], $0x80, s19, s20, $0xb8;
	[tilespmem:$0x1F780] =	vst v63  }
0x6f: {  	_ = 	snop  }
0x70: {  	[tilespmem:s23], [sflag:$0x2] =	stream.indirect.gather [hbm4b:s4+s20], $0x80, s22, s20, $0xb8;
	[tilespmem:$0x1F780] =	vst v63  }
0x71: {  	_ =	swait.ge [sflag:s24], $0x2800  }
0x72: {  	[sflag:s24] =	ssyncset.done $0x0  }
0x73: {  	s3 =	simm.s32 $0x16780;
	[sflag:s24] =	ssyncadd.s32 $0xFFFFD800  }
0x74: {  	[spmem:s1] =	stream.indirect.scatter.add.f32 [tilespmem:s21], [sflag:$0x3], $0x80, s3, s20, $0xb8;
	[tilespmem:$0x1F780] =	vst v63  }
0x75: {  	_ =	swait.ge [sflag:s14], $0x2800  }
0x76: {  	[sflag:s14] =	ssyncset.done $0x0  }
0x77: {  	s5 =	simm.s32 $0x140A0;
	[sflag:s14] =	ssyncadd.s32 $0xFFFFD800  }
0x78: {  	[tilespmem:s21], [sflag:$0x1] =	stream.indirect.gather [hbm4b:s4+s20], $0x80, s5, s20, $0xb8;
	[tilespmem:$0x1F780] =	vst v63  }
0x79: {  	_ =	swait.ge [sflag:s25], $0x2800  }
0x7a: {  	[sflag:s25] =	ssyncset.done $0x0  }
0x7b: {  	s13 =	simm.s32 $0x16800;
	[sflag:s25] =	ssyncadd.s32 $0xFFFFD800  }
0x7c: {  	[spmem:s1] =	stream.indirect.scatter.add.f32 [tilespmem:s23], [sflag:$0x3], $0x80, s13, s20, $0xb8;
	[tilespmem:$0x1F780] =	vst v63  }
0x7d: {  	_ =	swait.ge [sflag:s14], $0x2800  }
0x7e: {  	s0 =	simm.s32 $0x140F0;
	[sflag:s14] =	ssyncset.done $0x0  }
0x7f: {  	s2 =	simm.s32 $0x14190;
	s3 =	simm.s32 $0x400;
	[sflag:s14] =	ssyncadd.s32 $0xFFFFD800  }
.LBB2_4:
0x80: {  	[tilespmem:s23], [sflag:$0x2] =	stream.indirect.gather [hbm4b:s4+s20], $0x80, s0, s20, $0xb8;
	[tilespmem:$0x1F780] =	vst v63  }
0x81: {  	s5 =	smov.u32 s3;
	s0 =	smov.u32 s2  }
0x82: {  	p0 =	sne.s32 s3, $0xF000;
	s3 =	sadd.s32 $0x400, s3;
	_ =	swait.ge [sflag:s24], $0x2800  }
0x83: {  	s5 =	sshra.s32 s5, $0x2;
	[sflag:s24] =	ssyncset.done $0x0  }
0x84: {  	s13 =	sadd.s32 $0x16780, s5;
	[sflag:s24] =	ssyncadd.s32 $0xFFFFD800  }
0x85: {  	[spmem:s1] =	stream.indirect.scatter.add.f32 [tilespmem:s21], [sflag:$0x3], $0x80, s13, s20, $0xb8;
	[tilespmem:$0x1F780] =	vst v63  }
0x86: {  	_ =	swait.ge [sflag:s14], $0x2800  }
0x87: {  	[sflag:s14] =	ssyncset.done $0x0  }
0x88: {  	s13 =	sadd.s32 $0xFFFFFFB0, s2;
	[sflag:s14] =	ssyncadd.s32 $0xFFFFD800  }
0x89: {  	[tilespmem:s21], [sflag:$0x1] =	stream.indirect.gather [hbm4b:s4+s20], $0x80, s13, s20, $0xb8;
	[tilespmem:$0x1F780] =	vst v63  }
0x8a: {  	_ =	swait.ge [sflag:s25], $0x2800  }
0x8b: {  	[sflag:s25] =	ssyncset.done $0x0  }
.Ltmp1:
0x8c: {  	s5 =	sadd.s32 $0x16800, s5;
	[sflag:s25] =	ssyncadd.s32 $0xFFFFD800;
	(pc) =	sbr.rel @p0 .LBB2_4-.Ltmp1, $4  }
0x8d: {  	[spmem:s1] =	stream.indirect.scatter.add.f32 [tilespmem:s23], [sflag:$0x3], $0x80, s5, s20, $0xb8;
	[tilespmem:$0x1F780] =	vst v63  }
0x8e: {  	_ =	swait.ge [sflag:s14], $0x2800  }
0x8f: {  	[sflag:s14] =	ssyncset.done $0x0  }
0x90: {  	s2 =	sadd.s32 $0xA0, s2;
	[sflag:s14] =	ssyncadd.s32 $0xFFFFD800  }
0x91: {  	[tilespmem:s23], [sflag:$0x2] =	stream.indirect.gather [hbm4b:s4+s20], $0x80, s0, s20, $0xb8;
	[tilespmem:$0x1F780] =	vst v63  }
0x92: {  	_ =	swait.ge [sflag:s24], $0x2800  }
0x93: {  	[sflag:s24] =	ssyncset.done $0x0  }
0x94: {  	[sflag:s24] =	ssyncadd.s32 $0xFFFFD800  }
0x95: {  	[spmem:s1] =	stream.indirect.scatter.add.f32 [tilespmem:s21], [sflag:$0x3], $0x80, s26, s20, $0xb8;
	[tilespmem:$0x1F780] =	vst v63  }
0x96: {  	_ =	swait.ge [sflag:s14], $0x2800  }
0x97: {  	[sflag:s14] =	ssyncset.done $0x0  }
0x98: {  	[sflag:s14] =	ssyncadd.s32 $0xFFFFD800  }
0x99: {  	[tilespmem:s21], [sflag:$0x1] =	stream.indirect.gather [hbm4b:s4+s20], $0x80, s28, s20, $0xb8;
	[tilespmem:$0x1F780] =	vst v63  }
0x9a: {  	_ =	swait.ge [sflag:s25], $0x2800  }
0x9b: {  	[sflag:s25] =	ssyncset.done $0x0  }
0x9c: {  	[sflag:s25] =	ssyncadd.s32 $0xFFFFD800  }
0x9d: {  	[spmem:s1] =	stream.indirect.scatter.add.f32 [tilespmem:s23], [sflag:$0x3], $0x80, s29, s20, $0xb8;
	[tilespmem:$0x1F780] =	vst v63  }
0x9e: {  	_ =	swait.ge [sflag:s14], $0x2800  }
0x9f: {  	[sflag:s14] =	ssyncset.done $0x0  }
0xa0: {  	[sflag:s14] =	ssyncadd.s32 $0xFFFFD800  }
0xa1: {  	_ =	swait.ge [sflag:s24], $0x2800  }
0xa2: {  	[sflag:s24] =	ssyncset.done $0x0  }
0xa3: {  	[sflag:s24] =	ssyncadd.s32 $0xFFFFD800  }
0xa4: {  	[spmem:s1] =	stream.indirect.scatter.add.f32 [tilespmem:s21], [sflag:$0x3], $0x80, s30, s20, $0xb8;
	[tilespmem:$0x1F780] =	vst v63  }
0xa5: {  	_ =	swait.ge [sflag:s14], $0x2800  }
0xa6: {  	s31 =	sadd.s32 $0x1, s31;
	[sflag:s14] =	ssyncset.done $0x0  }
0xa7: {  	p0 =	sne.s32 s31, s12;
	[sflag:s14] =	ssyncadd.s32 $0xFFFFD800  }
.Ltmp2:
0xa8: {  	[bflag:$0x0] =	sbarrier.arrive $0xFFFF;
	(pc) =	sbr.rel @p0 .LBB2_1-.Ltmp2, $4  }
0xa9: {  	[hbm:s11], [sflag:s15] =	dma.local [spmem:s16], $0x2800  }
0xaa: {  	_ =	swait.ge [sflag:s14], $0x2800  }
0xab: {  	[sflag:s14] =	ssyncset.done $0x0  }
0xac: {  	[sflag:s14] =	ssyncadd.s32 $0xFFFFD800  }
0xad: {  	_ =	sfence.sel $0x180000  }
0xae: {  	[bflag:$0x0] =	sbarrier.arrive $0xFFFF  }
0xaf: {  	_ =	strace $0x9000004A  }
0xb0: {  	s0 =	stileid.u32;
	[bflag:$0x2] =	sbarrier.arrive $0xFFFF  }
0xb1: {  	p0 =	sne.s32 s0, $0x0;
	s0 =	rddreg [dreg:$0x2]  }
0xb2: {  	s0 =	sadd.s32 @!p0 $0x100000, s0  }
0xb3: {  	[sflag:s0] =	ssyncadd.tile.s32 @!p0 $0x1;
	_ =	shalt  }
.Lfunc_end2:
_tile_overlayer_lowered:
.L_overlay_start_2:
0xb4: {  	(tag) =	ssettag $0x2  }
0xb5: {  	s0 =	rddreg [dreg:$0x0];
	s2 =	stileid.u32  }
0xb6: {  	s1 =	rddreg [dreg:$0x1];
	p0 =	sne.s32 s2, $0x0  }
0xb7: {  	s3 =	rddreg [dreg:$0x2];
	[bflag:$0x3] =	sbarrier.arrive $0xFFFF;
	s2 =	simm.s32 @!p0 $0x1C03  }
0xb8: {  	[timem:s3], [sflag:s2] =	dma.local @!p0 [hbm:s0], s1  }
0xb9: {  	s0 =	simm.s32 @!p0 $0x3  }
0xba: {  	_ =	swait.ge @!p0 [sflag:s0], s1  }
0xbb: {  	s1 =	ssub.s32 @!p0 $0x0, s1;
	[sflag:s0] =	ssyncset.done @!p0 $0x0  }
0xbc: {  	[sflag:s0] =	ssyncadd.s32 @!p0 s1  }
0xbd: {  	[bflag:$0x3] =	sbarrier.arrive $0xFFFF  }
0xbe: {  	_ =	shalt  }

// kernel: kernel.16.cloned.1.call-start
scs
__scs_entry_jumppad:
0x0: {  	(pc) =	sbr.rel $0x88, $3  }
0x1: {  	(tag) =	ssettag $0x0;
	lr =	simm.s32 $0x1  }
0x2: {  	[smem:$0x3F97] =	sst lr;
	_ =	strace $0xD0000000  }
0x3: {  	_ = 	snop  }
0x4: {  	_ = 	snop  }
0x5: {  	_ = 	snop  }
0x6: {  	_ = 	snop  }
0x7: {  	_ = 	snop  }
__scs_overlays_trampoline_lowered:
0x8: {  	[smem:$0x3FA6] =	sst s0  }
0x9: {  	[smem:$0x3FA7] =	sst s1  }
0xa: {  	[smem:$0x3FA8] =	sst s2  }
0xb: {  	[smem:$0x3FA9] =	sst s3  }
0xc: {  	[smem:$0x3FAA] =	sst s4  }
0xd: {  	[smem:$0x3FAB] =	sst s5  }
0xe: {  	[smem:$0x3FAC] =	sst s6  }
0xf: {  	[smem:$0x3FAD] =	sst s7  }
0x10: {  	[smem:$0x3FAE] =	sst s8  }
0x11: {  	[smem:$0x3FAF] =	sst s9;
	s0 =	simm.s32 @!p0 $0x0  }
0x12: {  	s1 =	sld [smem:$0x3F95];
	s0 =	simm.s32 @p0 $0x1  }
0x13: {  	[smem:$0x3FB0] =	sst s0;
	s0 =	simm.s32 @!p1 $0x0  }
0x14: {  	s2 =	sld [smem:$0x3F94];
	s0 =	simm.s32 @p1 $0x1  }
0x15: {  	[smem:$0x3FB1] =	sst s0;
	s0 =	simm.s32 @!p2 $0x0  }
0x16: {  	s3 =	sld [smem:$0x3FDB];
	s0 =	simm.s32 @p2 $0x1  }
0x17: {  	s4 =	simm.s32 $0x1BF5;
	[smem:$0x3FB3] =	sst s0  }
0x18: {  	s0 =	sld [smem:$0x3F96];
	_ =	swait.ge [sflag:s4], $0x0  }
0x19: {  	s7 =	sld [smem:$0x3F97]  }
0x1a: {  	s8 =	sadd.s32 $0xFFFFE003, lr  }
0x1b: {  	s9 =	sadd.s32 $0xFFFFFEF7, lr;
	s5 =	simm.s32 $0xFFFFFFFF;
	p2 =	slt.u32 s8, $0xFFFFF086  }
0x1c: {  	p1 =	slt.u32 s9, $0xF7A;
	s5 =	simm.s32 @!p2 $0x0  }
0x1d: {  	s5 =	simm.s32 @p1 $0x1;
	p0 =	seq.s32 s7, s2  }
0x1e: {  	s7 =	smul.u32 @!p0 $0xF7A, s2;
	p2 =	seq.s32 @!p0 s5, $0x0  }
0x1f: {  	s9 =	smul.u32 $0xF7A, s1;
	s8 =	simm.s32 @!p0 $0x1BF5;
	p2 =	por !p2, p0  }
0x20: {  	[sflag:s8] =	ssyncset.s32 @!p0 $0xFFFFF086;
	s6 =	sadd.s32 @!p0 s3, s7;
	s7 =	simm.s32 @!p0 $0x108  }
0x21: {  	s3 =	sadd.s32 s3, s9;
	s6 =	sadd.s32 @!p0 $0x88, s6;
	s7 =	simm.s32 @p2 $0x1082  }
0x22: {  	[simem:s7], [sflag:s8] =	dma.local @!p0 [hbm:s6], $0xF7A  }
0x23: {  	s9 =	sor.u32 $0xD0000000, s2;
	s6 =	simm.s32 $0x108;
	_ =	swait.ge @!p0 [sflag:s8], $0x0  }
0x24: {  	s3 =	sadd.s32 $0x88, s3;
	s6 =	simm.s32 @!p1 $0x1082;
	[sflag:s4] =	ssyncset.s32 $0xFFFFF086  }
0x25: {  	[simem:s6], [sflag:s4] =	dma.local [hbm:s3], $0xF7A  }
0x26: {  	[smem:$0x3F97] =	sst s1;
	(tag) =	ssettag s2;
	_ =	strace s9  }
0x27: {  	s1 =	sld [smem:$0x3FA7]  }
0x28: {  	s2 =	sld [smem:$0x3FA8]  }
0x29: {  	s4 =	sld [smem:$0x3FAA]  }
0x2a: {  	p0 =	seq.s32 s5, $0x0;
	s5 =	sld [smem:$0x3FAB]  }
0x2b: {  	s6 =	sld [smem:$0x3FAC]  }
0x2c: {  	s7 =	sld [smem:$0x3FAD]  }
0x2d: {  	s3 =	simm.s32 $0x108;
	s8 =	sld [smem:$0x3FAE]  }
0x2e: {  	s3 =	simm.s32 @!p0 $0x1082;
	s9 =	sld [smem:$0x3FAF]  }
0x2f: {  	lr =	sadd.s32 s0, s3;
	s0 =	sld [smem:$0x3FA6]  }
0x30: {  	s3 =	sld [smem:$0x3FA9]  }
0x31: {  	[smem:$0x3FB2] =	sst s10  }
0x32: {  	s10 =	sld [smem:$0x3FB0];
	_ =	sdelay $0x3  }
0x33: {  	p0 =	seq.s32 s10, $0x1;
	s10 =	sld [smem:$0x3FB2];
	_ =	sdelay $0x3  }
0x34: {  	[smem:$0x3FB2] =	sst s10  }
0x35: {  	s10 =	sld [smem:$0x3FB1];
	_ =	sdelay $0x3  }
0x36: {  	p1 =	seq.s32 s10, $0x1;
	s10 =	sld [smem:$0x3FB2];
	_ =	sdelay $0x3  }
0x37: {  	[smem:$0x3FB2] =	sst s10  }
0x38: {  	s10 =	sld [smem:$0x3FB3]  }
0x39: {  	_ = 	snop;
	(pc) =	sbr.ind lr, $3  }
0x3a: {  	_ = 	snop  }
0x3b: {  	_ = 	snop  }
0x3c: {  	p2 =	seq.s32 s10, $0x1;
	s10 =	sld [smem:$0x3FB2]  }
0x3d: {  	_ =	shalt  }
0x3e: {  	_ =	shalt  }
0x3f: {  	_ =	shalt  }
0x40: {  	_ =	shalt  }
0x41: {  	_ =	shalt  }
0x42: {  	_ =	shalt  }
0x43: {  	_ =	shalt  }
0x44: {  	_ =	shalt  }
0x45: {  	_ =	shalt  }
0x46: {  	_ =	shalt  }
0x47: {  	_ =	shalt  }
0x48: {  	_ =	shalt  }
0x49: {  	_ =	shalt  }
0x4a: {  	_ =	shalt  }
0x4b: {  	_ =	shalt  }
0x4c: {  	_ =	shalt  }
0x4d: {  	_ =	shalt  }
0x4e: {  	_ =	shalt  }
0x4f: {  	_ =	shalt  }
0x50: {  	_ =	shalt  }
0x51: {  	_ =	shalt  }
0x52: {  	_ =	shalt  }
0x53: {  	_ =	shalt  }
0x54: {  	_ =	shalt  }
0x55: {  	_ =	shalt  }
0x56: {  	_ =	shalt  }
0x57: {  	_ =	shalt  }
0x58: {  	_ =	shalt  }
0x59: {  	_ =	shalt  }
0x5a: {  	_ =	shalt  }
0x5b: {  	_ =	shalt  }
0x5c: {  	_ =	shalt  }
0x5d: {  	_ =	shalt  }
0x5e: {  	_ =	shalt  }
0x5f: {  	_ =	shalt  }
0x60: {  	_ =	shalt  }
0x61: {  	_ =	shalt  }
0x62: {  	_ =	shalt  }
0x63: {  	_ =	shalt  }
0x64: {  	_ =	shalt  }
0x65: {  	_ =	shalt  }
0x66: {  	_ =	shalt  }
0x67: {  	_ =	shalt  }
0x68: {  	_ =	shalt  }
0x69: {  	_ =	shalt  }
0x6a: {  	_ =	shalt  }
0x6b: {  	_ =	shalt  }
0x6c: {  	_ =	shalt  }
0x6d: {  	_ =	shalt  }
0x6e: {  	_ =	shalt  }
0x6f: {  	_ =	shalt  }
0x70: {  	_ =	shalt  }
0x71: {  	_ =	shalt  }
0x72: {  	_ =	shalt  }
0x73: {  	_ =	shalt  }
0x74: {  	_ =	shalt  }
0x75: {  	_ =	shalt  }
0x76: {  	_ =	shalt  }
0x77: {  	_ =	shalt  }
0x78: {  	_ =	shalt  }
0x79: {  	_ =	shalt  }
0x7a: {  	_ =	shalt  }
0x7b: {  	_ =	shalt  }
0x7c: {  	_ =	shalt  }
0x7d: {  	_ =	shalt  }
0x7e: {  	_ =	shalt  }
0x7f: {  	_ =	shalt  }
0x80: {  	_ =	shalt  }
0x81: {  	_ =	shalt  }
0x82: {  	_ =	shalt  }
0x83: {  	_ =	shalt  }
0x84: {  	_ =	shalt  }
0x85: {  	_ =	shalt  }
0x86: {  	_ =	shalt  }
0x87: {  	_ =	shalt  }
.Lfunc_end0:
.L_simem_size_0:
called_computation.2_lowered:
.L_overlay_start_0:
0x88: {  	s2 =	sld [smem:$0x3FD9]  }
0x89: {  	s3 =	sld [smem:$0x3FFE];
	_ =	sdelay $0x1  }
0x8a: {  	s1 =	srdreg.scid  }
0x8b: {  	s0 =	sand.u32 $0x1, s1  }
0x8c: {  	s16 =	sshll.u32 s0, $0xA;
	s2 =	sadd.s32 s3, s2  }
0x8d: {  	s2 =	sadd.s32 s2, s16  }
0x8e: {  	[smem:$0x3FBE] =	sst s2  }
0x8f: {  	_ = 	snop  }
0x90: {  	(tm) =	ssettm $0x1  }
0x91: {  	s17 =	sld [smem:$0x3FFB];
	_ =	sdelay $0x3  }
0x92: {  	_ =	strace s17  }
0x93: {  	s2 =	sld [smem:$0x3FFC];
	_ =	sdelay $0x3  }
0x94: {  	_ =	strace s2  }
0x95: {  	s2 =	sld [smem:$0x3FFD];
	_ =	sdelay $0x3  }
0x96: {  	_ =	strace s2  }
0x97: {  	_ =	strace $0x8FFFFFFF  }
0x98: {  	s18 =	sld [smem:$0x3FDB];
	_ =	sdelay $0x1  }
0x99: {  	s19 =	simm.s32 $_scs_section_size  }
0x9a: {  	s4 =	simm.s32 $_size__tile_overlayer_lowered;
	s5 =	simm.s32 $_tile_overlayer_lowered  }
0x9b: {  	s22 =	simm.s32 $0x1BFF;
	s21 =	sshll.u32 s5, $0x1;
	s2 =	sadd.s32 s19, s18  }
0x9c: {  	s6 =	simm.s32 $0x0;
	s20 =	sshll.u32 s4, $0x1;
	s4 =	sadd.s32 s21, s2  }
0x9d: {  	[timem:s6], [sflag:s22] =	dma.local [hbm:s4], s20  }
0x9e: {  	_ =	swait.ge [sflag:s22], s20  }
0x9f: {  	s3 =	ssub.s32 $0x0, s20;
	[sflag:s22] =	ssyncset.done $0x0  }
0xa0: {  	[sflag:s22] =	ssyncadd.s32 s3;
	_ =	sdelay $0x1  }
0xa1: {  	s23 =	simm.s32 $0x1B8B  }
0xa2: {  	_ =	swait.ge [sflag:s23], $0x1  }
0xa3: {  	[sflag:s23] =	ssyncset.done $0x0  }
0xa4: {  	s25 =	simm.s32 $0x1B8E;
	s24 =	sld [smem:$0x3FFE];
	[sflag:s23] =	ssyncadd.s32 $0xFFFFFFFF  }
0xa5: {  	s26 =	simm.s32 $execute0_lowered;
	[smem:$0x3FD2] =	sst s25  }
0xa6: {  	s4 =	sshll.u32 s26, $0x1;
	_ =	strace $0x8000004C;
	[dreg:$0x1] =	wrdreg $0xFFFFFFFF  }
0xa7: {  	s28 =	simm.s32 $_size_execute0_lowered;
	s2 =	sadd.s32 s2, s4;
	[dreg:$0x0] =	wrdreg $0x0  }
0xa8: {  	s4 =	sshll.u32 s28, $0x1;
	[dreg:$0x2] =	wrdreg s2  }
0xa9: {  	[dreg:$0x3] =	wrdreg s4  }
0xaa: {  	[dreg:$0x4] =	wrdreg $0xC0  }
0xab: {  	_ =	task [dreg:s6], $0x5FFFF  }
0xac: {  	[dreg:$0x1] =	wrdreg $0xFFFFFFFF  }
0xad: {  	[dreg:$0x0] =	wrdreg $0x60  }
0xae: {  	[dreg:$0x2] =	wrdreg s24  }
0xaf: {  	[dreg:$0x3] =	wrdreg $0x0  }
0xb0: {  	[dreg:$0x4] =	wrdreg $0x9  }
0xb1: {  	_ =	task.clear_ibuf [dreg:s6], $0x5FFFF;
	_ =	strace $0x9000004C  }
0xb2: {  	s29 =	simm.s32 $0x9;
	_ =	strace $0x8000004E  }
0xb3: {  	_ =	swait.ge [sflag:s29], $0x1  }
0xb4: {  	[sflag:s29] =	ssyncadd.s32 $0xFFFFFFFF  }
0xb5: {  	_ =	strace $0x9000004E  }
0xb6: {  	_ =	sfence  }
0xb7: {  	s30 =	sld [smem:$0x0];
	_ =	sdelay $0x2  }
0xb8: {  	s31 =	sshll.u32 s1, $0xD;
	s1 =	sshrl.u32 s1, $0x2  }
0xb9: {  	s3 =	sand.u32 $0x4000, s31;
	s1 =	sadd.s32 s1, s30  }
0xba: {  	s0 =	sor.u32 s3, s0;
	s1 =	sshll.u32 s1, $0x11  }
0xbb: {  	s0 =	sor.u32 s1, s0  }
0xbc: {  	s0 =	sadd.s32 $0x8F2B, s0  }
0xbd: {  	[sflag:s0] =	ssyncadd.remote.s32 $0x1  }
0xbe: {  	_ =	sfence.sel $0xFFFF  }
0xbf: {  	[dreg:$0x0] =	wrdreg $0xFFFFFFFF;
	(pc) =	sbr.abs _section_cstart, $3  }
0xc0: {  	[dreg:$0x1] =	wrdreg $0xFFFFFFFF  }
0xc1: {  	_ =	task.clear_ibuf [dreg:s6], $0x2FFFF;
	_ =	strace $0x9FFFFFFF  }
0xc2: {  	(tm) =	ssettm $0x7FFFFFFF  }
0xc3: {  	_ =	shalt  }
tec
execute0_lowered:
.L_overlay_start_1:
0x0: {  	(tag) =	ssettag $0x1  }
0x1: {  	s1 =	srdreg.scid;
	s6 =	rddreg [dreg:$0x0]  }
0x2: {  	s0 =	stileid.u32;
	s2 =	rddreg [dreg:$0x1]  }
0x3: {  	s3 =	simm.s32 $0x0;
	s14 =	simm.s32 $0x80;
	s15 =	simm.s32 $0x400  }
0x4: {  	s16 =	simm.s32 $0x14000;
	s17 =	simm.s32 $0x50;
	s18 =	simm.s32 $0x1A780  }
0x5: {  	s19 =	simm.s32 $0x14050;
	s20 =	simm.s32 $0x1CF80;
	s21 =	simm.s32 $0x1  }
0x6: {  	s22 =	simm.s32 $0x2;
	s28 =	simm.s32 $0x0;
	s9 =	smul.u32 $0x280, s0  }
0x7: {  	s5 =	sand.u32 $0x1, s1;
	s23 =	sshrl.u32 s0, $0x3;
	s26 =	smul.u32 $0x50000, s0  }
0x8: {  	s8 =	sshll.u32 s0, $0x7;
	[smem:$0x7FF] =	sst s3;
	s4 =	smul.u32 $0x27800, s5  }
0x9: {  	s10 =	sshll.u32 s0, $0xB;
	s31 =	sshll.u32 s0, $0x6;
	s7 =	smul.u32 $0x13C00, s23  }
0xa: {  	s24 =	sand.u32 $0x380, s8;
	s25 =	smul.u32 $0x2800, s5;
	_ =	strace $0x8000004D  }
0xb: {  	s5 =	ssub.s32 $0x2, s5;
	s10 =	sadd.s32 s10, s6;
	s23 =	simm.s32 $0x1A480  }
0xc: {  	s29 =	sshrl.u32 s5, $0x1;
	s30 =	sshrl.u32 s26, $0x2;
	s26 =	simm.s32 $0x1A580  }
0xd: {  	s4 =	sadd.s32 s4, s7;
	s8 =	sadd.s32 s9, s25;
	s12 =	ssub.s32 s5, s29  }
0xe: {  	s5 =	sadd.s32 $0x5A000, s10;
	s13 =	sadd.s32 s30, s2;
	s10 =	simm.s32 $0x16780  }
0xf: {  	s25 =	simm.s32 $0x1A500;
	s7 =	sor.u32 s24, s4;
	s4 =	sadd.s32 $0x62000, s6  }
0x10: {  	s8 =	sshll.u32 s8, $0x4;
	s9 =	smax.u32 s12, $0x1;
	s12 =	sor.u32 $0x1C03, s31  }
0x11: {  	s13 =	sshrl.u32 s13, $0x3;
	s24 =	simm.s32 $0x166C0;
	s7 =	sshrl.u32 s7, $0x3  }
0x12: {  	s11 =	sadd.s32 s8, s6;
	s7 =	sadd.s32 s7, s6;
	s6 =	sadd.s32 s4, s8  }
0x13: {  	s8 =	sadd.s32 $0xB2000, s11;
	s11 =	simm.s32 $0x3;
	s7 =	sadd.s32 $0x2800, s7  }
.LBB2_1:
0x14: {  	[tilespmem:s10], [sflag:$0x3] =	stream.linear.gather [hbm4b:s5+s3], $0x3E80, $0x38;
	[tilespmem:$0x1F780] =	vst v63  }
0x15: {  	_ =	swait.ge [sflag:s11], $0x3E80  }
0x16: {  	[sflag:s11] =	ssyncset.done $0x0  }
0x17: {  	[sflag:s11] =	ssyncadd.s32 $0xFFFFC180  }
0x18: {  	[spmem:s13], [sflag:s12] =	dma.local [hbm:s6], $0x2800  }
0x19: {  	_ =	swait.ge [sflag:s11], $0x2800  }
0x1a: {  	[sflag:s11] =	ssyncset.done $0x0  }
0x1b: {  	[sflag:s11] =	ssyncadd.s32 $0xFFFFD800  }
0x1c: {  	[tilespmem:s16], [sflag:$0x3] =	stream.strided.gather [hbm4b:s7+s14], $0x2780, s15, s14, $0x38;
	[tilespmem:$0x1F780] =	vst v63  }
0x1d: {  	_ =	swait.ge [sflag:s11], $0x2780  }
0x1e: {  	[sflag:s11] =	ssyncset.done $0x0  }
0x1f: {  	[sflag:s11] =	ssyncadd.s32 $0xFFFFD880  }
0x20: {  	[bflag:$0x0] =	sbarrier.arrive $0xFFFF  }
0x21: {  	[tilespmem:s18], [sflag:$0x1] =	stream.indirect.gather [hbm4b:s4+s17], $0x80, s16, s17, $0xb8;
	[tilespmem:$0x1F780] =	vst v63  }
0x22: {  	_ = 	snop  }
0x23: {  	[tilespmem:s20], [sflag:$0x2] =	stream.indirect.gather [hbm4b:s4+s17], $0x80, s19, s17, $0xb8;
	[tilespmem:$0x1F780] =	vst v63  }
0x24: {  	_ =	swait.ge [sflag:s21], $0x2800  }
0x25: {  	[sflag:s21] =	ssyncset.done $0x0  }
0x26: {  	s29 =	simm.s32 $0x16780;
	[sflag:s21] =	ssyncadd.s32 $0xFFFFD800  }
0x27: {  	[spmem:s2] =	stream.indirect.scatter.add.f32 [tilespmem:s18], [sflag:$0x3], $0x80, s29, s17, $0xb8;
	[tilespmem:$0x1F780] =	vst v63  }
0x28: {  	_ =	swait.ge [sflag:s11], $0x2800  }
0x29: {  	[sflag:s11] =	ssyncset.done $0x0  }
0x2a: {  	s29 =	simm.s32 $0x140A0;
	[sflag:s11] =	ssyncadd.s32 $0xFFFFD800  }
0x2b: {  	[tilespmem:s18], [sflag:$0x1] =	stream.indirect.gather [hbm4b:s4+s17], $0x80, s29, s17, $0xb8;
	[tilespmem:$0x1F780] =	vst v63  }
0x2c: {  	_ =	swait.ge [sflag:s22], $0x2800  }
0x2d: {  	[sflag:s22] =	ssyncset.done $0x0  }
0x2e: {  	s29 =	simm.s32 $0x16800;
	[sflag:s22] =	ssyncadd.s32 $0xFFFFD800  }
0x2f: {  	[spmem:s2] =	stream.indirect.scatter.add.f32 [tilespmem:s20], [sflag:$0x3], $0x80, s29, s17, $0xb8;
	[tilespmem:$0x1F780] =	vst v63  }
0x30: {  	_ =	swait.ge [sflag:s11], $0x2800  }
0x31: {  	s30 =	simm.s32 $0x400;
	[sflag:s11] =	ssyncset.done $0x0  }
0x32: {  	s31 =	simm.s32 $0x14190;
	s29 =	simm.s32 $0x140F0;
	[sflag:s11] =	ssyncadd.s32 $0xFFFFD800  }
.LBB2_2:
0x33: {  	[tilespmem:s20], [sflag:$0x2] =	stream.indirect.gather [hbm4b:s4+s17], $0x80, s29, s17, $0xb8;
	[tilespmem:$0x1F780] =	vst v63  }
0x34: {  	s1 =	smov.u32 s30;
	s29 =	smov.u32 s31  }
0x35: {  	p0 =	sne.s32 s30, $0xF000;
	s30 =	sadd.s32 $0x400, s30;
	_ =	swait.ge [sflag:s21], $0x2800  }
0x36: {  	s1 =	sshra.s32 s1, $0x2;
	[sflag:s21] =	ssyncset.done $0x0  }
0x37: {  	s0 =	sadd.s32 $0x16780, s1;
	[sflag:s21] =	ssyncadd.s32 $0xFFFFD800  }
0x38: {  	[spmem:s2] =	stream.indirect.scatter.add.f32 [tilespmem:s18], [sflag:$0x3], $0x80, s0, s17, $0xb8;
	[tilespmem:$0x1F780] =	vst v63  }
0x39: {  	_ =	swait.ge [sflag:s11], $0x2800  }
0x3a: {  	[sflag:s11] =	ssyncset.done $0x0  }
0x3b: {  	s0 =	sadd.s32 $0xFFFFFFB0, s31;
	[sflag:s11] =	ssyncadd.s32 $0xFFFFD800  }
0x3c: {  	[tilespmem:s18], [sflag:$0x1] =	stream.indirect.gather [hbm4b:s4+s17], $0x80, s0, s17, $0xb8;
	[tilespmem:$0x1F780] =	vst v63  }
0x3d: {  	_ =	swait.ge [sflag:s22], $0x2800  }
0x3e: {  	[sflag:s22] =	ssyncset.done $0x0  }
.Ltmp0:
0x3f: {  	s0 =	sadd.s32 $0x16800, s1;
	[sflag:s22] =	ssyncadd.s32 $0xFFFFD800;
	(pc) =	sbr.rel @p0 .LBB2_2-.Ltmp0, $4  }
0x40: {  	[spmem:s2] =	stream.indirect.scatter.add.f32 [tilespmem:s20], [sflag:$0x3], $0x80, s0, s17, $0xb8;
	[tilespmem:$0x1F780] =	vst v63  }
0x41: {  	_ =	swait.ge [sflag:s11], $0x2800  }
0x42: {  	[sflag:s11] =	ssyncset.done $0x0  }
0x43: {  	s31 =	sadd.s32 $0xA0, s31;
	[sflag:s11] =	ssyncadd.s32 $0xFFFFD800  }
0x44: {  	[tilespmem:s20], [sflag:$0x2] =	stream.indirect.gather [hbm4b:s4+s17], $0x80, s29, s17, $0xb8;
	[tilespmem:$0x1F780] =	vst v63  }
0x45: {  	_ =	swait.ge [sflag:s21], $0x2800  }
0x46: {  	[sflag:s21] =	ssyncset.done $0x0  }
0x47: {  	[sflag:s21] =	ssyncadd.s32 $0xFFFFD800  }
0x48: {  	[spmem:s2] =	stream.indirect.scatter.add.f32 [tilespmem:s18], [sflag:$0x3], $0x80, s23, s17, $0xb8;
	[tilespmem:$0x1F780] =	vst v63  }
0x49: {  	_ =	swait.ge [sflag:s11], $0x2800  }
0x4a: {  	[sflag:s11] =	ssyncset.done $0x0  }
0x4b: {  	[sflag:s11] =	ssyncadd.s32 $0xFFFFD800  }
0x4c: {  	[tilespmem:s18], [sflag:$0x1] =	stream.indirect.gather [hbm4b:s4+s17], $0x80, s24, s17, $0xb8;
	[tilespmem:$0x1F780] =	vst v63  }
0x4d: {  	_ =	swait.ge [sflag:s22], $0x2800  }
0x4e: {  	[sflag:s22] =	ssyncset.done $0x0  }
0x4f: {  	[sflag:s22] =	ssyncadd.s32 $0xFFFFD800  }
0x50: {  	[spmem:s2] =	stream.indirect.scatter.add.f32 [tilespmem:s20], [sflag:$0x3], $0x80, s25, s17, $0xb8;
	[tilespmem:$0x1F780] =	vst v63  }
0x51: {  	_ =	swait.ge [sflag:s11], $0x2800  }
0x52: {  	[sflag:s11] =	ssyncset.done $0x0  }
0x53: {  	[sflag:s11] =	ssyncadd.s32 $0xFFFFD800  }
0x54: {  	_ =	swait.ge [sflag:s21], $0x2800  }
0x55: {  	[sflag:s21] =	ssyncset.done $0x0  }
0x56: {  	[sflag:s21] =	ssyncadd.s32 $0xFFFFD800  }
0x57: {  	[spmem:s2] =	stream.indirect.scatter.add.f32 [tilespmem:s18], [sflag:$0x3], $0x80, s26, s17, $0xb8;
	[tilespmem:$0x1F780] =	vst v63  }
0x58: {  	_ =	swait.ge [sflag:s11], $0x2800  }
0x59: {  	s28 =	sadd.s32 $0x1, s28;
	[sflag:s11] =	ssyncset.done $0x0  }
0x5a: {  	p0 =	sne.s32 s28, s9;
	[sflag:s11] =	ssyncadd.s32 $0xFFFFD800  }
.Ltmp1:
0x5b: {  	[bflag:$0x0] =	sbarrier.arrive $0xFFFF;
	(pc) =	sbr.rel @p0 .LBB2_1-.Ltmp1, $4  }
0x5c: {  	[hbm:s8], [sflag:s12] =	dma.local [spmem:s13], $0x2800  }
0x5d: {  	_ =	swait.ge [sflag:s11], $0x2800  }
0x5e: {  	[sflag:s11] =	ssyncset.done $0x0  }
0x5f: {  	[sflag:s11] =	ssyncadd.s32 $0xFFFFD800  }
0x60: {  	_ =	sfence.sel $0x180000  }
0x61: {  	[bflag:$0x0] =	sbarrier.arrive $0xFFFF  }
0x62: {  	_ =	strace $0x9000004D  }
0x63: {  	s0 =	stileid.u32;
	[bflag:$0x2] =	sbarrier.arrive $0xFFFF  }
0x64: {  	p0 =	sne.s32 s0, $0x0;
	s0 =	rddreg [dreg:$0x2]  }
0x65: {  	s0 =	sadd.s32 @!p0 $0x100000, s0  }
0x66: {  	[sflag:s0] =	ssyncadd.tile.s32 @!p0 $0x1;
	_ =	shalt  }
.Lfunc_end2:
_tile_overlayer_lowered:
.L_overlay_start_2:
0x67: {  	(tag) =	ssettag $0x2  }
0x68: {  	s0 =	rddreg [dreg:$0x0];
	s2 =	stileid.u32  }
0x69: {  	s1 =	rddreg [dreg:$0x1];
	p0 =	sne.s32 s2, $0x0  }
0x6a: {  	s3 =	rddreg [dreg:$0x2];
	[bflag:$0x3] =	sbarrier.arrive $0xFFFF;
	s2 =	simm.s32 @!p0 $0x1C03  }
0x6b: {  	[timem:s3], [sflag:s2] =	dma.local @!p0 [hbm:s0], s1  }
0x6c: {  	s0 =	simm.s32 @!p0 $0x3  }
0x6d: {  	_ =	swait.ge @!p0 [sflag:s0], s1  }
0x6e: {  	s1 =	ssub.s32 @!p0 $0x0, s1;
	[sflag:s0] =	ssyncset.done @!p0 $0x0  }
0x6f: {  	[sflag:s0] =	ssyncadd.s32 @!p0 s1  }
0x70: {  	[bflag:$0x3] =	sbarrier.arrive $0xFFFF  }
0x71: {  	_ =	shalt  }

</sc_bundles>
